<compile_context>
chip_gen: v7x
topology: tpu7x:2x2x1
jax: 0.10.2.dev20260603
libtpu: 0.0.44.dev20260713+nightly
codegen_flags: <defaults>
</compile_context>

<pallas_src>
import functools

import jax
import jax.numpy as jnp
from jax import lax
from jax.experimental import pallas as pl
from jax.experimental.pallas import tpu as pltpu
from jax.experimental.pallas import tpu_sc as plsc

NP_ = 10000
NPAD = 10240
C_ = 128
NE = 320000
NC = 2
NS = 16
NW = NC * NS
ROWS = NPAD // NW
CAP = 12288
CAPP = CAP + 416
CHUNK = 32000
LCAP = 1024
K = 128
ACAP = CAP + 352


TC_BLK = 1024


def _tc_feats_body(xs_ref, xd_ref, ws_ref, wd_ref, as_ref, ad_ref,
                   hs_ref, als_ref, ald_ref):
    xs = xs_ref[...]
    h = jnp.dot(xs, ws_ref[...], preferred_element_type=jnp.float32)
    hs_ref[...] = h
    als_ref[...] = lax.dot_general(
        h, as_ref[...], (((1,), (1,)), ((), ())),
        preferred_element_type=jnp.float32)
    wvec = lax.dot_general(
        ad_ref[...], wd_ref[...], (((1,), (1,)), ((), ())),
        preferred_element_type=jnp.float32)
    ald_ref[...] = lax.dot_general(
        xd_ref[...], wvec, (((1,), (1,)), ((), ())),
        preferred_element_type=jnp.float32)


@jax.jit
def _tc_feats(x_src, x_dst, w_src, w_dst, a_src, a_dst):
    nblk = NPAD // TC_BLK
    h_s, al_s, al_d = pl.pallas_call(
        _tc_feats_body,
        grid=(nblk,),
        in_specs=[
            pl.BlockSpec((TC_BLK, C_), lambda i: (i, 0)),
            pl.BlockSpec((TC_BLK, C_), lambda i: (i, 0)),
            pl.BlockSpec((C_, C_), lambda i: (0, 0)),
            pl.BlockSpec((C_, C_), lambda i: (0, 0)),
            pl.BlockSpec((1, C_), lambda i: (0, 0)),
            pl.BlockSpec((1, C_), lambda i: (0, 0)),
        ],
        out_specs=[
            pl.BlockSpec((TC_BLK, C_), lambda i: (i, 0)),
            pl.BlockSpec((TC_BLK, 1), lambda i: (i, 0)),
            pl.BlockSpec((TC_BLK, 1), lambda i: (i, 0)),
        ],
        out_shape=[
            jax.ShapeDtypeStruct((NPAD, C_), jnp.float32),
            jax.ShapeDtypeStruct((NPAD, 1), jnp.float32),
            jax.ShapeDtypeStruct((NPAD, 1), jnp.float32),
        ],
    )(x_src, x_dst, w_src, w_dst, a_src.reshape(1, C_), a_dst.reshape(1, C_))
    return h_s, al_s.reshape(NPAD), al_d.reshape(NPAD)


def _sc_mesh():
    return plsc.VectorSubcoreMesh(
        core_axis_name="c", subcore_axis_name="s",
        num_cores=NC, num_subcores=NS)


def _partition_body(src_hbm, dst_hbm,
                    srcl_hbm, dstl_hbm, cnt_hbm,
                    src_v, dst_v, sreg_v, dreg_v, srcl_v, dstl_v, cnt_v):
    wid = lax.axis_index("s") * NC + lax.axis_index("c")
    lo = wid * ROWS
    lane = lax.iota(jnp.int32, 16)

    region_end = (lane + 1) * LCAP
    trash = 16 * LCAP + lane
    ptrv = lane * LCAP
    for chunk in range(NE // CHUNK):
        pltpu.sync_copy(src_hbm.at[pl.ds(chunk * CHUNK, CHUNK)], src_v)
        pltpu.sync_copy(dst_hbm.at[pl.ds(chunk * CHUNK, CHUNK)], dst_v)

        def scan(j, ptrv):
            d = dst_v[pl.ds(j * 16, 16)]
            s = src_v[pl.ds(j * 16, 16)]
            m = (d >= lo) & (d < lo + ROWS) & (ptrv < region_end)
            pos = jnp.where(m, ptrv, trash)
            plsc.store_scatter(sreg_v, [pos], s)
            plsc.store_scatter(dreg_v, [pos], d - lo)
            return ptrv + m.astype(jnp.int32)

        ptrv = lax.fori_loop(0, CHUNK // 16, scan, ptrv)

    cnts = ptrv - lane * LCAP
    off = jnp.int32(0)
    for l in range(16):
        c = jnp.minimum(cnts[l], CAP - off)

        def cp(j, _):
            srcl_v[pl.ds(off + j * 16, 16)] = sreg_v[pl.ds(l * LCAP + j * 16, 16)]
            dstl_v[pl.ds(off + j * 16, 16)] = dreg_v[pl.ds(l * LCAP + j * 16, 16)]
            return 0

        lax.fori_loop(0, (c + 15) // 16, cp, 0)
        off = off + c

    zeros = jnp.zeros((16,), jnp.int32)
    for j in range(24):
        srcl_v[pl.ds(off + j * 16, 16)] = zeros
        dstl_v[pl.ds(off + j * 16, 16)] = zeros

    cnt_v[...] = jnp.full((16,), off, jnp.int32)
    pltpu.sync_copy(srcl_v, srcl_hbm.at[wid])
    pltpu.sync_copy(dstl_v, dstl_hbm.at[wid])
    pltpu.sync_copy(cnt_v, cnt_hbm.at[wid])


@jax.jit
def _sc_partition(src, dst):
    return pl.kernel(
        _partition_body,
        out_type=[
            jax.ShapeDtypeStruct((NW, CAPP), jnp.int32),
            jax.ShapeDtypeStruct((NW, CAPP), jnp.int32),
            jax.ShapeDtypeStruct((NW, 16), jnp.int32),
        ],
        mesh=_sc_mesh(),
        compiler_params=pltpu.CompilerParams(needs_layout_passes=False),
        scratch_types=[
            pltpu.VMEM((CHUNK,), jnp.int32),
            pltpu.VMEM((CHUNK,), jnp.int32),
            pltpu.VMEM((16 * LCAP + 16,), jnp.int32),
            pltpu.VMEM((16 * LCAP + 16,), jnp.int32),
            pltpu.VMEM((CAPP,), jnp.int32),
            pltpu.VMEM((CAPP,), jnp.int32),
            pltpu.VMEM((16,), jnp.int32),
        ],
    )(src, dst)


def _gat_body(hs_hbm, als_hbm, ald_hbm, srcl_hbm, dstl_hbm, cnt_hbm, b_hbm,
              out_hbm,
              als_v, ald_v, srcl_v, dstl_v, alpha_v, den_v, acc_v,
              stage_a, stage_b, b_v, cnt_v, sem_a, sem_b):
    wid = lax.axis_index("s") * NC + lax.axis_index("c")
    lo = wid * ROWS
    lane = lax.iota(jnp.int32, 16)

    pltpu.sync_copy(als_hbm, als_v)
    pltpu.sync_copy(ald_hbm.at[pl.ds(lo, ROWS)], ald_v)
    pltpu.sync_copy(srcl_hbm.at[wid], srcl_v)
    pltpu.sync_copy(dstl_hbm.at[wid], dstl_v)
    pltpu.sync_copy(cnt_hbm.at[wid], cnt_v)
    pltpu.sync_copy(b_hbm, b_v)
    cnt = cnt_v[pl.ds(0, 16)][0]

    zf = jnp.zeros((16,), jnp.float32)

    with jax.named_scope("zinit"):
        def zden(j, _):
            den_v[pl.ds(j * 16, 16)] = zf
            return 0

        lax.fori_loop(0, ROWS // 16 + 1, zden, 0)

        def zacc(r, _):
            for c in range(C_ // 16):
                acc_v[r, pl.ds(c * 16, 16)] = zf
            return 0

        lax.fori_loop(0, ROWS, zacc, 0)

    nv = (cnt + 15) // 16

    def p1(j, _):
        base = j * 16
        s = srcl_v[pl.ds(base, 16)]
        doff = dstl_v[pl.ds(base, 16)]
        m = (base + lane) < cnt
        als = plsc.load_gather(als_v, [s])
        ald = plsc.load_gather(ald_v, [doff])
        e = als + ald
        e = jnp.where(e > 0, e, 0.2 * e)
        ex = jnp.exp(e)
        alpha_v[pl.ds(base, 16)] = ex
        doff_m = jnp.where(m, doff, ROWS + lane)
        plsc.addupdate_scatter(den_v, [doff_m], ex)
        return 0

    with jax.named_scope("pass1"):
        lax.fori_loop(0, nv, p1, 0)

    def p2(j, _):
        base = j * 16
        doff = dstl_v[pl.ds(base, 16)]
        dval = plsc.load_gather(den_v, [doff])
        m = (base + lane) < cnt
        a = alpha_v[pl.ds(base, 16)] / (dval + 1e-16)
        alpha_v[pl.ds(base, 16)] = jnp.where(m, a, 0.0)
        return 0

    with jax.named_scope("pass2"):
        lax.fori_loop(0, nv, p2, 0)

        for j in range(20):
            alpha_v[pl.ds(nv * 16 + j * 16, 16)] = zf

    nb = jnp.maximum((cnt + K - 1) // K, 1)
    np2 = (nb + 1) // 2
    nbe = 2 * np2

    def start(b, stage, s):
        return pltpu.async_copy(
            hs_hbm.at[srcl_v.at[pl.ds(b * K, K)]], stage, s)

    def process(b, stage):
        def grp(g, _):
            base = b * K + g * 16
            dv = dstl_v[pl.ds(base, 16)]
            av = alpha_v[pl.ds(base, 16)]
            for i in range(16):
                d = dv[i]
                a = av[i]
                for c in range(C_ // 16):
                    sl = pl.ds(c * 16, 16)
                    plsc.addupdate(acc_v.at[d, sl], a * stage[g * 16 + i, sl])
            return 0

        lax.fori_loop(0, K // 16, grp, 0)

    def wait(b, stage, s):
        pltpu.make_async_copy(
            hs_hbm.at[srcl_v.at[pl.ds(b * K, K)]], stage, s).wait()

    start(0, stage_a, sem_a)

    def p3(p, _):
        wait(2 * p, stage_a, sem_a)
        start(2 * p + 1, stage_b, sem_b)
        process(2 * p, stage_a)
        wait(2 * p + 1, stage_b, sem_b)
        start(jnp.minimum(2 * p + 2, nbe - 2), stage_a, sem_a)
        process(2 * p + 1, stage_b)
        return 0

    with jax.named_scope("pass3"):
        lax.fori_loop(0, np2, p3, 0)
        wait(nbe - 2, stage_a, sem_a)

    def fin(r, _):
        for c in range(C_ // 16):
            sl = pl.ds(c * 16, 16)
            v = acc_v[r, sl] + b_v[sl]
            acc_v[r, sl] = jnp.where(v > 0, v, jnp.exp(v) - 1.0)
        return 0

    with jax.named_scope("fin"):
        lax.fori_loop(0, ROWS, fin, 0)
        pltpu.sync_copy(acc_v, out_hbm.at[pl.ds(lo, ROWS)])


@jax.jit
def _sc_gat(h_s, al_s, al_d, srcl, dstl, cnts, bias):
    return pl.kernel(
        _gat_body,
        out_type=jax.ShapeDtypeStruct((NPAD, C_), jnp.float32),
        mesh=_sc_mesh(),
        compiler_params=pltpu.CompilerParams(needs_layout_passes=False),
        scratch_types=[
            pltpu.VMEM((NPAD,), jnp.float32),
            pltpu.VMEM((ROWS,), jnp.float32),
            pltpu.VMEM((CAPP,), jnp.int32),
            pltpu.VMEM((CAPP,), jnp.int32),
            pltpu.VMEM((ACAP,), jnp.float32),
            pltpu.VMEM((ROWS + 16,), jnp.float32),
            pltpu.VMEM((ROWS, C_), jnp.float32),
            pltpu.VMEM((K, C_), jnp.float32),
            pltpu.VMEM((K, C_), jnp.float32),
            pltpu.VMEM((C_,), jnp.float32),
            pltpu.VMEM((16,), jnp.int32),
            pltpu.SemaphoreType.DMA,
            pltpu.SemaphoreType.DMA,
        ],
    )(h_s, al_s, al_d, srcl, dstl, cnts, bias)


def kernel(x_Person, x_Product, edge_index_viewed, edge_index_rev,
           W_src_0v, W_dst_0v, a_src_0v, a_dst_0v, b_0v,
           W_src_0r, W_dst_0r, a_src_0r, a_dst_0r, b_0r,
           W_src_1v, W_dst_1v, a_src_1v, a_dst_1v, b_1v,
           W_src_1r, W_dst_1r, a_src_1r, a_dst_1r, b_1r):
    pad = ((0, NPAD - NP_), (0, 0))
    hp = jnp.pad(x_Person, pad)
    hpr = jnp.pad(x_Product, pad)

    sv, dv, cv = _sc_partition(edge_index_viewed[0], edge_index_viewed[1])
    sr, dr, cr = _sc_partition(edge_index_rev[0], edge_index_rev[1])

    params = {
        "0v": (W_src_0v, W_dst_0v, a_src_0v, a_dst_0v, b_0v),
        "0r": (W_src_0r, W_dst_0r, a_src_0r, a_dst_0r, b_0r),
        "1v": (W_src_1v, W_dst_1v, a_src_1v, a_dst_1v, b_1v),
        "1r": (W_src_1r, W_dst_1r, a_src_1r, a_dst_1r, b_1r),
    }

    for l in range(2):
        wv, wdv, av, adv, bv = params["%dv" % l]
        wr, wdr, ar, adr, br = params["%dr" % l]
        hs_v, als_v, ald_v = _tc_feats(hp, hpr, wv, wdv, av, adv)
        hs_r, als_r, ald_r = _tc_feats(hpr, hp, wr, wdr, ar, adr)
        out_pr = _sc_gat(hs_v, als_v, ald_v, sv, dv, cv, bv)
        out_p = _sc_gat(hs_r, als_r, ald_r, sr, dr, cr, br)
        hp, hpr = out_p, out_pr

    return hp[:NP_], hpr[:NP_]

# --- scband reference (transcript-rebuilt; emitter-appended) ---
"""Pipeline reference for scband-hetero-gnnlink-predictor-66348654788681 (READ-ONLY COPY).

The authoritative reference and input builder live on the scoring server;
editing this copy changes nothing except your own understanding.
"""

import jax, jax.numpy as jnp
import numpy as np

N_PERSON = 10000
N_PRODUCT = 10000
N_EDGES = 320000
C = 128

def setup_inputs(seed: int = 0):
    key = jax.random.key(seed)
    inp = {}
    inp['x_Person'] = jax.random.normal(jax.random.fold_in(key, 0), (N_PERSON, C), dtype=jnp.float32)
    inp['x_Product'] = jax.random.normal(jax.random.fold_in(key, 1), (N_PRODUCT, C), dtype=jnp.float32)
    inp['edge_index_viewed'] = jax.random.randint(jax.random.fold_in(key, 2), (2, N_EDGES), 0, N_PERSON, dtype=jnp.int32)
    inp['edge_index_rev'] = jax.random.randint(jax.random.fold_in(key, 3), (2, N_EDGES), 0, N_PRODUCT, dtype=jnp.int32)
    s = 1.0 / np.sqrt(C)
    i = 10
    for l in range(2):
        for et in ('v', 'r'):
            inp['W_src_%d%s' % (l, et)] = (jax.random.normal(jax.random.fold_in(key, i), (C, C)) * s).astype(jnp.float32); i += 1
            inp['W_dst_%d%s' % (l, et)] = (jax.random.normal(jax.random.fold_in(key, i), (C, C)) * s).astype(jnp.float32); i += 1
            inp['a_src_%d%s' % (l, et)] = (jax.random.normal(jax.random.fold_in(key, i), (C,)) * s).astype(jnp.float32); i += 1
            inp['a_dst_%d%s' % (l, et)] = (jax.random.normal(jax.random.fold_in(key, i), (C,)) * s).astype(jnp.float32); i += 1
            inp['b_%d%s' % (l, et)] = jnp.zeros((C,), dtype=jnp.float32)
    return inp

def _gat(x_src, x_dst, ei, W_src, W_dst, a_src, a_dst, b, num_dst):
    # PyG GATConv with heads=1, concat=False, add_self_loops=False, eval-mode (no dropout)
    h_s = x_src @ W_src
    h_d = x_dst @ W_dst
    al_s = (h_s * a_src).sum(-1)
    al_d = (h_d * a_dst).sum(-1)
    src = ei[0]
    dst = ei[1]
    e = al_s[src] + al_d[dst]
    e = jnp.where(e > 0, e, 0.2 * e)  # leaky_relu(0.2)
    m = jax.ops.segment_max(e, dst, num_segments=num_dst)
    m = jax.lax.stop_gradient(jnp.where(jnp.isfinite(m), m, 0.0))
    ex = jnp.exp(e - m[dst])
    den = jax.ops.segment_sum(ex, dst, num_segments=num_dst)
    alpha = ex / (den[dst] + 1e-16)
    out = jax.ops.segment_sum(h_s[src] * alpha[:, None], dst, num_segments=num_dst)
    return out + b

def reference(x_Person, x_Product, edge_index_viewed, edge_index_rev,
              W_src_0v, W_dst_0v, a_src_0v, a_dst_0v, b_0v,
              W_src_0r, W_dst_0r, a_src_0r, a_dst_0r, b_0r,
              W_src_1v, W_dst_1v, a_src_1v, a_dst_1v, b_1v,
              W_src_1r, W_dst_1r, a_src_1r, a_dst_1r, b_1r):
    p = {
        'W_src_0v': W_src_0v, 'W_dst_0v': W_dst_0v, 'a_src_0v': a_src_0v, 'a_dst_0v': a_dst_0v, 'b_0v': b_0v,
        'W_src_0r': W_src_0r, 'W_dst_0r': W_dst_0r, 'a_src_0r': a_src_0r, 'a_dst_0r': a_dst_0r, 'b_0r': b_0r,
        'W_src_1v': W_src_1v, 'W_dst_1v': W_dst_1v, 'a_src_1v': a_src_1v, 'a_dst_1v': a_dst_1v, 'b_1v': b_1v,
        'W_src_1r': W_src_1r, 'W_dst_1r': W_dst_1r, 'a_src_1r': a_src_1r, 'a_dst_1r': a_dst_1r, 'b_1r': b_1r,
    }
    hp, hpr = x_Person, x_Product
    for l in range(2):
        out_pr = _gat(hp, hpr, edge_index_viewed, p['W_src_%dv' % l], p['W_dst_%dv' % l], p['a_src_%dv' % l], p['a_dst_%dv' % l], p['b_%dv' % l], N_PRODUCT)
        out_p = _gat(hpr, hp, edge_index_rev, p['W_src_%dr' % l], p['W_dst_%dr' % l], p['a_src_%dr' % l], p['a_dst_%dr' % l], p['b_%dr' % l], N_PERSON)
        hp, hpr = out_p, out_pr
        if l < 1:
            hp = jax.nn.elu(hp)
            hpr = jax.nn.elu(hpr)
    # final_projection is Identity for gat_heads=1, then ELU
    return (jax.nn.elu(hp), jax.nn.elu(hpr))

if __name__ == "__main__":
    import jax
    _d = setup_inputs()
    print(jax.jit(kernel)(*tuple(_d.values())))

</pallas_src>

<mosaic_0001>
#map = affine_map<(d0, d1) -> (0)>
#map1 = affine_map<(d0, d1) -> (0, 0)>
module attributes {stable_mosaic.version = 14 : i64} {
  func.func @_partition_body(%arg0: i32, %arg1: i32, %arg2: memref<320000xi32, #tpu.memory_space<hbm>>, %arg3: memref<320000xi32, #tpu.memory_space<hbm>>, %arg4: memref<32x12704xi32, #tpu.memory_space<hbm>>, %arg5: memref<32x12704xi32, #tpu.memory_space<hbm>>, %arg6: memref<32x16xi32, #tpu.memory_space<hbm>>, %arg7: memref<32000xi32, #tpu.memory_space<vmem>>, %arg8: memref<32000xi32, #tpu.memory_space<vmem>>, %arg9: memref<16400xi32, #tpu.memory_space<vmem>>, %arg10: memref<16400xi32, #tpu.memory_space<vmem>>, %arg11: memref<12704xi32, #tpu.memory_space<vmem>>, %arg12: memref<12704xi32, #tpu.memory_space<vmem>>, %arg13: memref<16xi32, #tpu.memory_space<vmem>>) attributes {dimension_semantics = [#tpu.dimension_semantics<core_parallel>, #tpu.dimension_semantics<subcore_parallel>], iteration_bounds = array<i64: 2, 16>, scalar_prefetch = 0 : i64, scratch_operands = 7 : i64, tpu.core_type = #tpu.core_type<sc_vector_subcore>, window_params = [{transform_indices = #map}, {transform_indices = #map}, {transform_indices = #map1}, {transform_indices = #map1}, {transform_indices = #map1}]} {
    %mul3A = arith.constant 2 : i32
    %mul3A_0 = arith.muli %arg1, %mul3A : i32
    %add3A = arith.addi %mul3A_0, %arg0 : i32
    %mul3A_1 = arith.constant 320 : i32
    %mul3A_2 = arith.muli %add3A, %mul3A_1 : i32
    %iota3A = tpu.iota {dimensions = array<i32: 0>} : vector<16xi32>
    %add3A_3 = arith.constant 1 : i32
    %add3A_4 = vector.broadcast %add3A_3 : i32 to vector<16xi32>
    %add3A_5 = arith.addi %iota3A, %add3A_4 : vector<16xi32>
    %mul3A_6 = arith.constant 1024 : i32
    %mul3A_7 = vector.broadcast %mul3A_6 : i32 to vector<16xi32>
    %mul3A_8 = arith.muli %add3A_5, %mul3A_7 : vector<16xi32>
    %add3A_9 = arith.constant 16384 : i32
    %add3A_10 = vector.broadcast %add3A_9 : i32 to vector<16xi32>
    %add3A_11 = arith.addi %add3A_10, %iota3A : vector<16xi32>
    %mul3A_12 = arith.constant 1024 : i32
    %mul3A_13 = vector.broadcast %mul3A_12 : i32 to vector<16xi32>
    %mul3A_14 = arith.muli %iota3A, %mul3A_13 : vector<16xi32>
    "tpu.region"() ({
      %run_scoped3A = tpu.sem_alloc : memref<!tpu.dma_semaphore, #tpu.memory_space<semaphore_mem>>
      %dma_start3A = arith.constant 0 : i32
      %dma_start3A_968 = tpu.memref_slice %arg2[%dma_start3A] : memref<320000xi32, #tpu.memory_space<hbm>> -> memref<32000xi32, #tpu.memory_space<hbm>>
      %dma_start3A_969 = arith.constant 0 : i32
      %dma_start3A_970 = tpu.memref_slice %arg2[%dma_start3A_969] : memref<320000xi32, #tpu.memory_space<hbm>> -> memref<32000xi32, #tpu.memory_space<hbm>>
      tpu.enqueue_dma source(%dma_start3A_970 : memref<32000xi32, #tpu.memory_space<hbm>>) target(%arg7 : memref<32000xi32, #tpu.memory_space<vmem>>) target_semaphore(%run_scoped3A : memref<!tpu.dma_semaphore, #tpu.memory_space<semaphore_mem>>)
      %dma_wait3A = arith.constant 0 : i32
      %dma_wait3A_971 = tpu.memref_slice %arg2[%dma_wait3A] : memref<320000xi32, #tpu.memory_space<hbm>> -> memref<32000xi32, #tpu.memory_space<hbm>>
      %dma_wait3A_972 = arith.constant 0 : i32
      %dma_wait3A_973 = tpu.memref_slice %arg2[%dma_wait3A_972] : memref<320000xi32, #tpu.memory_space<hbm>> -> memref<32000xi32, #tpu.memory_space<hbm>>
      tpu.wait_dma2 semaphore(%run_scoped3A : memref<!tpu.dma_semaphore, #tpu.memory_space<semaphore_mem>>) src(%dma_wait3A_973 : memref<32000xi32, #tpu.memory_space<hbm>>) dst(%arg7 : memref<32000xi32, #tpu.memory_space<vmem>>)
      tpu.yield
    }) : () -> ()
    "tpu.region"() ({
      %run_scoped3A = tpu.sem_alloc : memref<!tpu.dma_semaphore, #tpu.memory_space<semaphore_mem>>
      %dma_start3A = arith.constant 0 : i32
      %dma_start3A_968 = tpu.memref_slice %arg3[%dma_start3A] : memref<320000xi32, #tpu.memory_space<hbm>> -> memref<32000xi32, #tpu.memory_space<hbm>>
      %dma_start3A_969 = arith.constant 0 : i32
      %dma_start3A_970 = tpu.memref_slice %arg3[%dma_start3A_969] : memref<320000xi32, #tpu.memory_space<hbm>> -> memref<32000xi32, #tpu.memory_space<hbm>>
      tpu.enqueue_dma source(%dma_start3A_970 : memref<32000xi32, #tpu.memory_space<hbm>>) target(%arg8 : memref<32000xi32, #tpu.memory_space<vmem>>) target_semaphore(%run_scoped3A : memref<!tpu.dma_semaphore, #tpu.memory_space<semaphore_mem>>)
      %dma_wait3A = arith.constant 0 : i32
      %dma_wait3A_971 = tpu.memref_slice %arg3[%dma_wait3A] : memref<320000xi32, #tpu.memory_space<hbm>> -> memref<32000xi32, #tpu.memory_space<hbm>>
      %dma_wait3A_972 = arith.constant 0 : i32
      %dma_wait3A_973 = tpu.memref_slice %arg3[%dma_wait3A_972] : memref<320000xi32, #tpu.memory_space<hbm>> -> memref<32000xi32, #tpu.memory_space<hbm>>
      tpu.wait_dma2 semaphore(%run_scoped3A : memref<!tpu.dma_semaphore, #tpu.memory_space<semaphore_mem>>) src(%dma_wait3A_973 : memref<32000xi32, #tpu.memory_space<hbm>>) dst(%arg8 : memref<32000xi32, #tpu.memory_space<vmem>>)
      tpu.yield
    }) : () -> ()
    %scan3A = arith.constant 0 : i32
    %scan3A_15 = arith.constant 2000 : i32
    %scan3A_16 = arith.addi %scan3A, %scan3A_15 : i32
    %scan3A_17 = arith.constant 1 : i32
    %scan3A_18 = scf.for %scan3A_968 = %scan3A to %scan3A_16 step %scan3A_17 iter_args(%scan3A_969 = %mul3A_14) -> (vector<16xi32>)  : i32 {
      %mul3A_970 = arith.constant 16 : i32
      %mul3A_971 = arith.muli %scan3A_968, %mul3A_970 : i32
      %get3A = arith.index_cast %mul3A_971 : i32 to index
      %get3A_972 = tpu.vector_load %arg8[%get3A] {strides = array<i32>} : memref<32000xi32, #tpu.memory_space<vmem>>, vector<16xi32>,
      %mul3A_973 = arith.constant 16 : i32
      %mul3A_974 = arith.muli %scan3A_968, %mul3A_973 : i32
      %get3A_975 = arith.index_cast %mul3A_974 : i32 to index
      %get3A_976 = tpu.vector_load %arg7[%get3A_975] {strides = array<i32>} : memref<32000xi32, #tpu.memory_space<vmem>>, vector<16xi32>,
      %ge3A = vector.broadcast %mul3A_2 : i32 to vector<16xi32>
      %ge3A_977 = arith.cmpi sge, %get3A_972, %ge3A : vector<16xi32>
      %add3A_978 = arith.constant 320 : i32
      %add3A_979 = arith.addi %mul3A_2, %add3A_978 : i32
      %lt3A = vector.broadcast %add3A_979 : i32 to vector<16xi32>
      %lt3A_980 = arith.cmpi slt, %get3A_972, %lt3A : vector<16xi32>
      %and3A_981 = arith.andi %ge3A_977, %lt3A_980 : vector<16xi1>
      %lt3A_982 = arith.cmpi slt, %scan3A_969, %mul3A_8 : vector<16xi32>
      %and3A_983 = arith.andi %and3A_981, %lt3A_982 : vector<16xi1>
      %select_n3A_984 = arith.select %and3A_983, %scan3A_969, %add3A_11 : vector<16xi1>, vector<16xi32>
      tpu.vector_store_idx %arg9[%select_n3A_984], %get3A_976 : memref<16400xi32, #tpu.memory_space<vmem>>[vector<16xi32>], vector<16xi32>,
      %sub3A_985 = vector.broadcast %mul3A_2 : i32 to vector<16xi32>
      %sub3A_986 = arith.subi %get3A_972, %sub3A_985 : vector<16xi32>
      tpu.vector_store_idx %arg10[%select_n3A_984], %sub3A_986 : memref<16400xi32, #tpu.memory_space<vmem>>[vector<16xi32>], vector<16xi32>,
      %convert_element_type3A = arith.extui %and3A_983 : vector<16xi1> to vector<16xi32>
      %add3A_987 = arith.addi %scan3A_969, %convert_element_type3A : vector<16xi32>
      scf.yield %add3A_987 : vector<16xi32>
    }
    %scan3A_19 = arith.constant 2000 : i32
    "tpu.region"() ({
      %run_scoped3A = tpu.sem_alloc : memref<!tpu.dma_semaphore, #tpu.memory_space<semaphore_mem>>
      %dma_start3A = arith.constant 32000 : i32
      %dma_start3A_968 = tpu.memref_slice %arg2[%dma_start3A] : memref<320000xi32, #tpu.memory_space<hbm>> -> memref<32000xi32, #tpu.memory_space<hbm>>
      %dma_start3A_969 = arith.constant 32000 : i32
      %dma_start3A_970 = tpu.memref_slice %arg2[%dma_start3A_969] : memref<320000xi32, #tpu.memory_space<hbm>> -> memref<32000xi32, #tpu.memory_space<hbm>>
      tpu.enqueue_dma source(%dma_start3A_970 : memref<32000xi32, #tpu.memory_space<hbm>>) target(%arg7 : memref<32000xi32, #tpu.memory_space<vmem>>) target_semaphore(%run_scoped3A : memref<!tpu.dma_semaphore, #tpu.memory_space<semaphore_mem>>)
      %dma_wait3A = arith.constant 32000 : i32
      %dma_wait3A_971 = tpu.memref_slice %arg2[%dma_wait3A] : memref<320000xi32, #tpu.memory_space<hbm>> -> memref<32000xi32, #tpu.memory_space<hbm>>
      %dma_wait3A_972 = arith.constant 32000 : i32
      %dma_wait3A_973 = tpu.memref_slice %arg2[%dma_wait3A_972] : memref<320000xi32, #tpu.memory_space<hbm>> -> memref<32000xi32, #tpu.memory_space<hbm>>
      tpu.wait_dma2 semaphore(%run_scoped3A : memref<!tpu.dma_semaphore, #tpu.memory_space<semaphore_mem>>) src(%dma_wait3A_973 : memref<32000xi32, #tpu.memory_space<hbm>>) dst(%arg7 : memref<32000xi32, #tpu.memory_space<vmem>>)
      tpu.yield
    }) : () -> ()
    "tpu.region"() ({
      %run_scoped3A = tpu.sem_alloc : memref<!tpu.dma_semaphore, #tpu.memory_space<semaphore_mem>>
      %dma_start3A = arith.constant 32000 : i32
      %dma_start3A_968 = tpu.memref_slice %arg3[%dma_start3A] : memref<320000xi32, #tpu.memory_space<hbm>> -> memref<32000xi32, #tpu.memory_space<hbm>>
      %dma_start3A_969 = arith.constant 32000 : i32
      %dma_start3A_970 = tpu.memref_slice %arg3[%dma_start3A_969] : memref<320000xi32, #tpu.memory_space<hbm>> -> memref<32000xi32, #tpu.memory_space<hbm>>
      tpu.enqueue_dma source(%dma_start3A_970 : memref<32000xi32, #tpu.memory_space<hbm>>) target(%arg8 : memref<32000xi32, #tpu.memory_space<vmem>>) target_semaphore(%run_scoped3A : memref<!tpu.dma_semaphore, #tpu.memory_space<semaphore_mem>>)
      %dma_wait3A = arith.constant 32000 : i32
      %dma_wait3A_971 = tpu.memref_slice %arg3[%dma_wait3A] : memref<320000xi32, #tpu.memory_space<hbm>> -> memref<32000xi32, #tpu.memory_space<hbm>>
      %dma_wait3A_972 = arith.constant 32000 : i32
      %dma_wait3A_973 = tpu.memref_slice %arg3[%dma_wait3A_972] : memref<320000xi32, #tpu.memory_space<hbm>> -> memref<32000xi32, #tpu.memory_space<hbm>>
      tpu.wait_dma2 semaphore(%run_scoped3A : memref<!tpu.dma_semaphore, #tpu.memory_space<semaphore_mem>>) src(%dma_wait3A_973 : memref<32000xi32, #tpu.memory_space<hbm>>) dst(%arg8 : memref<32000xi32, #tpu.memory_space<vmem>>)
      tpu.yield
    }) : () -> ()
    %scan3A_20 = arith.constant 0 : i32
    %scan3A_21 = arith.constant 2000 : i32
    %scan3A_22 = arith.addi %scan3A_20, %scan3A_21 : i32
    %scan3A_23 = arith.constant 1 : i32
    %scan3A_24 = scf.for %scan3A_968 = %scan3A_20 to %scan3A_22 step %scan3A_23 iter_args(%scan3A_969 = %scan3A_18) -> (vector<16xi32>)  : i32 {
      %mul3A_970 = arith.constant 16 : i32
      %mul3A_971 = arith.muli %scan3A_968, %mul3A_970 : i32
      %get3A = arith.index_cast %mul3A_971 : i32 to index
      %get3A_972 = tpu.vector_load %arg8[%get3A] {strides = array<i32>} : memref<32000xi32, #tpu.memory_space<vmem>>, vector<16xi32>,
      %mul3A_973 = arith.constant 16 : i32
      %mul3A_974 = arith.muli %scan3A_968, %mul3A_973 : i32
      %get3A_975 = arith.index_cast %mul3A_974 : i32 to index
      %get3A_976 = tpu.vector_load %arg7[%get3A_975] {strides = array<i32>} : memref<32000xi32, #tpu.memory_space<vmem>>, vector<16xi32>,
      %ge3A = vector.broadcast %mul3A_2 : i32 to vector<16xi32>
      %ge3A_977 = arith.cmpi sge, %get3A_972, %ge3A : vector<16xi32>
      %add3A_978 = arith.constant 320 : i32
      %add3A_979 = arith.addi %mul3A_2, %add3A_978 : i32
      %lt3A = vector.broadcast %add3A_979 : i32 to vector<16xi32>
      %lt3A_980 = arith.cmpi slt, %get3A_972, %lt3A : vector<16xi32>
      %and3A_981 = arith.andi %ge3A_977, %lt3A_980 : vector<16xi1>
      %lt3A_982 = arith.cmpi slt, %scan3A_969, %mul3A_8 : vector<16xi32>
      %and3A_983 = arith.andi %and3A_981, %lt3A_982 : vector<16xi1>
      %select_n3A_984 = arith.select %and3A_983, %scan3A_969, %add3A_11 : vector<16xi1>, vector<16xi32>
      tpu.vector_store_idx %arg9[%select_n3A_984], %get3A_976 : memref<16400xi32, #tpu.memory_space<vmem>>[vector<16xi32>], vector<16xi32>,
      %sub3A_985 = vector.broadcast %mul3A_2 : i32 to vector<16xi32>
      %sub3A_986 = arith.subi %get3A_972, %sub3A_985 : vector<16xi32>
      tpu.vector_store_idx %arg10[%select_n3A_984], %sub3A_986 : memref<16400xi32, #tpu.memory_space<vmem>>[vector<16xi32>], vector<16xi32>,
      %convert_element_type3A = arith.extui %and3A_983 : vector<16xi1> to vector<16xi32>
      %add3A_987 = arith.addi %scan3A_969, %convert_element_type3A : vector<16xi32>
      scf.yield %add3A_987 : vector<16xi32>
    }
    %scan3A_25 = arith.constant 2000 : i32
    "tpu.region"() ({
      %run_scoped3A = tpu.sem_alloc : memref<!tpu.dma_semaphore, #tpu.memory_space<semaphore_mem>>
      %dma_start3A = arith.constant 64000 : i32
      %dma_start3A_968 = tpu.memref_slice %arg2[%dma_start3A] : memref<320000xi32, #tpu.memory_space<hbm>> -> memref<32000xi32, #tpu.memory_space<hbm>>
      %dma_start3A_969 = arith.constant 64000 : i32
      %dma_start3A_970 = tpu.memref_slice %arg2[%dma_start3A_969] : memref<320000xi32, #tpu.memory_space<hbm>> -> memref<32000xi32, #tpu.memory_space<hbm>>
      tpu.enqueue_dma source(%dma_start3A_970 : memref<32000xi32, #tpu.memory_space<hbm>>) target(%arg7 : memref<32000xi32, #tpu.memory_space<vmem>>) target_semaphore(%run_scoped3A : memref<!tpu.dma_semaphore, #tpu.memory_space<semaphore_mem>>)
      %dma_wait3A = arith.constant 64000 : i32
      %dma_wait3A_971 = tpu.memref_slice %arg2[%dma_wait3A] : memref<320000xi32, #tpu.memory_space<hbm>> -> memref<32000xi32, #tpu.memory_space<hbm>>
      %dma_wait3A_972 = arith.constant 64000 : i32
      %dma_wait3A_973 = tpu.memref_slice %arg2[%dma_wait3A_972] : memref<320000xi32, #tpu.memory_space<hbm>> -> memref<32000xi32, #tpu.memory_space<hbm>>
      tpu.wait_dma2 semaphore(%run_scoped3A : memref<!tpu.dma_semaphore, #tpu.memory_space<semaphore_mem>>) src(%dma_wait3A_973 : memref<32000xi32, #tpu.memory_space<hbm>>) dst(%arg7 : memref<32000xi32, #tpu.memory_space<vmem>>)
      tpu.yield
    }) : () -> ()
    "tpu.region"() ({
      %run_scoped3A = tpu.sem_alloc : memref<!tpu.dma_semaphore, #tpu.memory_space<semaphore_mem>>
      %dma_start3A = arith.constant 64000 : i32
      %dma_start3A_968 = tpu.memref_slice %arg3[%dma_start3A] : memref<320000xi32, #tpu.memory_space<hbm>> -> memref<32000xi32, #tpu.memory_space<hbm>>
      %dma_start3A_969 = arith.constant 64000 : i32
      %dma_start3A_970 = tpu.memref_slice %arg3[%dma_start3A_969] : memref<320000xi32, #tpu.memory_space<hbm>> -> memref<32000xi32, #tpu.memory_space<hbm>>
      tpu.enqueue_dma source(%dma_start3A_970 : memref<32000xi32, #tpu.memory_space<hbm>>) target(%arg8 : memref<32000xi32, #tpu.memory_space<vmem>>) target_semaphore(%run_scoped3A : memref<!tpu.dma_semaphore, #tpu.memory_space<semaphore_mem>>)
      %dma_wait3A = arith.constant 64000 : i32
      %dma_wait3A_971 = tpu.memref_slice %arg3[%dma_wait3A] : memref<320000xi32, #tpu.memory_space<hbm>> -> memref<32000xi32, #tpu.memory_space<hbm>>
      %dma_wait3A_972 = arith.constant 64000 : i32
      %dma_wait3A_973 = tpu.memref_slice %arg3[%dma_wait3A_972] : memref<320000xi32, #tpu.memory_space<hbm>> -> memref<32000xi32, #tpu.memory_space<hbm>>
      tpu.wait_dma2 semaphore(%run_scoped3A : memref<!tpu.dma_semaphore, #tpu.memory_space<semaphore_mem>>) src(%dma_wait3A_973 : memref<32000xi32, #tpu.memory_space<hbm>>) dst(%arg8 : memref<32000xi32, #tpu.memory_space<vmem>>)
      tpu.yield
    }) : () -> ()
    %scan3A_26 = arith.constant 0 : i32
    %scan3A_27 = arith.constant 2000 : i32
    %scan3A_28 = arith.addi %scan3A_26, %scan3A_27 : i32
    %scan3A_29 = arith.constant 1 : i32
    %scan3A_30 = scf.for %scan3A_968 = %scan3A_26 to %scan3A_28 step %scan3A_29 iter_args(%scan3A_969 = %scan3A_24) -> (vector<16xi32>)  : i32 {
      %mul3A_970 = arith.constant 16 : i32
      %mul3A_971 = arith.muli %scan3A_968, %mul3A_970 : i32
      %get3A = arith.index_cast %mul3A_971 : i32 to index
      %get3A_972 = tpu.vector_load %arg8[%get3A] {strides = array<i32>} : memref<32000xi32, #tpu.memory_space<vmem>>, vector<16xi32>,
      %mul3A_973 = arith.constant 16 : i32
      %mul3A_974 = arith.muli %scan3A_968, %mul3A_973 : i32
      %get3A_975 = arith.index_cast %mul3A_974 : i32 to index
      %get3A_976 = tpu.vector_load %arg7[%get3A_975] {strides = array<i32>} : memref<32000xi32, #tpu.memory_space<vmem>>, vector<16xi32>,
      %ge3A = vector.broadcast %mul3A_2 : i32 to vector<16xi32>
      %ge3A_977 = arith.cmpi sge, %get3A_972, %ge3A : vector<16xi32>
      %add3A_978 = arith.constant 320 : i32
      %add3A_979 = arith.addi %mul3A_2, %add3A_978 : i32
      %lt3A = vector.broadcast %add3A_979 : i32 to vector<16xi32>
      %lt3A_980 = arith.cmpi slt, %get3A_972, %lt3A : vector<16xi32>
      %and3A_981 = arith.andi %ge3A_977, %lt3A_980 : vector<16xi1>
      %lt3A_982 = arith.cmpi slt, %scan3A_969, %mul3A_8 : vector<16xi32>
      %and3A_983 = arith.andi %and3A_981, %lt3A_982 : vector<16xi1>
      %select_n3A_984 = arith.select %and3A_983, %scan3A_969, %add3A_11 : vector<16xi1>, vector<16xi32>
      tpu.vector_store_idx %arg9[%select_n3A_984], %get3A_976 : memref<16400xi32, #tpu.memory_space<vmem>>[vector<16xi32>], vector<16xi32>,
      %sub3A_985 = vector.broadcast %mul3A_2 : i32 to vector<16xi32>
      %sub3A_986 = arith.subi %get3A_972, %sub3A_985 : vector<16xi32>
      tpu.vector_store_idx %arg10[%select_n3A_984], %sub3A_986 : memref<16400xi32, #tpu.memory_space<vmem>>[vector<16xi32>], vector<16xi32>,
      %convert_element_type3A = arith.extui %and3A_983 : vector<16xi1> to vector<16xi32>
      %add3A_987 = arith.addi %scan3A_969, %convert_element_type3A : vector<16xi32>
      scf.yield %add3A_987 : vector<16xi32>
    }
    %scan3A_31 = arith.constant 2000 : i32
    "tpu.region"() ({
      %run_scoped3A = tpu.sem_alloc : memref<!tpu.dma_semaphore, #tpu.memory_space<semaphore_mem>>
      %dma_start3A = arith.constant 96000 : i32
      %dma_start3A_968 = tpu.memref_slice %arg2[%dma_start3A] : memref<320000xi32, #tpu.memory_space<hbm>> -> memref<32000xi32, #tpu.memory_space<hbm>>
      %dma_start3A_969 = arith.constant 96000 : i32
      %dma_start3A_970 = tpu.memref_slice %arg2[%dma_start3A_969] : memref<320000xi32, #tpu.memory_space<hbm>> -> memref<32000xi32, #tpu.memory_space<hbm>>
      tpu.enqueue_dma source(%dma_start3A_970 : memref<32000xi32, #tpu.memory_space<hbm>>) target(%arg7 : memref<32000xi32, #tpu.memory_space<vmem>>) target_semaphore(%run_scoped3A : memref<!tpu.dma_semaphore, #tpu.memory_space<semaphore_mem>>)
      %dma_wait3A = arith.constant 96000 : i32
      %dma_wait3A_971 = tpu.memref_slice %arg2[%dma_wait3A] : memref<320000xi32, #tpu.memory_space<hbm>> -> memref<32000xi32, #tpu.memory_space<hbm>>
      %dma_wait3A_972 = arith.constant 96000 : i32
      %dma_wait3A_973 = tpu.memref_slice %arg2[%dma_wait3A_972] : memref<320000xi32, #tpu.memory_space<hbm>> -> memref<32000xi32, #tpu.memory_space<hbm>>
      tpu.wait_dma2 semaphore(%run_scoped3A : memref<!tpu.dma_semaphore, #tpu.memory_space<semaphore_mem>>) src(%dma_wait3A_973 : memref<32000xi32, #tpu.memory_space<hbm>>) dst(%arg7 : memref<32000xi32, #tpu.memory_space<vmem>>)
      tpu.yield
    }) : () -> ()
    "tpu.region"() ({
      %run_scoped3A = tpu.sem_alloc : memref<!tpu.dma_semaphore, #tpu.memory_space<semaphore_mem>>
      %dma_start3A = arith.constant 96000 : i32
      %dma_start3A_968 = tpu.memref_slice %arg3[%dma_start3A] : memref<320000xi32, #tpu.memory_space<hbm>> -> memref<32000xi32, #tpu.memory_space<hbm>>
      %dma_start3A_969 = arith.constant 96000 : i32
      %dma_start3A_970 = tpu.memref_slice %arg3[%dma_start3A_969] : memref<320000xi32, #tpu.memory_space<hbm>> -> memref<32000xi32, #tpu.memory_space<hbm>>
      tpu.enqueue_dma source(%dma_start3A_970 : memref<32000xi32, #tpu.memory_space<hbm>>) target(%arg8 : memref<32000xi32, #tpu.memory_space<vmem>>) target_semaphore(%run_scoped3A : memref<!tpu.dma_semaphore, #tpu.memory_space<semaphore_mem>>)
      %dma_wait3A = arith.constant 96000 : i32
      %dma_wait3A_971 = tpu.memref_slice %arg3[%dma_wait3A] : memref<320000xi32, #tpu.memory_space<hbm>> -> memref<32000xi32, #tpu.memory_space<hbm>>
      %dma_wait3A_972 = arith.constant 96000 : i32
      %dma_wait3A_973 = tpu.memref_slice %arg3[%dma_wait3A_972] : memref<320000xi32, #tpu.memory_space<hbm>> -> memref<32000xi32, #tpu.memory_space<hbm>>
      tpu.wait_dma2 semaphore(%run_scoped3A : memref<!tpu.dma_semaphore, #tpu.memory_space<semaphore_mem>>) src(%dma_wait3A_973 : memref<32000xi32, #tpu.memory_space<hbm>>) dst(%arg8 : memref<32000xi32, #tpu.memory_space<vmem>>)
      tpu.yield
    }) : () -> ()
    %scan3A_32 = arith.constant 0 : i32
    %scan3A_33 = arith.constant 2000 : i32
    %scan3A_34 = arith.addi %scan3A_32, %scan3A_33 : i32
    %scan3A_35 = arith.constant 1 : i32
    %scan3A_36 = scf.for %scan3A_968 = %scan3A_32 to %scan3A_34 step %scan3A_35 iter_args(%scan3A_969 = %scan3A_30) -> (vector<16xi32>)  : i32 {
      %mul3A_970 = arith.constant 16 : i32
      %mul3A_971 = arith.muli %scan3A_968, %mul3A_970 : i32
      %get3A = arith.index_cast %mul3A_971 : i32 to index
      %get3A_972 = tpu.vector_load %arg8[%get3A] {strides = array<i32>} : memref<32000xi32, #tpu.memory_space<vmem>>, vector<16xi32>,
      %mul3A_973 = arith.constant 16 : i32
      %mul3A_974 = arith.muli %scan3A_968, %mul3A_973 : i32
      %get3A_975 = arith.index_cast %mul3A_974 : i32 to index
      %get3A_976 = tpu.vector_load %arg7[%get3A_975] {strides = array<i32>} : memref<32000xi32, #tpu.memory_space<vmem>>, vector<16xi32>,
      %ge3A = vector.broadcast %mul3A_2 : i32 to vector<16xi32>
      %ge3A_977 = arith.cmpi sge, %get3A_972, %ge3A : vector<16xi32>
      %add3A_978 = arith.constant 320 : i32
      %add3A_979 = arith.addi %mul3A_2, %add3A_978 : i32
      %lt3A = vector.broadcast %add3A_979 : i32 to vector<16xi32>
      %lt3A_980 = arith.cmpi slt, %get3A_972, %lt3A : vector<16xi32>
      %and3A_981 = arith.andi %ge3A_977, %lt3A_980 : vector<16xi1>
      %lt3A_982 = arith.cmpi slt, %scan3A_969, %mul3A_8 : vector<16xi32>
      %and3A_983 = arith.andi %and3A_981, %lt3A_982 : vector<16xi1>
      %select_n3A_984 = arith.select %and3A_983, %scan3A_969, %add3A_11 : vector<16xi1>, vector<16xi32>
      tpu.vector_store_idx %arg9[%select_n3A_984], %get3A_976 : memref<16400xi32, #tpu.memory_space<vmem>>[vector<16xi32>], vector<16xi32>,
      %sub3A_985 = vector.broadcast %mul3A_2 : i32 to vector<16xi32>
      %sub3A_986 = arith.subi %get3A_972, %sub3A_985 : vector<16xi32>
      tpu.vector_store_idx %arg10[%select_n3A_984], %sub3A_986 : memref<16400xi32, #tpu.memory_space<vmem>>[vector<16xi32>], vector<16xi32>,
      %convert_element_type3A = arith.extui %and3A_983 : vector<16xi1> to vector<16xi32>
      %add3A_987 = arith.addi %scan3A_969, %convert_element_type3A : vector<16xi32>
      scf.yield %add3A_987 : vector<16xi32>
    }
    %scan3A_37 = arith.constant 2000 : i32
    "tpu.region"() ({
      %run_scoped3A = tpu.sem_alloc : memref<!tpu.dma_semaphore, #tpu.memory_space<semaphore_mem>>
      %dma_start3A = arith.constant 128000 : i32
      %dma_start3A_968 = tpu.memref_slice %arg2[%dma_start3A] : memref<320000xi32, #tpu.memory_space<hbm>> -> memref<32000xi32, #tpu.memory_space<hbm>>
      %dma_start3A_969 = arith.constant 128000 : i32
      %dma_start3A_970 = tpu.memref_slice %arg2[%dma_start3A_969] : memref<320000xi32, #tpu.memory_space<hbm>> -> memref<32000xi32, #tpu.memory_space<hbm>>
      tpu.enqueue_dma source(%dma_start3A_970 : memref<32000xi32, #tpu.memory_space<hbm>>) target(%arg7 : memref<32000xi32, #tpu.memory_space<vmem>>) target_semaphore(%run_scoped3A : memref<!tpu.dma_semaphore, #tpu.memory_space<semaphore_mem>>)
      %dma_wait3A = arith.constant 128000 : i32
      %dma_wait3A_971 = tpu.memref_slice %arg2[%dma_wait3A] : memref<320000xi32, #tpu.memory_space<hbm>> -> memref<32000xi32, #tpu.memory_space<hbm>>
      %dma_wait3A_972 = arith.constant 128000 : i32
      %dma_wait3A_973 = tpu.memref_slice %arg2[%dma_wait3A_972] : memref<320000xi32, #tpu.memory_space<hbm>> -> memref<32000xi32, #tpu.memory_space<hbm>>
      tpu.wait_dma2 semaphore(%run_scoped3A : memref<!tpu.dma_semaphore, #tpu.memory_space<semaphore_mem>>) src(%dma_wait3A_973 : memref<32000xi32, #tpu.memory_space<hbm>>) dst(%arg7 : memref<32000xi32, #tpu.memory_space<vmem>>)
      tpu.yield
    }) : () -> ()
    "tpu.region"() ({
      %run_scoped3A = tpu.sem_alloc : memref<!tpu.dma_semaphore, #tpu.memory_space<semaphore_mem>>
      %dma_start3A = arith.constant 128000 : i32
      %dma_start3A_968 = tpu.memref_slice %arg3[%dma_start3A] : memref<320000xi32, #tpu.memory_space<hbm>> -> memref<32000xi32, #tpu.memory_space<hbm>>
      %dma_start3A_969 = arith.constant 128000 : i32
      %dma_start3A_970 = tpu.memref_slice %arg3[%dma_start3A_969] : memref<320000xi32, #tpu.memory_space<hbm>> -> memref<32000xi32, #tpu.memory_space<hbm>>
      tpu.enqueue_dma source(%dma_start3A_970 : memref<32000xi32, #tpu.memory_space<hbm>>) target(%arg8 : memref<32000xi32, #tpu.memory_space<vmem>>) target_semaphore(%run_scoped3A : memref<!tpu.dma_semaphore, #tpu.memory_space<semaphore_mem>>)
      %dma_wait3A = arith.constant 128000 : i32
      %dma_wait3A_971 = tpu.memref_slice %arg3[%dma_wait3A] : memref<320000xi32, #tpu.memory_space<hbm>> -> memref<32000xi32, #tpu.memory_space<hbm>>
      %dma_wait3A_972 = arith.constant 128000 : i32
      %dma_wait3A_973 = tpu.memref_slice %arg3[%dma_wait3A_972] : memref<320000xi32, #tpu.memory_space<hbm>> -> memref<32000xi32, #tpu.memory_space<hbm>>
      tpu.wait_dma2 semaphore(%run_scoped3A : memref<!tpu.dma_semaphore, #tpu.memory_space<semaphore_mem>>) src(%dma_wait3A_973 : memref<32000xi32, #tpu.memory_space<hbm>>) dst(%arg8 : memref<32000xi32, #tpu.memory_space<vmem>>)
      tpu.yield
    }) : () -> ()
    %scan3A_38 = arith.constant 0 : i32
    %scan3A_39 = arith.constant 2000 : i32
    %scan3A_40 = arith.addi %scan3A_38, %scan3A_39 : i32
    %scan3A_41 = arith.constant 1 : i32
    %scan3A_42 = scf.for %scan3A_968 = %scan3A_38 to %scan3A_40 step %scan3A_41 iter_args(%scan3A_969 = %scan3A_36) -> (vector<16xi32>)  : i32 {
      %mul3A_970 = arith.constant 16 : i32
      %mul3A_971 = arith.muli %scan3A_968, %mul3A_970 : i32
      %get3A = arith.index_cast %mul3A_971 : i32 to index
      %get3A_972 = tpu.vector_load %arg8[%get3A] {strides = array<i32>} : memref<32000xi32, #tpu.memory_space<vmem>>, vector<16xi32>,
      %mul3A_973 = arith.constant 16 : i32
      %mul3A_974 = arith.muli %scan3A_968, %mul3A_973 : i32
      %get3A_975 = arith.index_cast %mul3A_974 : i32 to index
      %get3A_976 = tpu.vector_load %arg7[%get3A_975] {strides = array<i32>} : memref<32000xi32, #tpu.memory_space<vmem>>, vector<16xi32>,
      %ge3A = vector.broadcast %mul3A_2 : i32 to vector<16xi32>
      %ge3A_977 = arith.cmpi sge, %get3A_972, %ge3A : vector<16xi32>
      %add3A_978 = arith.constant 320 : i32
      %add3A_979 = arith.addi %mul3A_2, %add3A_978 : i32
      %lt3A = vector.broadcast %add3A_979 : i32 to vector<16xi32>
      %lt3A_980 = arith.cmpi slt, %get3A_972, %lt3A : vector<16xi32>
      %and3A_981 = arith.andi %ge3A_977, %lt3A_980 : vector<16xi1>
      %lt3A_982 = arith.cmpi slt, %scan3A_969, %mul3A_8 : vector<16xi32>
      %and3A_983 = arith.andi %and3A_981, %lt3A_982 : vector<16xi1>
      %select_n3A_984 = arith.select %and3A_983, %scan3A_969, %add3A_11 : vector<16xi1>, vector<16xi32>
      tpu.vector_store_idx %arg9[%select_n3A_984], %get3A_976 : memref<16400xi32, #tpu.memory_space<vmem>>[vector<16xi32>], vector<16xi32>,
      %sub3A_985 = vector.broadcast %mul3A_2 : i32 to vector<16xi32>
      %sub3A_986 = arith.subi %get3A_972, %sub3A_985 : vector<16xi32>
      tpu.vector_store_idx %arg10[%select_n3A_984], %sub3A_986 : memref<16400xi32, #tpu.memory_space<vmem>>[vector<16xi32>], vector<16xi32>,
      %convert_element_type3A = arith.extui %and3A_983 : vector<16xi1> to vector<16xi32>
      %add3A_987 = arith.addi %scan3A_969, %convert_element_type3A : vector<16xi32>
      scf.yield %add3A_987 : vector<16xi32>
    }
    %scan3A_43 = arith.constant 2000 : i32
    "tpu.region"() ({
      %run_scoped3A = tpu.sem_alloc : memref<!tpu.dma_semaphore, #tpu.memory_space<semaphore_mem>>
      %dma_start3A = arith.constant 160000 : i32
      %dma_start3A_968 = tpu.memref_slice %arg2[%dma_start3A] : memref<320000xi32, #tpu.memory_space<hbm>> -> memref<32000xi32, #tpu.memory_space<hbm>>
      %dma_start3A_969 = arith.constant 160000 : i32
      %dma_start3A_970 = tpu.memref_slice %arg2[%dma_start3A_969] : memref<320000xi32, #tpu.memory_space<hbm>> -> memref<32000xi32, #tpu.memory_space<hbm>>
      tpu.enqueue_dma source(%dma_start3A_970 : memref<32000xi32, #tpu.memory_space<hbm>>) target(%arg7 : memref<32000xi32, #tpu.memory_space<vmem>>) target_semaphore(%run_scoped3A : memref<!tpu.dma_semaphore, #tpu.memory_space<semaphore_mem>>)
      %dma_wait3A = arith.constant 160000 : i32
      %dma_wait3A_971 = tpu.memref_slice %arg2[%dma_wait3A] : memref<320000xi32, #tpu.memory_space<hbm>> -> memref<32000xi32, #tpu.memory_space<hbm>>
      %dma_wait3A_972 = arith.constant 160000 : i32
      %dma_wait3A_973 = tpu.memref_slice %arg2[%dma_wait3A_972] : memref<320000xi32, #tpu.memory_space<hbm>> -> memref<32000xi32, #tpu.memory_space<hbm>>
      tpu.wait_dma2 semaphore(%run_scoped3A : memref<!tpu.dma_semaphore, #tpu.memory_space<semaphore_mem>>) src(%dma_wait3A_973 : memref<32000xi32, #tpu.memory_space<hbm>>) dst(%arg7 : memref<32000xi32, #tpu.memory_space<vmem>>)
      tpu.yield
    }) : () -> ()
    "tpu.region"() ({
      %run_scoped3A = tpu.sem_alloc : memref<!tpu.dma_semaphore, #tpu.memory_space<semaphore_mem>>
      %dma_start3A = arith.constant 160000 : i32
      %dma_start3A_968 = tpu.memref_slice %arg3[%dma_start3A] : memref<320000xi32, #tpu.memory_space<hbm>> -> memref<32000xi32, #tpu.memory_space<hbm>>
      %dma_start3A_969 = arith.constant 160000 : i32
      %dma_start3A_970 = tpu.memref_slice %arg3[%dma_start3A_969] : memref<320000xi32, #tpu.memory_space<hbm>> -> memref<32000xi32, #tpu.memory_space<hbm>>
      tpu.enqueue_dma source(%dma_start3A_970 : memref<32000xi32, #tpu.memory_space<hbm>>) target(%arg8 : memref<32000xi32, #tpu.memory_space<vmem>>) target_semaphore(%run_scoped3A : memref<!tpu.dma_semaphore, #tpu.memory_space<semaphore_mem>>)
      %dma_wait3A = arith.constant 160000 : i32
      %dma_wait3A_971 = tpu.memref_slice %arg3[%dma_wait3A] : memref<320000xi32, #tpu.memory_space<hbm>> -> memref<32000xi32, #tpu.memory_space<hbm>>
      %dma_wait3A_972 = arith.constant 160000 : i32
      %dma_wait3A_973 = tpu.memref_slice %arg3[%dma_wait3A_972] : memref<320000xi32, #tpu.memory_space<hbm>> -> memref<32000xi32, #tpu.memory_space<hbm>>
      tpu.wait_dma2 semaphore(%run_scoped3A : memref<!tpu.dma_semaphore, #tpu.memory_space<semaphore_mem>>) src(%dma_wait3A_973 : memref<32000xi32, #tpu.memory_space<hbm>>) dst(%arg8 : memref<32000xi32, #tpu.memory_space<vmem>>)
      tpu.yield
    }) : () -> ()
    %scan3A_44 = arith.constant 0 : i32
    %scan3A_45 = arith.constant 2000 : i32
    %scan3A_46 = arith.addi %scan3A_44, %scan3A_45 : i32
    %scan3A_47 = arith.constant 1 : i32
    %scan3A_48 = scf.for %scan3A_968 = %scan3A_44 to %scan3A_46 step %scan3A_47 iter_args(%scan3A_969 = %scan3A_42) -> (vector<16xi32>)  : i32 {
      %mul3A_970 = arith.constant 16 : i32
      %mul3A_971 = arith.muli %scan3A_968, %mul3A_970 : i32
      %get3A = arith.index_cast %mul3A_971 : i32 to index
      %get3A_972 = tpu.vector_load %arg8[%get3A] {strides = array<i32>} : memref<32000xi32, #tpu.memory_space<vmem>>, vector<16xi32>,
      %mul3A_973 = arith.constant 16 : i32
      %mul3A_974 = arith.muli %scan3A_968, %mul3A_973 : i32
      %get3A_975 = arith.index_cast %mul3A_974 : i32 to index
      %get3A_976 = tpu.vector_load %arg7[%get3A_975] {strides = array<i32>} : memref<32000xi32, #tpu.memory_space<vmem>>, vector<16xi32>,
      %ge3A = vector.broadcast %mul3A_2 : i32 to vector<16xi32>
      %ge3A_977 = arith.cmpi sge, %get3A_972, %ge3A : vector<16xi32>
      %add3A_978 = arith.constant 320 : i32
      %add3A_979 = arith.addi %mul3A_2, %add3A_978 : i32
      %lt3A = vector.broadcast %add3A_979 : i32 to vector<16xi32>
      %lt3A_980 = arith.cmpi slt, %get3A_972, %lt3A : vector<16xi32>
      %and3A_981 = arith.andi %ge3A_977, %lt3A_980 : vector<16xi1>
      %lt3A_982 = arith.cmpi slt, %scan3A_969, %mul3A_8 : vector<16xi32>
      %and3A_983 = arith.andi %and3A_981, %lt3A_982 : vector<16xi1>
      %select_n3A_984 = arith.select %and3A_983, %scan3A_969, %add3A_11 : vector<16xi1>, vector<16xi32>
      tpu.vector_store_idx %arg9[%select_n3A_984], %get3A_976 : memref<16400xi32, #tpu.memory_space<vmem>>[vector<16xi32>], vector<16xi32>,
      %sub3A_985 = vector.broadcast %mul3A_2 : i32 to vector<16xi32>
      %sub3A_986 = arith.subi %get3A_972, %sub3A_985 : vector<16xi32>
      tpu.vector_store_idx %arg10[%select_n3A_984], %sub3A_986 : memref<16400xi32, #tpu.memory_space<vmem>>[vector<16xi32>], vector<16xi32>,
      %convert_element_type3A = arith.extui %and3A_983 : vector<16xi1> to vector<16xi32>
      %add3A_987 = arith.addi %scan3A_969, %convert_element_type3A : vector<16xi32>
      scf.yield %add3A_987 : vector<16xi32>
    }
    %scan3A_49 = arith.constant 2000 : i32
    "tpu.region"() ({
      %run_scoped3A = tpu.sem_alloc : memref<!tpu.dma_semaphore, #tpu.memory_space<semaphore_mem>>
      %dma_start3A = arith.constant 192000 : i32
      %dma_start3A_968 = tpu.memref_slice %arg2[%dma_start3A] : memref<320000xi32, #tpu.memory_space<hbm>> -> memref<32000xi32, #tpu.memory_space<hbm>>
      %dma_start3A_969 = arith.constant 192000 : i32
      %dma_start3A_970 = tpu.memref_slice %arg2[%dma_start3A_969] : memref<320000xi32, #tpu.memory_space<hbm>> -> memref<32000xi32, #tpu.memory_space<hbm>>
      tpu.enqueue_dma source(%dma_start3A_970 : memref<32000xi32, #tpu.memory_space<hbm>>) target(%arg7 : memref<32000xi32, #tpu.memory_space<vmem>>) target_semaphore(%run_scoped3A : memref<!tpu.dma_semaphore, #tpu.memory_space<semaphore_mem>>)
      %dma_wait3A = arith.constant 192000 : i32
      %dma_wait3A_971 = tpu.memref_slice %arg2[%dma_wait3A] : memref<320000xi32, #tpu.memory_space<hbm>> -> memref<32000xi32, #tpu.memory_space<hbm>>
      %dma_wait3A_972 = arith.constant 192000 : i32
      %dma_wait3A_973 = tpu.memref_slice %arg2[%dma_wait3A_972] : memref<320000xi32, #tpu.memory_space<hbm>> -> memref<32000xi32, #tpu.memory_space<hbm>>
      tpu.wait_dma2 semaphore(%run_scoped3A : memref<!tpu.dma_semaphore, #tpu.memory_space<semaphore_mem>>) src(%dma_wait3A_973 : memref<32000xi32, #tpu.memory_space<hbm>>) dst(%arg7 : memref<32000xi32, #tpu.memory_space<vmem>>)
      tpu.yield
    }) : () -> ()
    "tpu.region"() ({
      %run_scoped3A = tpu.sem_alloc : memref<!tpu.dma_semaphore, #tpu.memory_space<semaphore_mem>>
      %dma_start3A = arith.constant 192000 : i32
      %dma_start3A_968 = tpu.memref_slice %arg3[%dma_start3A] : memref<320000xi32, #tpu.memory_space<hbm>> -> memref<32000xi32, #tpu.memory_space<hbm>>
      %dma_start3A_969 = arith.constant 192000 : i32
      %dma_start3A_970 = tpu.memref_slice %arg3[%dma_start3A_969] : memref<320000xi32, #tpu.memory_space<hbm>> -> memref<32000xi32, #tpu.memory_space<hbm>>
      tpu.enqueue_dma source(%dma_start3A_970 : memref<32000xi32, #tpu.memory_space<hbm>>) target(%arg8 : memref<32000xi32, #tpu.memory_space<vmem>>) target_semaphore(%run_scoped3A : memref<!tpu.dma_semaphore, #tpu.memory_space<semaphore_mem>>)
      %dma_wait3A = arith.constant 192000 : i32
      %dma_wait3A_971 = tpu.memref_slice %arg3[%dma_wait3A] : memref<320000xi32, #tpu.memory_space<hbm>> -> memref<32000xi32, #tpu.memory_space<hbm>>
      %dma_wait3A_972 = arith.constant 192000 : i32
      %dma_wait3A_973 = tpu.memref_slice %arg3[%dma_wait3A_972] : memref<320000xi32, #tpu.memory_space<hbm>> -> memref<32000xi32, #tpu.memory_space<hbm>>
      tpu.wait_dma2 semaphore(%run_scoped3A : memref<!tpu.dma_semaphore, #tpu.memory_space<semaphore_mem>>) src(%dma_wait3A_973 : memref<32000xi32, #tpu.memory_space<hbm>>) dst(%arg8 : memref<32000xi32, #tpu.memory_space<vmem>>)
      tpu.yield
    }) : () -> ()
    %scan3A_50 = arith.constant 0 : i32
    %scan3A_51 = arith.constant 2000 : i32
    %scan3A_52 = arith.addi %scan3A_50, %scan3A_51 : i32
    %scan3A_53 = arith.constant 1 : i32
    %scan3A_54 = scf.for %scan3A_968 = %scan3A_50 to %scan3A_52 step %scan3A_53 iter_args(%scan3A_969 = %scan3A_48) -> (vector<16xi32>)  : i32 {
      %mul3A_970 = arith.constant 16 : i32
      %mul3A_971 = arith.muli %scan3A_968, %mul3A_970 : i32
      %get3A = arith.index_cast %mul3A_971 : i32 to index
      %get3A_972 = tpu.vector_load %arg8[%get3A] {strides = array<i32>} : memref<32000xi32, #tpu.memory_space<vmem>>, vector<16xi32>,
      %mul3A_973 = arith.constant 16 : i32
      %mul3A_974 = arith.muli %scan3A_968, %mul3A_973 : i32
      %get3A_975 = arith.index_cast %mul3A_974 : i32 to index
      %get3A_976 = tpu.vector_load %arg7[%get3A_975] {strides = array<i32>} : memref<32000xi32, #tpu.memory_space<vmem>>, vector<16xi32>,
      %ge3A = vector.broadcast %mul3A_2 : i32 to vector<16xi32>
      %ge3A_977 = arith.cmpi sge, %get3A_972, %ge3A : vector<16xi32>
      %add3A_978 = arith.constant 320 : i32
      %add3A_979 = arith.addi %mul3A_2, %add3A_978 : i32
      %lt3A = vector.broadcast %add3A_979 : i32 to vector<16xi32>
      %lt3A_980 = arith.cmpi slt, %get3A_972, %lt3A : vector<16xi32>
      %and3A_981 = arith.andi %ge3A_977, %lt3A_980 : vector<16xi1>
      %lt3A_982 = arith.cmpi slt, %scan3A_969, %mul3A_8 : vector<16xi32>
      %and3A_983 = arith.andi %and3A_981, %lt3A_982 : vector<16xi1>
      %select_n3A_984 = arith.select %and3A_983, %scan3A_969, %add3A_11 : vector<16xi1>, vector<16xi32>
      tpu.vector_store_idx %arg9[%select_n3A_984], %get3A_976 : memref<16400xi32, #tpu.memory_space<vmem>>[vector<16xi32>], vector<16xi32>,
      %sub3A_985 = vector.broadcast %mul3A_2 : i32 to vector<16xi32>
      %sub3A_986 = arith.subi %get3A_972, %sub3A_985 : vector<16xi32>
      tpu.vector_store_idx %arg10[%select_n3A_984], %sub3A_986 : memref<16400xi32, #tpu.memory_space<vmem>>[vector<16xi32>], vector<16xi32>,
      %convert_element_type3A = arith.extui %and3A_983 : vector<16xi1> to vector<16xi32>
      %add3A_987 = arith.addi %scan3A_969, %convert_element_type3A : vector<16xi32>
      scf.yield %add3A_987 : vector<16xi32>
    }
    %scan3A_55 = arith.constant 2000 : i32
    "tpu.region"() ({
      %run_scoped3A = tpu.sem_alloc : memref<!tpu.dma_semaphore, #tpu.memory_space<semaphore_mem>>
      %dma_start3A = arith.constant 224000 : i32
      %dma_start3A_968 = tpu.memref_slice %arg2[%dma_start3A] : memref<320000xi32, #tpu.memory_space<hbm>> -> memref<32000xi32, #tpu.memory_space<hbm>>
      %dma_start3A_969 = arith.constant 224000 : i32
      %dma_start3A_970 = tpu.memref_slice %arg2[%dma_start3A_969] : memref<320000xi32, #tpu.memory_space<hbm>> -> memref<32000xi32, #tpu.memory_space<hbm>>
      tpu.enqueue_dma source(%dma_start3A_970 : memref<32000xi32, #tpu.memory_space<hbm>>) target(%arg7 : memref<32000xi32, #tpu.memory_space<vmem>>) target_semaphore(%run_scoped3A : memref<!tpu.dma_semaphore, #tpu.memory_space<semaphore_mem>>)
      %dma_wait3A = arith.constant 224000 : i32
      %dma_wait3A_971 = tpu.memref_slice %arg2[%dma_wait3A] : memref<320000xi32, #tpu.memory_space<hbm>> -> memref<32000xi32, #tpu.memory_space<hbm>>
      %dma_wait3A_972 = arith.constant 224000 : i32
      %dma_wait3A_973 = tpu.memref_slice %arg2[%dma_wait3A_972] : memref<320000xi32, #tpu.memory_space<hbm>> -> memref<32000xi32, #tpu.memory_space<hbm>>
      tpu.wait_dma2 semaphore(%run_scoped3A : memref<!tpu.dma_semaphore, #tpu.memory_space<semaphore_mem>>) src(%dma_wait3A_973 : memref<32000xi32, #tpu.memory_space<hbm>>) dst(%arg7 : memref<32000xi32, #tpu.memory_space<vmem>>)
      tpu.yield
    }) : () -> ()
    "tpu.region"() ({
      %run_scoped3A = tpu.sem_alloc : memref<!tpu.dma_semaphore, #tpu.memory_space<semaphore_mem>>
      %dma_start3A = arith.constant 224000 : i32
      %dma_start3A_968 = tpu.memref_slice %arg3[%dma_start3A] : memref<320000xi32, #tpu.memory_space<hbm>> -> memref<32000xi32, #tpu.memory_space<hbm>>
      %dma_start3A_969 = arith.constant 224000 : i32
      %dma_start3A_970 = tpu.memref_slice %arg3[%dma_start3A_969] : memref<320000xi32, #tpu.memory_space<hbm>> -> memref<32000xi32, #tpu.memory_space<hbm>>
      tpu.enqueue_dma source(%dma_start3A_970 : memref<32000xi32, #tpu.memory_space<hbm>>) target(%arg8 : memref<32000xi32, #tpu.memory_space<vmem>>) target_semaphore(%run_scoped3A : memref<!tpu.dma_semaphore, #tpu.memory_space<semaphore_mem>>)
      %dma_wait3A = arith.constant 224000 : i32
      %dma_wait3A_971 = tpu.memref_slice %arg3[%dma_wait3A] : memref<320000xi32, #tpu.memory_space<hbm>> -> memref<32000xi32, #tpu.memory_space<hbm>>
      %dma_wait3A_972 = arith.constant 224000 : i32
      %dma_wait3A_973 = tpu.memref_slice %arg3[%dma_wait3A_972] : memref<320000xi32, #tpu.memory_space<hbm>> -> memref<32000xi32, #tpu.memory_space<hbm>>
      tpu.wait_dma2 semaphore(%run_scoped3A : memref<!tpu.dma_semaphore, #tpu.memory_space<semaphore_mem>>) src(%dma_wait3A_973 : memref<32000xi32, #tpu.memory_space<hbm>>) dst(%arg8 : memref<32000xi32, #tpu.memory_space<vmem>>)
      tpu.yield
    }) : () -> ()
    %scan3A_56 = arith.constant 0 : i32
    %scan3A_57 = arith.constant 2000 : i32
    %scan3A_58 = arith.addi %scan3A_56, %scan3A_57 : i32
    %scan3A_59 = arith.constant 1 : i32
    %scan3A_60 = scf.for %scan3A_968 = %scan3A_56 to %scan3A_58 step %scan3A_59 iter_args(%scan3A_969 = %scan3A_54) -> (vector<16xi32>)  : i32 {
      %mul3A_970 = arith.constant 16 : i32
      %mul3A_971 = arith.muli %scan3A_968, %mul3A_970 : i32
      %get3A = arith.index_cast %mul3A_971 : i32 to index
      %get3A_972 = tpu.vector_load %arg8[%get3A] {strides = array<i32>} : memref<32000xi32, #tpu.memory_space<vmem>>, vector<16xi32>,
      %mul3A_973 = arith.constant 16 : i32
      %mul3A_974 = arith.muli %scan3A_968, %mul3A_973 : i32
      %get3A_975 = arith.index_cast %mul3A_974 : i32 to index
      %get3A_976 = tpu.vector_load %arg7[%get3A_975] {strides = array<i32>} : memref<32000xi32, #tpu.memory_space<vmem>>, vector<16xi32>,
      %ge3A = vector.broadcast %mul3A_2 : i32 to vector<16xi32>
      %ge3A_977 = arith.cmpi sge, %get3A_972, %ge3A : vector<16xi32>
      %add3A_978 = arith.constant 320 : i32
      %add3A_979 = arith.addi %mul3A_2, %add3A_978 : i32
      %lt3A = vector.broadcast %add3A_979 : i32 to vector<16xi32>
      %lt3A_980 = arith.cmpi slt, %get3A_972, %lt3A : vector<16xi32>
      %and3A_981 = arith.andi %ge3A_977, %lt3A_980 : vector<16xi1>
      %lt3A_982 = arith.cmpi slt, %scan3A_969, %mul3A_8 : vector<16xi32>
      %and3A_983 = arith.andi %and3A_981, %lt3A_982 : vector<16xi1>
      %select_n3A_984 = arith.select %and3A_983, %scan3A_969, %add3A_11 : vector<16xi1>, vector<16xi32>
      tpu.vector_store_idx %arg9[%select_n3A_984], %get3A_976 : memref<16400xi32, #tpu.memory_space<vmem>>[vector<16xi32>], vector<16xi32>,
      %sub3A_985 = vector.broadcast %mul3A_2 : i32 to vector<16xi32>
      %sub3A_986 = arith.subi %get3A_972, %sub3A_985 : vector<16xi32>
      tpu.vector_store_idx %arg10[%select_n3A_984], %sub3A_986 : memref<16400xi32, #tpu.memory_space<vmem>>[vector<16xi32>], vector<16xi32>,
      %convert_element_type3A = arith.extui %and3A_983 : vector<16xi1> to vector<16xi32>
      %add3A_987 = arith.addi %scan3A_969, %convert_element_type3A : vector<16xi32>
      scf.yield %add3A_987 : vector<16xi32>
    }
    %scan3A_61 = arith.constant 2000 : i32
    "tpu.region"() ({
      %run_scoped3A = tpu.sem_alloc : memref<!tpu.dma_semaphore, #tpu.memory_space<semaphore_mem>>
      %dma_start3A = arith.constant 256000 : i32
      %dma_start3A_968 = tpu.memref_slice %arg2[%dma_start3A] : memref<320000xi32, #tpu.memory_space<hbm>> -> memref<32000xi32, #tpu.memory_space<hbm>>
      %dma_start3A_969 = arith.constant 256000 : i32
      %dma_start3A_970 = tpu.memref_slice %arg2[%dma_start3A_969] : memref<320000xi32, #tpu.memory_space<hbm>> -> memref<32000xi32, #tpu.memory_space<hbm>>
      tpu.enqueue_dma source(%dma_start3A_970 : memref<32000xi32, #tpu.memory_space<hbm>>) target(%arg7 : memref<32000xi32, #tpu.memory_space<vmem>>) target_semaphore(%run_scoped3A : memref<!tpu.dma_semaphore, #tpu.memory_space<semaphore_mem>>)
      %dma_wait3A = arith.constant 256000 : i32
      %dma_wait3A_971 = tpu.memref_slice %arg2[%dma_wait3A] : memref<320000xi32, #tpu.memory_space<hbm>> -> memref<32000xi32, #tpu.memory_space<hbm>>
      %dma_wait3A_972 = arith.constant 256000 : i32
      %dma_wait3A_973 = tpu.memref_slice %arg2[%dma_wait3A_972] : memref<320000xi32, #tpu.memory_space<hbm>> -> memref<32000xi32, #tpu.memory_space<hbm>>
      tpu.wait_dma2 semaphore(%run_scoped3A : memref<!tpu.dma_semaphore, #tpu.memory_space<semaphore_mem>>) src(%dma_wait3A_973 : memref<32000xi32, #tpu.memory_space<hbm>>) dst(%arg7 : memref<32000xi32, #tpu.memory_space<vmem>>)
      tpu.yield
    }) : () -> ()
    "tpu.region"() ({
      %run_scoped3A = tpu.sem_alloc : memref<!tpu.dma_semaphore, #tpu.memory_space<semaphore_mem>>
      %dma_start3A = arith.constant 256000 : i32
      %dma_start3A_968 = tpu.memref_slice %arg3[%dma_start3A] : memref<320000xi32, #tpu.memory_space<hbm>> -> memref<32000xi32, #tpu.memory_space<hbm>>
      %dma_start3A_969 = arith.constant 256000 : i32
      %dma_start3A_970 = tpu.memref_slice %arg3[%dma_start3A_969] : memref<320000xi32, #tpu.memory_space<hbm>> -> memref<32000xi32, #tpu.memory_space<hbm>>
      tpu.enqueue_dma source(%dma_start3A_970 : memref<32000xi32, #tpu.memory_space<hbm>>) target(%arg8 : memref<32000xi32, #tpu.memory_space<vmem>>) target_semaphore(%run_scoped3A : memref<!tpu.dma_semaphore, #tpu.memory_space<semaphore_mem>>)
      %dma_wait3A = arith.constant 256000 : i32
      %dma_wait3A_971 = tpu.memref_slice %arg3[%dma_wait3A] : memref<320000xi32, #tpu.memory_space<hbm>> -> memref<32000xi32, #tpu.memory_space<hbm>>
      %dma_wait3A_972 = arith.constant 256000 : i32
      %dma_wait3A_973 = tpu.memref_slice %arg3[%dma_wait3A_972] : memref<320000xi32, #tpu.memory_space<hbm>> -> memref<32000xi32, #tpu.memory_space<hbm>>
      tpu.wait_dma2 semaphore(%run_scoped3A : memref<!tpu.dma_semaphore, #tpu.memory_space<semaphore_mem>>) src(%dma_wait3A_973 : memref<32000xi32, #tpu.memory_space<hbm>>) dst(%arg8 : memref<32000xi32, #tpu.memory_space<vmem>>)
      tpu.yield
    }) : () -> ()
    %scan3A_62 = arith.constant 0 : i32
    %scan3A_63 = arith.constant 2000 : i32
    %scan3A_64 = arith.addi %scan3A_62, %scan3A_63 : i32
    %scan3A_65 = arith.constant 1 : i32
    %scan3A_66 = scf.for %scan3A_968 = %scan3A_62 to %scan3A_64 step %scan3A_65 iter_args(%scan3A_969 = %scan3A_60) -> (vector<16xi32>)  : i32 {
      %mul3A_970 = arith.constant 16 : i32
      %mul3A_971 = arith.muli %scan3A_968, %mul3A_970 : i32
      %get3A = arith.index_cast %mul3A_971 : i32 to index
      %get3A_972 = tpu.vector_load %arg8[%get3A] {strides = array<i32>} : memref<32000xi32, #tpu.memory_space<vmem>>, vector<16xi32>,
      %mul3A_973 = arith.constant 16 : i32
      %mul3A_974 = arith.muli %scan3A_968, %mul3A_973 : i32
      %get3A_975 = arith.index_cast %mul3A_974 : i32 to index
      %get3A_976 = tpu.vector_load %arg7[%get3A_975] {strides = array<i32>} : memref<32000xi32, #tpu.memory_space<vmem>>, vector<16xi32>,
      %ge3A = vector.broadcast %mul3A_2 : i32 to vector<16xi32>
      %ge3A_977 = arith.cmpi sge, %get3A_972, %ge3A : vector<16xi32>
      %add3A_978 = arith.constant 320 : i32
      %add3A_979 = arith.addi %mul3A_2, %add3A_978 : i32
      %lt3A = vector.broadcast %add3A_979 : i32 to vector<16xi32>
      %lt3A_980 = arith.cmpi slt, %get3A_972, %lt3A : vector<16xi32>
      %and3A_981 = arith.andi %ge3A_977, %lt3A_980 : vector<16xi1>
      %lt3A_982 = arith.cmpi slt, %scan3A_969, %mul3A_8 : vector<16xi32>
      %and3A_983 = arith.andi %and3A_981, %lt3A_982 : vector<16xi1>
      %select_n3A_984 = arith.select %and3A_983, %scan3A_969, %add3A_11 : vector<16xi1>, vector<16xi32>
      tpu.vector_store_idx %arg9[%select_n3A_984], %get3A_976 : memref<16400xi32, #tpu.memory_space<vmem>>[vector<16xi32>], vector<16xi32>,
      %sub3A_985 = vector.broadcast %mul3A_2 : i32 to vector<16xi32>
      %sub3A_986 = arith.subi %get3A_972, %sub3A_985 : vector<16xi32>
      tpu.vector_store_idx %arg10[%select_n3A_984], %sub3A_986 : memref<16400xi32, #tpu.memory_space<vmem>>[vector<16xi32>], vector<16xi32>,
      %convert_element_type3A = arith.extui %and3A_983 : vector<16xi1> to vector<16xi32>
      %add3A_987 = arith.addi %scan3A_969, %convert_element_type3A : vector<16xi32>
      scf.yield %add3A_987 : vector<16xi32>
    }
    %scan3A_67 = arith.constant 2000 : i32
    "tpu.region"() ({
      %run_scoped3A = tpu.sem_alloc : memref<!tpu.dma_semaphore, #tpu.memory_space<semaphore_mem>>
      %dma_start3A = arith.constant 288000 : i32
      %dma_start3A_968 = tpu.memref_slice %arg2[%dma_start3A] : memref<320000xi32, #tpu.memory_space<hbm>> -> memref<32000xi32, #tpu.memory_space<hbm>>
      %dma_start3A_969 = arith.constant 288000 : i32
      %dma_start3A_970 = tpu.memref_slice %arg2[%dma_start3A_969] : memref<320000xi32, #tpu.memory_space<hbm>> -> memref<32000xi32, #tpu.memory_space<hbm>>
      tpu.enqueue_dma source(%dma_start3A_970 : memref<32000xi32, #tpu.memory_space<hbm>>) target(%arg7 : memref<32000xi32, #tpu.memory_space<vmem>>) target_semaphore(%run_scoped3A : memref<!tpu.dma_semaphore, #tpu.memory_space<semaphore_mem>>)
      %dma_wait3A = arith.constant 288000 : i32
      %dma_wait3A_971 = tpu.memref_slice %arg2[%dma_wait3A] : memref<320000xi32, #tpu.memory_space<hbm>> -> memref<32000xi32, #tpu.memory_space<hbm>>
      %dma_wait3A_972 = arith.constant 288000 : i32
      %dma_wait3A_973 = tpu.memref_slice %arg2[%dma_wait3A_972] : memref<320000xi32, #tpu.memory_space<hbm>> -> memref<32000xi32, #tpu.memory_space<hbm>>
      tpu.wait_dma2 semaphore(%run_scoped3A : memref<!tpu.dma_semaphore, #tpu.memory_space<semaphore_mem>>) src(%dma_wait3A_973 : memref<32000xi32, #tpu.memory_space<hbm>>) dst(%arg7 : memref<32000xi32, #tpu.memory_space<vmem>>)
      tpu.yield
    }) : () -> ()
    "tpu.region"() ({
      %run_scoped3A = tpu.sem_alloc : memref<!tpu.dma_semaphore, #tpu.memory_space<semaphore_mem>>
      %dma_start3A = arith.constant 288000 : i32
      %dma_start3A_968 = tpu.memref_slice %arg3[%dma_start3A] : memref<320000xi32, #tpu.memory_space<hbm>> -> memref<32000xi32, #tpu.memory_space<hbm>>
      %dma_start3A_969 = arith.constant 288000 : i32
      %dma_start3A_970 = tpu.memref_slice %arg3[%dma_start3A_969] : memref<320000xi32, #tpu.memory_space<hbm>> -> memref<32000xi32, #tpu.memory_space<hbm>>
      tpu.enqueue_dma source(%dma_start3A_970 : memref<32000xi32, #tpu.memory_space<hbm>>) target(%arg8 : memref<32000xi32, #tpu.memory_space<vmem>>) target_semaphore(%run_scoped3A : memref<!tpu.dma_semaphore, #tpu.memory_space<semaphore_mem>>)
      %dma_wait3A = arith.constant 288000 : i32
      %dma_wait3A_971 = tpu.memref_slice %arg3[%dma_wait3A] : memref<320000xi32, #tpu.memory_space<hbm>> -> memref<32000xi32, #tpu.memory_space<hbm>>
      %dma_wait3A_972 = arith.constant 288000 : i32
      %dma_wait3A_973 = tpu.memref_slice %arg3[%dma_wait3A_972] : memref<320000xi32, #tpu.memory_space<hbm>> -> memref<32000xi32, #tpu.memory_space<hbm>>
      tpu.wait_dma2 semaphore(%run_scoped3A : memref<!tpu.dma_semaphore, #tpu.memory_space<semaphore_mem>>) src(%dma_wait3A_973 : memref<32000xi32, #tpu.memory_space<hbm>>) dst(%arg8 : memref<32000xi32, #tpu.memory_space<vmem>>)
      tpu.yield
    }) : () -> ()
    %scan3A_68 = arith.constant 0 : i32
    %scan3A_69 = arith.constant 2000 : i32
    %scan3A_70 = arith.addi %scan3A_68, %scan3A_69 : i32
    %scan3A_71 = arith.constant 1 : i32
    %scan3A_72 = scf.for %scan3A_968 = %scan3A_68 to %scan3A_70 step %scan3A_71 iter_args(%scan3A_969 = %scan3A_66) -> (vector<16xi32>)  : i32 {
      %mul3A_970 = arith.constant 16 : i32
      %mul3A_971 = arith.muli %scan3A_968, %mul3A_970 : i32
      %get3A = arith.index_cast %mul3A_971 : i32 to index
      %get3A_972 = tpu.vector_load %arg8[%get3A] {strides = array<i32>} : memref<32000xi32, #tpu.memory_space<vmem>>, vector<16xi32>,
      %mul3A_973 = arith.constant 16 : i32
      %mul3A_974 = arith.muli %scan3A_968, %mul3A_973 : i32
      %get3A_975 = arith.index_cast %mul3A_974 : i32 to index
      %get3A_976 = tpu.vector_load %arg7[%get3A_975] {strides = array<i32>} : memref<32000xi32, #tpu.memory_space<vmem>>, vector<16xi32>,
      %ge3A = vector.broadcast %mul3A_2 : i32 to vector<16xi32>
      %ge3A_977 = arith.cmpi sge, %get3A_972, %ge3A : vector<16xi32>
      %add3A_978 = arith.constant 320 : i32
      %add3A_979 = arith.addi %mul3A_2, %add3A_978 : i32
      %lt3A = vector.broadcast %add3A_979 : i32 to vector<16xi32>
      %lt3A_980 = arith.cmpi slt, %get3A_972, %lt3A : vector<16xi32>
      %and3A_981 = arith.andi %ge3A_977, %lt3A_980 : vector<16xi1>
      %lt3A_982 = arith.cmpi slt, %scan3A_969, %mul3A_8 : vector<16xi32>
      %and3A_983 = arith.andi %and3A_981, %lt3A_982 : vector<16xi1>
      %select_n3A_984 = arith.select %and3A_983, %scan3A_969, %add3A_11 : vector<16xi1>, vector<16xi32>
      tpu.vector_store_idx %arg9[%select_n3A_984], %get3A_976 : memref<16400xi32, #tpu.memory_space<vmem>>[vector<16xi32>], vector<16xi32>,
      %sub3A_985 = vector.broadcast %mul3A_2 : i32 to vector<16xi32>
      %sub3A_986 = arith.subi %get3A_972, %sub3A_985 : vector<16xi32>
      tpu.vector_store_idx %arg10[%select_n3A_984], %sub3A_986 : memref<16400xi32, #tpu.memory_space<vmem>>[vector<16xi32>], vector<16xi32>,
      %convert_element_type3A = arith.extui %and3A_983 : vector<16xi1> to vector<16xi32>
      %add3A_987 = arith.addi %scan3A_969, %convert_element_type3A : vector<16xi32>
      scf.yield %add3A_987 : vector<16xi32>
    }
    %scan3A_73 = arith.constant 2000 : i32
    %mul3A_74 = arith.constant 1024 : i32
    %mul3A_75 = vector.broadcast %mul3A_74 : i32 to vector<16xi32>
    %mul3A_76 = arith.muli %iota3A, %mul3A_75 : vector<16xi32>
    %sub3A = arith.subi %scan3A_72, %mul3A_76 : vector<16xi32>
    %slice3A = vector.extract_strided_slice %sub3A {offsets = [0], sizes = [1], strides = [1]} : vector<16xi32> to vector<1xi32>
    %squeeze3A = vector.extract %slice3A[0] : i32 from vector<1xi32>
    %sub3A_77 = arith.constant 12288 : i32
    %sub3A_78 = arith.constant 0 : i32
    %sub3A_79 = arith.subi %sub3A_77, %sub3A_78 : i32
    %min3A = arith.minsi %squeeze3A, %sub3A_79 : i32
    %add3A_80 = arith.constant 15 : i32
    %add3A_81 = arith.addi %min3A, %add3A_80 : i32
    %jit3A = arith.constant 16 : i32
    %div3A = arith.divsi %add3A_81, %jit3A : i32
    %sign3A = arith.constant 0 : i32
    %sign3A_82 = arith.cmpi sgt, %add3A_81, %sign3A : i32
    %sign3A_83 = arith.extui %sign3A_82 : i1 to i32
    %sign3A_84 = arith.constant 0 : i32
    %sign3A_85 = arith.cmpi slt, %add3A_81, %sign3A_84 : i32
    %sign3A_86 = arith.extui %sign3A_85 : i1 to i32
    %sign3A_87 = arith.subi %sign3A_83, %sign3A_86 : i32
    %sign3A_88 = arith.constant 0 : i32
    %sign3A_89 = arith.cmpi sgt, %jit3A, %sign3A_88 : i32
    %sign3A_90 = arith.extui %sign3A_89 : i1 to i32
    %sign3A_91 = arith.constant 0 : i32
    %sign3A_92 = arith.cmpi slt, %jit3A, %sign3A_91 : i32
    %sign3A_93 = arith.extui %sign3A_92 : i1 to i32
    %sign3A_94 = arith.subi %sign3A_90, %sign3A_93 : i32
    %ne3A = arith.cmpi ne, %sign3A_87, %sign3A_94 : i32
    %rem3A = arith.remsi %add3A_81, %jit3A : i32
    %ne3A_95 = arith.constant 0 : i32
    %ne3A_96 = arith.cmpi ne, %rem3A, %ne3A_95 : i32
    %and3A = arith.andi %ne3A, %ne3A_96 : i1
    %sub3A_97 = arith.constant 1 : i32
    %sub3A_98 = arith.subi %div3A, %sub3A_97 : i32
    %select_n3A = arith.select %and3A, %sub3A_98, %div3A : i32
    %while3A = arith.constant 0 : i32
    %while3A_99 = arith.constant 0 : i32
    %while3A_100 = arith.constant 0 : i32
    %while3A_101 = arith.subi %select_n3A, %while3A_99 : i32
    %while3A_102 = arith.addi %while3A_99, %while3A_101 : i32
    %while3A_103 = arith.constant 1 : i32
    %while3A_104 = arith.divsi %while3A_101, %while3A_103 : i32
    %while3A_105 = arith.muli %while3A_104, %while3A_103 : i32
    %while3A_106 = arith.addi %while3A_99, %while3A_105 : i32
    %while3A_107 = arith.constant 1 : i32
    %while3A_108 = scf.for %while3A_968 = %while3A_99 to %while3A_106 step %while3A_107 iter_args(%while3A_969 = %while3A_100) -> (i32)  : i32 {
      %mul3A_970 = arith.constant 16 : i32
      %mul3A_971 = arith.muli %while3A_968, %mul3A_970 : i32
      %add3A_972 = arith.constant 0 : i32
      %add3A_973 = arith.addi %add3A_972, %mul3A_971 : i32
      %get3A = arith.index_cast %add3A_973 : i32 to index
      %get3A_974 = tpu.vector_load %arg9[%get3A] {strides = array<i32>} : memref<16400xi32, #tpu.memory_space<vmem>>, vector<16xi32>,
      %mul3A_975 = arith.constant 16 : i32
      %mul3A_976 = arith.muli %while3A_968, %mul3A_975 : i32
      %add3A_977 = arith.addi %while3A, %mul3A_976 : i32
      %swap3A_978 = arith.index_cast %add3A_977 : i32 to index
      %swap3A_979 = tpu.vector_load %arg11[%swap3A_978] {strides = array<i32>} : memref<12704xi32, #tpu.memory_space<vmem>>, vector<16xi32>,
      tpu.vector_store %arg11[%swap3A_978], %get3A_974 {strides = array<i32>} : memref<12704xi32, #tpu.memory_space<vmem>>, vector<16xi32>,
      %mul3A_980 = arith.constant 16 : i32
      %mul3A_981 = arith.muli %while3A_968, %mul3A_980 : i32
      %add3A_982 = arith.constant 0 : i32
      %add3A_983 = arith.addi %add3A_982, %mul3A_981 : i32
      %get3A_984 = arith.index_cast %add3A_983 : i32 to index
      %get3A_985 = tpu.vector_load %arg10[%get3A_984] {strides = array<i32>} : memref<16400xi32, #tpu.memory_space<vmem>>, vector<16xi32>,
      %mul3A_986 = arith.constant 16 : i32
      %mul3A_987 = arith.muli %while3A_968, %mul3A_986 : i32
      %add3A_988 = arith.addi %while3A, %mul3A_987 : i32
      %swap3A_989 = arith.index_cast %add3A_988 : i32 to index
      %swap3A_990 = tpu.vector_load %arg12[%swap3A_989] {strides = array<i32>} : memref<12704xi32, #tpu.memory_space<vmem>>, vector<16xi32>,
      tpu.vector_store %arg12[%swap3A_989], %get3A_985 {strides = array<i32>} : memref<12704xi32, #tpu.memory_space<vmem>>, vector<16xi32>,
      %while3A_991 = arith.constant 0 : i32
      scf.yield %while3A_991 : i32
    }
    %while3A_109 = arith.constant 1 : i32
    %while3A_110 = scf.for %while3A_968 = %while3A_106 to %while3A_102 step %while3A_109 iter_args(%while3A_969 = %while3A_108) -> (i32)  : i32 {
      %mul3A_970 = arith.constant 16 : i32
      %mul3A_971 = arith.muli %while3A_968, %mul3A_970 : i32
      %add3A_972 = arith.constant 0 : i32
      %add3A_973 = arith.addi %add3A_972, %mul3A_971 : i32
      %get3A = arith.index_cast %add3A_973 : i32 to index
      %get3A_974 = tpu.vector_load %arg9[%get3A] {strides = array<i32>} : memref<16400xi32, #tpu.memory_space<vmem>>, vector<16xi32>,
      %mul3A_975 = arith.constant 16 : i32
      %mul3A_976 = arith.muli %while3A_968, %mul3A_975 : i32
      %add3A_977 = arith.addi %while3A, %mul3A_976 : i32
      %swap3A_978 = arith.index_cast %add3A_977 : i32 to index
      %swap3A_979 = tpu.vector_load %arg11[%swap3A_978] {strides = array<i32>} : memref<12704xi32, #tpu.memory_space<vmem>>, vector<16xi32>,
      tpu.vector_store %arg11[%swap3A_978], %get3A_974 {strides = array<i32>} : memref<12704xi32, #tpu.memory_space<vmem>>, vector<16xi32>,
      %mul3A_980 = arith.constant 16 : i32
      %mul3A_981 = arith.muli %while3A_968, %mul3A_980 : i32
      %add3A_982 = arith.constant 0 : i32
      %add3A_983 = arith.addi %add3A_982, %mul3A_981 : i32
      %get3A_984 = arith.index_cast %add3A_983 : i32 to index
      %get3A_985 = tpu.vector_load %arg10[%get3A_984] {strides = array<i32>} : memref<16400xi32, #tpu.memory_space<vmem>>, vector<16xi32>,
      %mul3A_986 = arith.constant 16 : i32
      %mul3A_987 = arith.muli %while3A_968, %mul3A_986 : i32
      %add3A_988 = arith.addi %while3A, %mul3A_987 : i32
      %swap3A_989 = arith.index_cast %add3A_988 : i32 to index
      %swap3A_990 = tpu.vector_load %arg12[%swap3A_989] {strides = array<i32>} : memref<12704xi32, #tpu.memory_space<vmem>>, vector<16xi32>,
      tpu.vector_store %arg12[%swap3A_989], %get3A_985 {strides = array<i32>} : memref<12704xi32, #tpu.memory_space<vmem>>, vector<16xi32>,
      %while3A_991 = arith.constant 0 : i32
      scf.yield %while3A_991 : i32
    }
    %add3A_111 = arith.constant 0 : i32
    %add3A_112 = arith.addi %add3A_111, %min3A : i32
    %slice3A_113 = vector.extract_strided_slice %sub3A {offsets = [1], sizes = [1], strides = [1]} : vector<16xi32> to vector<1xi32>
    %squeeze3A_114 = vector.extract %slice3A_113[0] : i32 from vector<1xi32>
    %sub3A_115 = arith.constant 12288 : i32
    %sub3A_116 = arith.subi %sub3A_115, %add3A_112 : i32
    %min3A_117 = arith.minsi %squeeze3A_114, %sub3A_116 : i32
    %add3A_118 = arith.constant 15 : i32
    %add3A_119 = arith.addi %min3A_117, %add3A_118 : i32
    %jit3A_120 = arith.constant 16 : i32
    %div3A_121 = arith.divsi %add3A_119, %jit3A_120 : i32
    %sign3A_122 = arith.constant 0 : i32
    %sign3A_123 = arith.cmpi sgt, %add3A_119, %sign3A_122 : i32
    %sign3A_124 = arith.extui %sign3A_123 : i1 to i32
    %sign3A_125 = arith.constant 0 : i32
    %sign3A_126 = arith.cmpi slt, %add3A_119, %sign3A_125 : i32
    %sign3A_127 = arith.extui %sign3A_126 : i1 to i32
    %sign3A_128 = arith.subi %sign3A_124, %sign3A_127 : i32
    %sign3A_129 = arith.constant 0 : i32
    %sign3A_130 = arith.cmpi sgt, %jit3A_120, %sign3A_129 : i32
    %sign3A_131 = arith.extui %sign3A_130 : i1 to i32
    %sign3A_132 = arith.constant 0 : i32
    %sign3A_133 = arith.cmpi slt, %jit3A_120, %sign3A_132 : i32
    %sign3A_134 = arith.extui %sign3A_133 : i1 to i32
    %sign3A_135 = arith.subi %sign3A_131, %sign3A_134 : i32
    %ne3A_136 = arith.cmpi ne, %sign3A_128, %sign3A_135 : i32
    %rem3A_137 = arith.remsi %add3A_119, %jit3A_120 : i32
    %ne3A_138 = arith.constant 0 : i32
    %ne3A_139 = arith.cmpi ne, %rem3A_137, %ne3A_138 : i32
    %and3A_140 = arith.andi %ne3A_136, %ne3A_139 : i1
    %sub3A_141 = arith.constant 1 : i32
    %sub3A_142 = arith.subi %div3A_121, %sub3A_141 : i32
    %select_n3A_143 = arith.select %and3A_140, %sub3A_142, %div3A_121 : i32
    %while3A_144 = arith.constant 0 : i32
    %while3A_145 = arith.constant 0 : i32
    %while3A_146 = arith.subi %select_n3A_143, %while3A_144 : i32
    %while3A_147 = arith.addi %while3A_144, %while3A_146 : i32
    %while3A_148 = arith.constant 1 : i32
    %while3A_149 = arith.divsi %while3A_146, %while3A_148 : i32
    %while3A_150 = arith.muli %while3A_149, %while3A_148 : i32
    %while3A_151 = arith.addi %while3A_144, %while3A_150 : i32
    %while3A_152 = arith.constant 1 : i32
    %while3A_153 = scf.for %while3A_968 = %while3A_144 to %while3A_151 step %while3A_152 iter_args(%while3A_969 = %while3A_145) -> (i32)  : i32 {
      %mul3A_970 = arith.constant 16 : i32
      %mul3A_971 = arith.muli %while3A_968, %mul3A_970 : i32
      %add3A_972 = arith.constant 1024 : i32
      %add3A_973 = arith.addi %add3A_972, %mul3A_971 : i32
      %get3A = arith.index_cast %add3A_973 : i32 to index
      %get3A_974 = tpu.vector_load %arg9[%get3A] {strides = array<i32>} : memref<16400xi32, #tpu.memory_space<vmem>>, vector<16xi32>,
      %mul3A_975 = arith.constant 16 : i32
      %mul3A_976 = arith.muli %while3A_968, %mul3A_975 : i32
      %add3A_977 = arith.addi %add3A_112, %mul3A_976 : i32
      %swap3A_978 = arith.index_cast %add3A_977 : i32 to index
      %swap3A_979 = tpu.vector_load %arg11[%swap3A_978] {strides = array<i32>} : memref<12704xi32, #tpu.memory_space<vmem>>, vector<16xi32>,
      tpu.vector_store %arg11[%swap3A_978], %get3A_974 {strides = array<i32>} : memref<12704xi32, #tpu.memory_space<vmem>>, vector<16xi32>,
      %mul3A_980 = arith.constant 16 : i32
      %mul3A_981 = arith.muli %while3A_968, %mul3A_980 : i32
      %add3A_982 = arith.constant 1024 : i32
      %add3A_983 = arith.addi %add3A_982, %mul3A_981 : i32
      %get3A_984 = arith.index_cast %add3A_983 : i32 to index
      %get3A_985 = tpu.vector_load %arg10[%get3A_984] {strides = array<i32>} : memref<16400xi32, #tpu.memory_space<vmem>>, vector<16xi32>,
      %mul3A_986 = arith.constant 16 : i32
      %mul3A_987 = arith.muli %while3A_968, %mul3A_986 : i32
      %add3A_988 = arith.addi %add3A_112, %mul3A_987 : i32
      %swap3A_989 = arith.index_cast %add3A_988 : i32 to index
      %swap3A_990 = tpu.vector_load %arg12[%swap3A_989] {strides = array<i32>} : memref<12704xi32, #tpu.memory_space<vmem>>, vector<16xi32>,
      tpu.vector_store %arg12[%swap3A_989], %get3A_985 {strides = array<i32>} : memref<12704xi32, #tpu.memory_space<vmem>>, vector<16xi32>,
      %while3A_991 = arith.constant 0 : i32
      scf.yield %while3A_991 : i32
    }
    %while3A_154 = arith.constant 1 : i32
    %while3A_155 = scf.for %while3A_968 = %while3A_151 to %while3A_147 step %while3A_154 iter_args(%while3A_969 = %while3A_153) -> (i32)  : i32 {
      %mul3A_970 = arith.constant 16 : i32
      %mul3A_971 = arith.muli %while3A_968, %mul3A_970 : i32
      %add3A_972 = arith.constant 1024 : i32
      %add3A_973 = arith.addi %add3A_972, %mul3A_971 : i32
      %get3A = arith.index_cast %add3A_973 : i32 to index
      %get3A_974 = tpu.vector_load %arg9[%get3A] {strides = array<i32>} : memref<16400xi32, #tpu.memory_space<vmem>>, vector<16xi32>,
      %mul3A_975 = arith.constant 16 : i32
      %mul3A_976 = arith.muli %while3A_968, %mul3A_975 : i32
      %add3A_977 = arith.addi %add3A_112, %mul3A_976 : i32
      %swap3A_978 = arith.index_cast %add3A_977 : i32 to index
      %swap3A_979 = tpu.vector_load %arg11[%swap3A_978] {strides = array<i32>} : memref<12704xi32, #tpu.memory_space<vmem>>, vector<16xi32>,
      tpu.vector_store %arg11[%swap3A_978], %get3A_974 {strides = array<i32>} : memref<12704xi32, #tpu.memory_space<vmem>>, vector<16xi32>,
      %mul3A_980 = arith.constant 16 : i32
      %mul3A_981 = arith.muli %while3A_968, %mul3A_980 : i32
      %add3A_982 = arith.constant 1024 : i32
      %add3A_983 = arith.addi %add3A_982, %mul3A_981 : i32
      %get3A_984 = arith.index_cast %add3A_983 : i32 to index
      %get3A_985 = tpu.vector_load %arg10[%get3A_984] {strides = array<i32>} : memref<16400xi32, #tpu.memory_space<vmem>>, vector<16xi32>,
      %mul3A_986 = arith.constant 16 : i32
      %mul3A_987 = arith.muli %while3A_968, %mul3A_986 : i32
      %add3A_988 = arith.addi %add3A_112, %mul3A_987 : i32
      %swap3A_989 = arith.index_cast %add3A_988 : i32 to index
      %swap3A_990 = tpu.vector_load %arg12[%swap3A_989] {strides = array<i32>} : memref<12704xi32, #tpu.memory_space<vmem>>, vector<16xi32>,
      tpu.vector_store %arg12[%swap3A_989], %get3A_985 {strides = array<i32>} : memref<12704xi32, #tpu.memory_space<vmem>>, vector<16xi32>,
      %while3A_991 = arith.constant 0 : i32
      scf.yield %while3A_991 : i32
    }
    %add3A_156 = arith.addi %add3A_112, %min3A_117 : i32
    %slice3A_157 = vector.extract_strided_slice %sub3A {offsets = [2], sizes = [1], strides = [1]} : vector<16xi32> to vector<1xi32>
    %squeeze3A_158 = vector.extract %slice3A_157[0] : i32 from vector<1xi32>
    %sub3A_159 = arith.constant 12288 : i32
    %sub3A_160 = arith.subi %sub3A_159, %add3A_156 : i32
    %min3A_161 = arith.minsi %squeeze3A_158, %sub3A_160 : i32
    %add3A_162 = arith.constant 15 : i32
    %add3A_163 = arith.addi %min3A_161, %add3A_162 : i32
    %jit3A_164 = arith.constant 16 : i32
    %div3A_165 = arith.divsi %add3A_163, %jit3A_164 : i32
    %sign3A_166 = arith.constant 0 : i32
    %sign3A_167 = arith.cmpi sgt, %add3A_163, %sign3A_166 : i32
    %sign3A_168 = arith.extui %sign3A_167 : i1 to i32
    %sign3A_169 = arith.constant 0 : i32
    %sign3A_170 = arith.cmpi slt, %add3A_163, %sign3A_169 : i32
    %sign3A_171 = arith.extui %sign3A_170 : i1 to i32
    %sign3A_172 = arith.subi %sign3A_168, %sign3A_171 : i32
    %sign3A_173 = arith.constant 0 : i32
    %sign3A_174 = arith.cmpi sgt, %jit3A_164, %sign3A_173 : i32
    %sign3A_175 = arith.extui %sign3A_174 : i1 to i32
    %sign3A_176 = arith.constant 0 : i32
    %sign3A_177 = arith.cmpi slt, %jit3A_164, %sign3A_176 : i32
    %sign3A_178 = arith.extui %sign3A_177 : i1 to i32
    %sign3A_179 = arith.subi %sign3A_175, %sign3A_178 : i32
    %ne3A_180 = arith.cmpi ne, %sign3A_172, %sign3A_179 : i32
    %rem3A_181 = arith.remsi %add3A_163, %jit3A_164 : i32
    %ne3A_182 = arith.constant 0 : i32
    %ne3A_183 = arith.cmpi ne, %rem3A_181, %ne3A_182 : i32
    %and3A_184 = arith.andi %ne3A_180, %ne3A_183 : i1
    %sub3A_185 = arith.constant 1 : i32
    %sub3A_186 = arith.subi %div3A_165, %sub3A_185 : i32
    %select_n3A_187 = arith.select %and3A_184, %sub3A_186, %div3A_165 : i32
    %while3A_188 = arith.constant 0 : i32
    %while3A_189 = arith.constant 0 : i32
    %while3A_190 = arith.subi %select_n3A_187, %while3A_188 : i32
    %while3A_191 = arith.addi %while3A_188, %while3A_190 : i32
    %while3A_192 = arith.constant 1 : i32
    %while3A_193 = arith.divsi %while3A_190, %while3A_192 : i32
    %while3A_194 = arith.muli %while3A_193, %while3A_192 : i32
    %while3A_195 = arith.addi %while3A_188, %while3A_194 : i32
    %while3A_196 = arith.constant 1 : i32
    %while3A_197 = scf.for %while3A_968 = %while3A_188 to %while3A_195 step %while3A_196 iter_args(%while3A_969 = %while3A_189) -> (i32)  : i32 {
      %mul3A_970 = arith.constant 16 : i32
      %mul3A_971 = arith.muli %while3A_968, %mul3A_970 : i32
      %add3A_972 = arith.constant 2048 : i32
      %add3A_973 = arith.addi %add3A_972, %mul3A_971 : i32
      %get3A = arith.index_cast %add3A_973 : i32 to index
      %get3A_974 = tpu.vector_load %arg9[%get3A] {strides = array<i32>} : memref<16400xi32, #tpu.memory_space<vmem>>, vector<16xi32>,
      %mul3A_975 = arith.constant 16 : i32
      %mul3A_976 = arith.muli %while3A_968, %mul3A_975 : i32
      %add3A_977 = arith.addi %add3A_156, %mul3A_976 : i32
      %swap3A_978 = arith.index_cast %add3A_977 : i32 to index
      %swap3A_979 = tpu.vector_load %arg11[%swap3A_978] {strides = array<i32>} : memref<12704xi32, #tpu.memory_space<vmem>>, vector<16xi32>,
      tpu.vector_store %arg11[%swap3A_978], %get3A_974 {strides = array<i32>} : memref<12704xi32, #tpu.memory_space<vmem>>, vector<16xi32>,
      %mul3A_980 = arith.constant 16 : i32
      %mul3A_981 = arith.muli %while3A_968, %mul3A_980 : i32
      %add3A_982 = arith.constant 2048 : i32
      %add3A_983 = arith.addi %add3A_982, %mul3A_981 : i32
      %get3A_984 = arith.index_cast %add3A_983 : i32 to index
      %get3A_985 = tpu.vector_load %arg10[%get3A_984] {strides = array<i32>} : memref<16400xi32, #tpu.memory_space<vmem>>, vector<16xi32>,
      %mul3A_986 = arith.constant 16 : i32
      %mul3A_987 = arith.muli %while3A_968, %mul3A_986 : i32
      %add3A_988 = arith.addi %add3A_156, %mul3A_987 : i32
      %swap3A_989 = arith.index_cast %add3A_988 : i32 to index
      %swap3A_990 = tpu.vector_load %arg12[%swap3A_989] {strides = array<i32>} : memref<12704xi32, #tpu.memory_space<vmem>>, vector<16xi32>,
      tpu.vector_store %arg12[%swap3A_989], %get3A_985 {strides = array<i32>} : memref<12704xi32, #tpu.memory_space<vmem>>, vector<16xi32>,
      %while3A_991 = arith.constant 0 : i32
      scf.yield %while3A_991 : i32
    }
    %while3A_198 = arith.constant 1 : i32
    %while3A_199 = scf.for %while3A_968 = %while3A_195 to %while3A_191 step %while3A_198 iter_args(%while3A_969 = %while3A_197) -> (i32)  : i32 {
      %mul3A_970 = arith.constant 16 : i32
      %mul3A_971 = arith.muli %while3A_968, %mul3A_970 : i32
      %add3A_972 = arith.constant 2048 : i32
      %add3A_973 = arith.addi %add3A_972, %mul3A_971 : i32
      %get3A = arith.index_cast %add3A_973 : i32 to index
      %get3A_974 = tpu.vector_load %arg9[%get3A] {strides = array<i32>} : memref<16400xi32, #tpu.memory_space<vmem>>, vector<16xi32>,
      %mul3A_975 = arith.constant 16 : i32
      %mul3A_976 = arith.muli %while3A_968, %mul3A_975 : i32
      %add3A_977 = arith.addi %add3A_156, %mul3A_976 : i32
      %swap3A_978 = arith.index_cast %add3A_977 : i32 to index
      %swap3A_979 = tpu.vector_load %arg11[%swap3A_978] {strides = array<i32>} : memref<12704xi32, #tpu.memory_space<vmem>>, vector<16xi32>,
      tpu.vector_store %arg11[%swap3A_978], %get3A_974 {strides = array<i32>} : memref<12704xi32, #tpu.memory_space<vmem>>, vector<16xi32>,
      %mul3A_980 = arith.constant 16 : i32
      %mul3A_981 = arith.muli %while3A_968, %mul3A_980 : i32
      %add3A_982 = arith.constant 2048 : i32
      %add3A_983 = arith.addi %add3A_982, %mul3A_981 : i32
      %get3A_984 = arith.index_cast %add3A_983 : i32 to index
      %get3A_985 = tpu.vector_load %arg10[%get3A_984] {strides = array<i32>} : memref<16400xi32, #tpu.memory_space<vmem>>, vector<16xi32>,
      %mul3A_986 = arith.constant 16 : i32
      %mul3A_987 = arith.muli %while3A_968, %mul3A_986 : i32
      %add3A_988 = arith.addi %add3A_156, %mul3A_987 : i32
      %swap3A_989 = arith.index_cast %add3A_988 : i32 to index
      %swap3A_990 = tpu.vector_load %arg12[%swap3A_989] {strides = array<i32>} : memref<12704xi32, #tpu.memory_space<vmem>>, vector<16xi32>,
      tpu.vector_store %arg12[%swap3A_989], %get3A_985 {strides = array<i32>} : memref<12704xi32, #tpu.memory_space<vmem>>, vector<16xi32>,
      %while3A_991 = arith.constant 0 : i32
      scf.yield %while3A_991 : i32
    }
    %add3A_200 = arith.addi %add3A_156, %min3A_161 : i32
    %slice3A_201 = vector.extract_strided_slice %sub3A {offsets = [3], sizes = [1], strides = [1]} : vector<16xi32> to vector<1xi32>
    %squeeze3A_202 = vector.extract %slice3A_201[0] : i32 from vector<1xi32>
    %sub3A_203 = arith.constant 12288 : i32
    %sub3A_204 = arith.subi %sub3A_203, %add3A_200 : i32
    %min3A_205 = arith.minsi %squeeze3A_202, %sub3A_204 : i32
    %add3A_206 = arith.constant 15 : i32
    %add3A_207 = arith.addi %min3A_205, %add3A_206 : i32
    %jit3A_208 = arith.constant 16 : i32
    %div3A_209 = arith.divsi %add3A_207, %jit3A_208 : i32
    %sign3A_210 = arith.constant 0 : i32
    %sign3A_211 = arith.cmpi sgt, %add3A_207, %sign3A_210 : i32
    %sign3A_212 = arith.extui %sign3A_211 : i1 to i32
    %sign3A_213 = arith.constant 0 : i32
    %sign3A_214 = arith.cmpi slt, %add3A_207, %sign3A_213 : i32
    %sign3A_215 = arith.extui %sign3A_214 : i1 to i32
    %sign3A_216 = arith.subi %sign3A_212, %sign3A_215 : i32
    %sign3A_217 = arith.constant 0 : i32
    %sign3A_218 = arith.cmpi sgt, %jit3A_208, %sign3A_217 : i32
    %sign3A_219 = arith.extui %sign3A_218 : i1 to i32
    %sign3A_220 = arith.constant 0 : i32
    %sign3A_221 = arith.cmpi slt, %jit3A_208, %sign3A_220 : i32
    %sign3A_222 = arith.extui %sign3A_221 : i1 to i32
    %sign3A_223 = arith.subi %sign3A_219, %sign3A_222 : i32
    %ne3A_224 = arith.cmpi ne, %sign3A_216, %sign3A_223 : i32
    %rem3A_225 = arith.remsi %add3A_207, %jit3A_208 : i32
    %ne3A_226 = arith.constant 0 : i32
    %ne3A_227 = arith.cmpi ne, %rem3A_225, %ne3A_226 : i32
    %and3A_228 = arith.andi %ne3A_224, %ne3A_227 : i1
    %sub3A_229 = arith.constant 1 : i32
    %sub3A_230 = arith.subi %div3A_209, %sub3A_229 : i32
    %select_n3A_231 = arith.select %and3A_228, %sub3A_230, %div3A_209 : i32
    %while3A_232 = arith.constant 0 : i32
    %while3A_233 = arith.constant 0 : i32
    %while3A_234 = arith.subi %select_n3A_231, %while3A_232 : i32
    %while3A_235 = arith.addi %while3A_232, %while3A_234 : i32
    %while3A_236 = arith.constant 1 : i32
    %while3A_237 = arith.divsi %while3A_234, %while3A_236 : i32
    %while3A_238 = arith.muli %while3A_237, %while3A_236 : i32
    %while3A_239 = arith.addi %while3A_232, %while3A_238 : i32
    %while3A_240 = arith.constant 1 : i32
    %while3A_241 = scf.for %while3A_968 = %while3A_232 to %while3A_239 step %while3A_240 iter_args(%while3A_969 = %while3A_233) -> (i32)  : i32 {
      %mul3A_970 = arith.constant 16 : i32
      %mul3A_971 = arith.muli %while3A_968, %mul3A_970 : i32
      %add3A_972 = arith.constant 3072 : i32
      %add3A_973 = arith.addi %add3A_972, %mul3A_971 : i32
      %get3A = arith.index_cast %add3A_973 : i32 to index
      %get3A_974 = tpu.vector_load %arg9[%get3A] {strides = array<i32>} : memref<16400xi32, #tpu.memory_space<vmem>>, vector<16xi32>,
      %mul3A_975 = arith.constant 16 : i32
      %mul3A_976 = arith.muli %while3A_968, %mul3A_975 : i32
      %add3A_977 = arith.addi %add3A_200, %mul3A_976 : i32
      %swap3A_978 = arith.index_cast %add3A_977 : i32 to index
      %swap3A_979 = tpu.vector_load %arg11[%swap3A_978] {strides = array<i32>} : memref<12704xi32, #tpu.memory_space<vmem>>, vector<16xi32>,
      tpu.vector_store %arg11[%swap3A_978], %get3A_974 {strides = array<i32>} : memref<12704xi32, #tpu.memory_space<vmem>>, vector<16xi32>,
      %mul3A_980 = arith.constant 16 : i32
      %mul3A_981 = arith.muli %while3A_968, %mul3A_980 : i32
      %add3A_982 = arith.constant 3072 : i32
      %add3A_983 = arith.addi %add3A_982, %mul3A_981 : i32
      %get3A_984 = arith.index_cast %add3A_983 : i32 to index
      %get3A_985 = tpu.vector_load %arg10[%get3A_984] {strides = array<i32>} : memref<16400xi32, #tpu.memory_space<vmem>>, vector<16xi32>,
      %mul3A_986 = arith.constant 16 : i32
      %mul3A_987 = arith.muli %while3A_968, %mul3A_986 : i32
      %add3A_988 = arith.addi %add3A_200, %mul3A_987 : i32
      %swap3A_989 = arith.index_cast %add3A_988 : i32 to index
      %swap3A_990 = tpu.vector_load %arg12[%swap3A_989] {strides = array<i32>} : memref<12704xi32, #tpu.memory_space<vmem>>, vector<16xi32>,
      tpu.vector_store %arg12[%swap3A_989], %get3A_985 {strides = array<i32>} : memref<12704xi32, #tpu.memory_space<vmem>>, vector<16xi32>,
      %while3A_991 = arith.constant 0 : i32
      scf.yield %while3A_991 : i32
    }
    %while3A_242 = arith.constant 1 : i32
    %while3A_243 = scf.for %while3A_968 = %while3A_239 to %while3A_235 step %while3A_242 iter_args(%while3A_969 = %while3A_241) -> (i32)  : i32 {
      %mul3A_970 = arith.constant 16 : i32
      %mul3A_971 = arith.muli %while3A_968, %mul3A_970 : i32
      %add3A_972 = arith.constant 3072 : i32
      %add3A_973 = arith.addi %add3A_972, %mul3A_971 : i32
      %get3A = arith.index_cast %add3A_973 : i32 to index
      %get3A_974 = tpu.vector_load %arg9[%get3A] {strides = array<i32>} : memref<16400xi32, #tpu.memory_space<vmem>>, vector<16xi32>,
      %mul3A_975 = arith.constant 16 : i32
      %mul3A_976 = arith.muli %while3A_968, %mul3A_975 : i32
      %add3A_977 = arith.addi %add3A_200, %mul3A_976 : i32
      %swap3A_978 = arith.index_cast %add3A_977 : i32 to index
      %swap3A_979 = tpu.vector_load %arg11[%swap3A_978] {strides = array<i32>} : memref<12704xi32, #tpu.memory_space<vmem>>, vector<16xi32>,
      tpu.vector_store %arg11[%swap3A_978], %get3A_974 {strides = array<i32>} : memref<12704xi32, #tpu.memory_space<vmem>>, vector<16xi32>,
      %mul3A_980 = arith.constant 16 : i32
      %mul3A_981 = arith.muli %while3A_968, %mul3A_980 : i32
      %add3A_982 = arith.constant 3072 : i32
      %add3A_983 = arith.addi %add3A_982, %mul3A_981 : i32
      %get3A_984 = arith.index_cast %add3A_983 : i32 to index
      %get3A_985 = tpu.vector_load %arg10[%get3A_984] {strides = array<i32>} : memref<16400xi32, #tpu.memory_space<vmem>>, vector<16xi32>,
      %mul3A_986 = arith.constant 16 : i32
      %mul3A_987 = arith.muli %while3A_968, %mul3A_986 : i32
      %add3A_988 = arith.addi %add3A_200, %mul3A_987 : i32
      %swap3A_989 = arith.index_cast %add3A_988 : i32 to index
      %swap3A_990 = tpu.vector_load %arg12[%swap3A_989] {strides = array<i32>} : memref<12704xi32, #tpu.memory_space<vmem>>, vector<16xi32>,
      tpu.vector_store %arg12[%swap3A_989], %get3A_985 {strides = array<i32>} : memref<12704xi32, #tpu.memory_space<vmem>>, vector<16xi32>,
      %while3A_991 = arith.constant 0 : i32
      scf.yield %while3A_991 : i32
    }
    %add3A_244 = arith.addi %add3A_200, %min3A_205 : i32
    %slice3A_245 = vector.extract_strided_slice %sub3A {offsets = [4], sizes = [1], strides = [1]} : vector<16xi32> to vector<1xi32>
    %squeeze3A_246 = vector.extract %slice3A_245[0] : i32 from vector<1xi32>
    %sub3A_247 = arith.constant 12288 : i32
    %sub3A_248 = arith.subi %sub3A_247, %add3A_244 : i32
    %min3A_249 = arith.minsi %squeeze3A_246, %sub3A_248 : i32
    %add3A_250 = arith.constant 15 : i32
    %add3A_251 = arith.addi %min3A_249, %add3A_250 : i32
    %jit3A_252 = arith.constant 16 : i32
    %div3A_253 = arith.divsi %add3A_251, %jit3A_252 : i32
    %sign3A_254 = arith.constant 0 : i32
    %sign3A_255 = arith.cmpi sgt, %add3A_251, %sign3A_254 : i32
    %sign3A_256 = arith.extui %sign3A_255 : i1 to i32
    %sign3A_257 = arith.constant 0 : i32
    %sign3A_258 = arith.cmpi slt, %add3A_251, %sign3A_257 : i32
    %sign3A_259 = arith.extui %sign3A_258 : i1 to i32
    %sign3A_260 = arith.subi %sign3A_256, %sign3A_259 : i32
    %sign3A_261 = arith.constant 0 : i32
    %sign3A_262 = arith.cmpi sgt, %jit3A_252, %sign3A_261 : i32
    %sign3A_263 = arith.extui %sign3A_262 : i1 to i32
    %sign3A_264 = arith.constant 0 : i32
    %sign3A_265 = arith.cmpi slt, %jit3A_252, %sign3A_264 : i32
    %sign3A_266 = arith.extui %sign3A_265 : i1 to i32
    %sign3A_267 = arith.subi %sign3A_263, %sign3A_266 : i32
    %ne3A_268 = arith.cmpi ne, %sign3A_260, %sign3A_267 : i32
    %rem3A_269 = arith.remsi %add3A_251, %jit3A_252 : i32
    %ne3A_270 = arith.constant 0 : i32
    %ne3A_271 = arith.cmpi ne, %rem3A_269, %ne3A_270 : i32
    %and3A_272 = arith.andi %ne3A_268, %ne3A_271 : i1
    %sub3A_273 = arith.constant 1 : i32
    %sub3A_274 = arith.subi %div3A_253, %sub3A_273 : i32
    %select_n3A_275 = arith.select %and3A_272, %sub3A_274, %div3A_253 : i32
    %while3A_276 = arith.constant 0 : i32
    %while3A_277 = arith.constant 0 : i32
    %while3A_278 = arith.subi %select_n3A_275, %while3A_276 : i32
    %while3A_279 = arith.addi %while3A_276, %while3A_278 : i32
    %while3A_280 = arith.constant 1 : i32
    %while3A_281 = arith.divsi %while3A_278, %while3A_280 : i32
    %while3A_282 = arith.muli %while3A_281, %while3A_280 : i32
    %while3A_283 = arith.addi %while3A_276, %while3A_282 : i32
    %while3A_284 = arith.constant 1 : i32
    %while3A_285 = scf.for %while3A_968 = %while3A_276 to %while3A_283 step %while3A_284 iter_args(%while3A_969 = %while3A_277) -> (i32)  : i32 {
      %mul3A_970 = arith.constant 16 : i32
      %mul3A_971 = arith.muli %while3A_968, %mul3A_970 : i32
      %add3A_972 = arith.constant 4096 : i32
      %add3A_973 = arith.addi %add3A_972, %mul3A_971 : i32
      %get3A = arith.index_cast %add3A_973 : i32 to index
      %get3A_974 = tpu.vector_load %arg9[%get3A] {strides = array<i32>} : memref<16400xi32, #tpu.memory_space<vmem>>, vector<16xi32>,
      %mul3A_975 = arith.constant 16 : i32
      %mul3A_976 = arith.muli %while3A_968, %mul3A_975 : i32
      %add3A_977 = arith.addi %add3A_244, %mul3A_976 : i32
      %swap3A_978 = arith.index_cast %add3A_977 : i32 to index
      %swap3A_979 = tpu.vector_load %arg11[%swap3A_978] {strides = array<i32>} : memref<12704xi32, #tpu.memory_space<vmem>>, vector<16xi32>,
      tpu.vector_store %arg11[%swap3A_978], %get3A_974 {strides = array<i32>} : memref<12704xi32, #tpu.memory_space<vmem>>, vector<16xi32>,
      %mul3A_980 = arith.constant 16 : i32
      %mul3A_981 = arith.muli %while3A_968, %mul3A_980 : i32
      %add3A_982 = arith.constant 4096 : i32
      %add3A_983 = arith.addi %add3A_982, %mul3A_981 : i32
      %get3A_984 = arith.index_cast %add3A_983 : i32 to index
      %get3A_985 = tpu.vector_load %arg10[%get3A_984] {strides = array<i32>} : memref<16400xi32, #tpu.memory_space<vmem>>, vector<16xi32>,
      %mul3A_986 = arith.constant 16 : i32
      %mul3A_987 = arith.muli %while3A_968, %mul3A_986 : i32
      %add3A_988 = arith.addi %add3A_244, %mul3A_987 : i32
      %swap3A_989 = arith.index_cast %add3A_988 : i32 to index
      %swap3A_990 = tpu.vector_load %arg12[%swap3A_989] {strides = array<i32>} : memref<12704xi32, #tpu.memory_space<vmem>>, vector<16xi32>,
      tpu.vector_store %arg12[%swap3A_989], %get3A_985 {strides = array<i32>} : memref<12704xi32, #tpu.memory_space<vmem>>, vector<16xi32>,
      %while3A_991 = arith.constant 0 : i32
      scf.yield %while3A_991 : i32
    }
    %while3A_286 = arith.constant 1 : i32
    %while3A_287 = scf.for %while3A_968 = %while3A_283 to %while3A_279 step %while3A_286 iter_args(%while3A_969 = %while3A_285) -> (i32)  : i32 {
      %mul3A_970 = arith.constant 16 : i32
      %mul3A_971 = arith.muli %while3A_968, %mul3A_970 : i32
      %add3A_972 = arith.constant 4096 : i32
      %add3A_973 = arith.addi %add3A_972, %mul3A_971 : i32
      %get3A = arith.index_cast %add3A_973 : i32 to index
      %get3A_974 = tpu.vector_load %arg9[%get3A] {strides = array<i32>} : memref<16400xi32, #tpu.memory_space<vmem>>, vector<16xi32>,
      %mul3A_975 = arith.constant 16 : i32
      %mul3A_976 = arith.muli %while3A_968, %mul3A_975 : i32
      %add3A_977 = arith.addi %add3A_244, %mul3A_976 : i32
      %swap3A_978 = arith.index_cast %add3A_977 : i32 to index
      %swap3A_979 = tpu.vector_load %arg11[%swap3A_978] {strides = array<i32>} : memref<12704xi32, #tpu.memory_space<vmem>>, vector<16xi32>,
      tpu.vector_store %arg11[%swap3A_978], %get3A_974 {strides = array<i32>} : memref<12704xi32, #tpu.memory_space<vmem>>, vector<16xi32>,
      %mul3A_980 = arith.constant 16 : i32
      %mul3A_981 = arith.muli %while3A_968, %mul3A_980 : i32
      %add3A_982 = arith.constant 4096 : i32
      %add3A_983 = arith.addi %add3A_982, %mul3A_981 : i32
      %get3A_984 = arith.index_cast %add3A_983 : i32 to index
      %get3A_985 = tpu.vector_load %arg10[%get3A_984] {strides = array<i32>} : memref<16400xi32, #tpu.memory_space<vmem>>, vector<16xi32>,
      %mul3A_986 = arith.constant 16 : i32
      %mul3A_987 = arith.muli %while3A_968, %mul3A_986 : i32
      %add3A_988 = arith.addi %add3A_244, %mul3A_987 : i32
      %swap3A_989 = arith.index_cast %add3A_988 : i32 to index
      %swap3A_990 = tpu.vector_load %arg12[%swap3A_989] {strides = array<i32>} : memref<12704xi32, #tpu.memory_space<vmem>>, vector<16xi32>,
      tpu.vector_store %arg12[%swap3A_989], %get3A_985 {strides = array<i32>} : memref<12704xi32, #tpu.memory_space<vmem>>, vector<16xi32>,
      %while3A_991 = arith.constant 0 : i32
      scf.yield %while3A_991 : i32
    }
    %add3A_288 = arith.addi %add3A_244, %min3A_249 : i32
    %slice3A_289 = vector.extract_strided_slice %sub3A {offsets = [5], sizes = [1], strides = [1]} : vector<16xi32> to vector<1xi32>
    %squeeze3A_290 = vector.extract %slice3A_289[0] : i32 from vector<1xi32>
    %sub3A_291 = arith.constant 12288 : i32
    %sub3A_292 = arith.subi %sub3A_291, %add3A_288 : i32
    %min3A_293 = arith.minsi %squeeze3A_290, %sub3A_292 : i32
    %add3A_294 = arith.constant 15 : i32
    %add3A_295 = arith.addi %min3A_293, %add3A_294 : i32
    %jit3A_296 = arith.constant 16 : i32
    %div3A_297 = arith.divsi %add3A_295, %jit3A_296 : i32
    %sign3A_298 = arith.constant 0 : i32
    %sign3A_299 = arith.cmpi sgt, %add3A_295, %sign3A_298 : i32
    %sign3A_300 = arith.extui %sign3A_299 : i1 to i32
    %sign3A_301 = arith.constant 0 : i32
    %sign3A_302 = arith.cmpi slt, %add3A_295, %sign3A_301 : i32
    %sign3A_303 = arith.extui %sign3A_302 : i1 to i32
    %sign3A_304 = arith.subi %sign3A_300, %sign3A_303 : i32
    %sign3A_305 = arith.constant 0 : i32
    %sign3A_306 = arith.cmpi sgt, %jit3A_296, %sign3A_305 : i32
    %sign3A_307 = arith.extui %sign3A_306 : i1 to i32
    %sign3A_308 = arith.constant 0 : i32
    %sign3A_309 = arith.cmpi slt, %jit3A_296, %sign3A_308 : i32
    %sign3A_310 = arith.extui %sign3A_309 : i1 to i32
    %sign3A_311 = arith.subi %sign3A_307, %sign3A_310 : i32
    %ne3A_312 = arith.cmpi ne, %sign3A_304, %sign3A_311 : i32
    %rem3A_313 = arith.remsi %add3A_295, %jit3A_296 : i32
    %ne3A_314 = arith.constant 0 : i32
    %ne3A_315 = arith.cmpi ne, %rem3A_313, %ne3A_314 : i32
    %and3A_316 = arith.andi %ne3A_312, %ne3A_315 : i1
    %sub3A_317 = arith.constant 1 : i32
    %sub3A_318 = arith.subi %div3A_297, %sub3A_317 : i32
    %select_n3A_319 = arith.select %and3A_316, %sub3A_318, %div3A_297 : i32
    %while3A_320 = arith.constant 0 : i32
    %while3A_321 = arith.constant 0 : i32
    %while3A_322 = arith.subi %select_n3A_319, %while3A_320 : i32
    %while3A_323 = arith.addi %while3A_320, %while3A_322 : i32
    %while3A_324 = arith.constant 1 : i32
    %while3A_325 = arith.divsi %while3A_322, %while3A_324 : i32
    %while3A_326 = arith.muli %while3A_325, %while3A_324 : i32
    %while3A_327 = arith.addi %while3A_320, %while3A_326 : i32
    %while3A_328 = arith.constant 1 : i32
    %while3A_329 = scf.for %while3A_968 = %while3A_320 to %while3A_327 step %while3A_328 iter_args(%while3A_969 = %while3A_321) -> (i32)  : i32 {
      %mul3A_970 = arith.constant 16 : i32
      %mul3A_971 = arith.muli %while3A_968, %mul3A_970 : i32
      %add3A_972 = arith.constant 5120 : i32
      %add3A_973 = arith.addi %add3A_972, %mul3A_971 : i32
      %get3A = arith.index_cast %add3A_973 : i32 to index
      %get3A_974 = tpu.vector_load %arg9[%get3A] {strides = array<i32>} : memref<16400xi32, #tpu.memory_space<vmem>>, vector<16xi32>,
      %mul3A_975 = arith.constant 16 : i32
      %mul3A_976 = arith.muli %while3A_968, %mul3A_975 : i32
      %add3A_977 = arith.addi %add3A_288, %mul3A_976 : i32
      %swap3A_978 = arith.index_cast %add3A_977 : i32 to index
      %swap3A_979 = tpu.vector_load %arg11[%swap3A_978] {strides = array<i32>} : memref<12704xi32, #tpu.memory_space<vmem>>, vector<16xi32>,
      tpu.vector_store %arg11[%swap3A_978], %get3A_974 {strides = array<i32>} : memref<12704xi32, #tpu.memory_space<vmem>>, vector<16xi32>,
      %mul3A_980 = arith.constant 16 : i32
      %mul3A_981 = arith.muli %while3A_968, %mul3A_980 : i32
      %add3A_982 = arith.constant 5120 : i32
      %add3A_983 = arith.addi %add3A_982, %mul3A_981 : i32
      %get3A_984 = arith.index_cast %add3A_983 : i32 to index
      %get3A_985 = tpu.vector_load %arg10[%get3A_984] {strides = array<i32>} : memref<16400xi32, #tpu.memory_space<vmem>>, vector<16xi32>,
      %mul3A_986 = arith.constant 16 : i32
      %mul3A_987 = arith.muli %while3A_968, %mul3A_986 : i32
      %add3A_988 = arith.addi %add3A_288, %mul3A_987 : i32
      %swap3A_989 = arith.index_cast %add3A_988 : i32 to index
      %swap3A_990 = tpu.vector_load %arg12[%swap3A_989] {strides = array<i32>} : memref<12704xi32, #tpu.memory_space<vmem>>, vector<16xi32>,
      tpu.vector_store %arg12[%swap3A_989], %get3A_985 {strides = array<i32>} : memref<12704xi32, #tpu.memory_space<vmem>>, vector<16xi32>,
      %while3A_991 = arith.constant 0 : i32
      scf.yield %while3A_991 : i32
    }
    %while3A_330 = arith.constant 1 : i32
    %while3A_331 = scf.for %while3A_968 = %while3A_327 to %while3A_323 step %while3A_330 iter_args(%while3A_969 = %while3A_329) -> (i32)  : i32 {
      %mul3A_970 = arith.constant 16 : i32
      %mul3A_971 = arith.muli %while3A_968, %mul3A_970 : i32
      %add3A_972 = arith.constant 5120 : i32
      %add3A_973 = arith.addi %add3A_972, %mul3A_971 : i32
      %get3A = arith.index_cast %add3A_973 : i32 to index
      %get3A_974 = tpu.vector_load %arg9[%get3A] {strides = array<i32>} : memref<16400xi32, #tpu.memory_space<vmem>>, vector<16xi32>,
      %mul3A_975 = arith.constant 16 : i32
      %mul3A_976 = arith.muli %while3A_968, %mul3A_975 : i32
      %add3A_977 = arith.addi %add3A_288, %mul3A_976 : i32
      %swap3A_978 = arith.index_cast %add3A_977 : i32 to index
      %swap3A_979 = tpu.vector_load %arg11[%swap3A_978] {strides = array<i32>} : memref<12704xi32, #tpu.memory_space<vmem>>, vector<16xi32>,
      tpu.vector_store %arg11[%swap3A_978], %get3A_974 {strides = array<i32>} : memref<12704xi32, #tpu.memory_space<vmem>>, vector<16xi32>,
      %mul3A_980 = arith.constant 16 : i32
      %mul3A_981 = arith.muli %while3A_968, %mul3A_980 : i32
      %add3A_982 = arith.constant 5120 : i32
      %add3A_983 = arith.addi %add3A_982, %mul3A_981 : i32
      %get3A_984 = arith.index_cast %add3A_983 : i32 to index
      %get3A_985 = tpu.vector_load %arg10[%get3A_984] {strides = array<i32>} : memref<16400xi32, #tpu.memory_space<vmem>>, vector<16xi32>,
      %mul3A_986 = arith.constant 16 : i32
      %mul3A_987 = arith.muli %while3A_968, %mul3A_986 : i32
      %add3A_988 = arith.addi %add3A_288, %mul3A_987 : i32
      %swap3A_989 = arith.index_cast %add3A_988 : i32 to index
      %swap3A_990 = tpu.vector_load %arg12[%swap3A_989] {strides = array<i32>} : memref<12704xi32, #tpu.memory_space<vmem>>, vector<16xi32>,
      tpu.vector_store %arg12[%swap3A_989], %get3A_985 {strides = array<i32>} : memref<12704xi32, #tpu.memory_space<vmem>>, vector<16xi32>,
      %while3A_991 = arith.constant 0 : i32
      scf.yield %while3A_991 : i32
    }
    %add3A_332 = arith.addi %add3A_288, %min3A_293 : i32
    %slice3A_333 = vector.extract_strided_slice %sub3A {offsets = [6], sizes = [1], strides = [1]} : vector<16xi32> to vector<1xi32>
    %squeeze3A_334 = vector.extract %slice3A_333[0] : i32 from vector<1xi32>
    %sub3A_335 = arith.constant 12288 : i32
    %sub3A_336 = arith.subi %sub3A_335, %add3A_332 : i32
    %min3A_337 = arith.minsi %squeeze3A_334, %sub3A_336 : i32
    %add3A_338 = arith.constant 15 : i32
    %add3A_339 = arith.addi %min3A_337, %add3A_338 : i32
    %jit3A_340 = arith.constant 16 : i32
    %div3A_341 = arith.divsi %add3A_339, %jit3A_340 : i32
    %sign3A_342 = arith.constant 0 : i32
    %sign3A_343 = arith.cmpi sgt, %add3A_339, %sign3A_342 : i32
    %sign3A_344 = arith.extui %sign3A_343 : i1 to i32
    %sign3A_345 = arith.constant 0 : i32
    %sign3A_346 = arith.cmpi slt, %add3A_339, %sign3A_345 : i32
    %sign3A_347 = arith.extui %sign3A_346 : i1 to i32
    %sign3A_348 = arith.subi %sign3A_344, %sign3A_347 : i32
    %sign3A_349 = arith.constant 0 : i32
    %sign3A_350 = arith.cmpi sgt, %jit3A_340, %sign3A_349 : i32
    %sign3A_351 = arith.extui %sign3A_350 : i1 to i32
    %sign3A_352 = arith.constant 0 : i32
    %sign3A_353 = arith.cmpi slt, %jit3A_340, %sign3A_352 : i32
    %sign3A_354 = arith.extui %sign3A_353 : i1 to i32
    %sign3A_355 = arith.subi %sign3A_351, %sign3A_354 : i32
    %ne3A_356 = arith.cmpi ne, %sign3A_348, %sign3A_355 : i32
    %rem3A_357 = arith.remsi %add3A_339, %jit3A_340 : i32
    %ne3A_358 = arith.constant 0 : i32
    %ne3A_359 = arith.cmpi ne, %rem3A_357, %ne3A_358 : i32
    %and3A_360 = arith.andi %ne3A_356, %ne3A_359 : i1
    %sub3A_361 = arith.constant 1 : i32
    %sub3A_362 = arith.subi %div3A_341, %sub3A_361 : i32
    %select_n3A_363 = arith.select %and3A_360, %sub3A_362, %div3A_341 : i32
    %while3A_364 = arith.constant 0 : i32
    %while3A_365 = arith.constant 0 : i32
    %while3A_366 = arith.subi %select_n3A_363, %while3A_364 : i32
    %while3A_367 = arith.addi %while3A_364, %while3A_366 : i32
    %while3A_368 = arith.constant 1 : i32
    %while3A_369 = arith.divsi %while3A_366, %while3A_368 : i32
    %while3A_370 = arith.muli %while3A_369, %while3A_368 : i32
    %while3A_371 = arith.addi %while3A_364, %while3A_370 : i32
    %while3A_372 = arith.constant 1 : i32
    %while3A_373 = scf.for %while3A_968 = %while3A_364 to %while3A_371 step %while3A_372 iter_args(%while3A_969 = %while3A_365) -> (i32)  : i32 {
      %mul3A_970 = arith.constant 16 : i32
      %mul3A_971 = arith.muli %while3A_968, %mul3A_970 : i32
      %add3A_972 = arith.constant 6144 : i32
      %add3A_973 = arith.addi %add3A_972, %mul3A_971 : i32
      %get3A = arith.index_cast %add3A_973 : i32 to index
      %get3A_974 = tpu.vector_load %arg9[%get3A] {strides = array<i32>} : memref<16400xi32, #tpu.memory_space<vmem>>, vector<16xi32>,
      %mul3A_975 = arith.constant 16 : i32
      %mul3A_976 = arith.muli %while3A_968, %mul3A_975 : i32
      %add3A_977 = arith.addi %add3A_332, %mul3A_976 : i32
      %swap3A_978 = arith.index_cast %add3A_977 : i32 to index
      %swap3A_979 = tpu.vector_load %arg11[%swap3A_978] {strides = array<i32>} : memref<12704xi32, #tpu.memory_space<vmem>>, vector<16xi32>,
      tpu.vector_store %arg11[%swap3A_978], %get3A_974 {strides = array<i32>} : memref<12704xi32, #tpu.memory_space<vmem>>, vector<16xi32>,
      %mul3A_980 = arith.constant 16 : i32
      %mul3A_981 = arith.muli %while3A_968, %mul3A_980 : i32
      %add3A_982 = arith.constant 6144 : i32
      %add3A_983 = arith.addi %add3A_982, %mul3A_981 : i32
      %get3A_984 = arith.index_cast %add3A_983 : i32 to index
      %get3A_985 = tpu.vector_load %arg10[%get3A_984] {strides = array<i32>} : memref<16400xi32, #tpu.memory_space<vmem>>, vector<16xi32>,
      %mul3A_986 = arith.constant 16 : i32
      %mul3A_987 = arith.muli %while3A_968, %mul3A_986 : i32
      %add3A_988 = arith.addi %add3A_332, %mul3A_987 : i32
      %swap3A_989 = arith.index_cast %add3A_988 : i32 to index
      %swap3A_990 = tpu.vector_load %arg12[%swap3A_989] {strides = array<i32>} : memref<12704xi32, #tpu.memory_space<vmem>>, vector<16xi32>,
      tpu.vector_store %arg12[%swap3A_989], %get3A_985 {strides = array<i32>} : memref<12704xi32, #tpu.memory_space<vmem>>, vector<16xi32>,
      %while3A_991 = arith.constant 0 : i32
      scf.yield %while3A_991 : i32
    }
    %while3A_374 = arith.constant 1 : i32
    %while3A_375 = scf.for %while3A_968 = %while3A_371 to %while3A_367 step %while3A_374 iter_args(%while3A_969 = %while3A_373) -> (i32)  : i32 {
      %mul3A_970 = arith.constant 16 : i32
      %mul3A_971 = arith.muli %while3A_968, %mul3A_970 : i32
      %add3A_972 = arith.constant 6144 : i32
      %add3A_973 = arith.addi %add3A_972, %mul3A_971 : i32
      %get3A = arith.index_cast %add3A_973 : i32 to index
      %get3A_974 = tpu.vector_load %arg9[%get3A] {strides = array<i32>} : memref<16400xi32, #tpu.memory_space<vmem>>, vector<16xi32>,
      %mul3A_975 = arith.constant 16 : i32
      %mul3A_976 = arith.muli %while3A_968, %mul3A_975 : i32
      %add3A_977 = arith.addi %add3A_332, %mul3A_976 : i32
      %swap3A_978 = arith.index_cast %add3A_977 : i32 to index
      %swap3A_979 = tpu.vector_load %arg11[%swap3A_978] {strides = array<i32>} : memref<12704xi32, #tpu.memory_space<vmem>>, vector<16xi32>,
      tpu.vector_store %arg11[%swap3A_978], %get3A_974 {strides = array<i32>} : memref<12704xi32, #tpu.memory_space<vmem>>, vector<16xi32>,
      %mul3A_980 = arith.constant 16 : i32
      %mul3A_981 = arith.muli %while3A_968, %mul3A_980 : i32
      %add3A_982 = arith.constant 6144 : i32
      %add3A_983 = arith.addi %add3A_982, %mul3A_981 : i32
      %get3A_984 = arith.index_cast %add3A_983 : i32 to index
      %get3A_985 = tpu.vector_load %arg10[%get3A_984] {strides = array<i32>} : memref<16400xi32, #tpu.memory_space<vmem>>, vector<16xi32>,
      %mul3A_986 = arith.constant 16 : i32
      %mul3A_987 = arith.muli %while3A_968, %mul3A_986 : i32
      %add3A_988 = arith.addi %add3A_332, %mul3A_987 : i32
      %swap3A_989 = arith.index_cast %add3A_988 : i32 to index
      %swap3A_990 = tpu.vector_load %arg12[%swap3A_989] {strides = array<i32>} : memref<12704xi32, #tpu.memory_space<vmem>>, vector<16xi32>,
      tpu.vector_store %arg12[%swap3A_989], %get3A_985 {strides = array<i32>} : memref<12704xi32, #tpu.memory_space<vmem>>, vector<16xi32>,
      %while3A_991 = arith.constant 0 : i32
      scf.yield %while3A_991 : i32
    }
    %add3A_376 = arith.addi %add3A_332, %min3A_337 : i32
    %slice3A_377 = vector.extract_strided_slice %sub3A {offsets = [7], sizes = [1], strides = [1]} : vector<16xi32> to vector<1xi32>
    %squeeze3A_378 = vector.extract %slice3A_377[0] : i32 from vector<1xi32>
    %sub3A_379 = arith.constant 12288 : i32
    %sub3A_380 = arith.subi %sub3A_379, %add3A_376 : i32
    %min3A_381 = arith.minsi %squeeze3A_378, %sub3A_380 : i32
    %add3A_382 = arith.constant 15 : i32
    %add3A_383 = arith.addi %min3A_381, %add3A_382 : i32
    %jit3A_384 = arith.constant 16 : i32
    %div3A_385 = arith.divsi %add3A_383, %jit3A_384 : i32
    %sign3A_386 = arith.constant 0 : i32
    %sign3A_387 = arith.cmpi sgt, %add3A_383, %sign3A_386 : i32
    %sign3A_388 = arith.extui %sign3A_387 : i1 to i32
    %sign3A_389 = arith.constant 0 : i32
    %sign3A_390 = arith.cmpi slt, %add3A_383, %sign3A_389 : i32
    %sign3A_391 = arith.extui %sign3A_390 : i1 to i32
    %sign3A_392 = arith.subi %sign3A_388, %sign3A_391 : i32
    %sign3A_393 = arith.constant 0 : i32
    %sign3A_394 = arith.cmpi sgt, %jit3A_384, %sign3A_393 : i32
    %sign3A_395 = arith.extui %sign3A_394 : i1 to i32
    %sign3A_396 = arith.constant 0 : i32
    %sign3A_397 = arith.cmpi slt, %jit3A_384, %sign3A_396 : i32
    %sign3A_398 = arith.extui %sign3A_397 : i1 to i32
    %sign3A_399 = arith.subi %sign3A_395, %sign3A_398 : i32
    %ne3A_400 = arith.cmpi ne, %sign3A_392, %sign3A_399 : i32
    %rem3A_401 = arith.remsi %add3A_383, %jit3A_384 : i32
    %ne3A_402 = arith.constant 0 : i32
    %ne3A_403 = arith.cmpi ne, %rem3A_401, %ne3A_402 : i32
    %and3A_404 = arith.andi %ne3A_400, %ne3A_403 : i1
    %sub3A_405 = arith.constant 1 : i32
    %sub3A_406 = arith.subi %div3A_385, %sub3A_405 : i32
    %select_n3A_407 = arith.select %and3A_404, %sub3A_406, %div3A_385 : i32
    %while3A_408 = arith.constant 0 : i32
    %while3A_409 = arith.constant 0 : i32
    %while3A_410 = arith.subi %select_n3A_407, %while3A_408 : i32
    %while3A_411 = arith.addi %while3A_408, %while3A_410 : i32
    %while3A_412 = arith.constant 1 : i32
    %while3A_413 = arith.divsi %while3A_410, %while3A_412 : i32
    %while3A_414 = arith.muli %while3A_413, %while3A_412 : i32
    %while3A_415 = arith.addi %while3A_408, %while3A_414 : i32
    %while3A_416 = arith.constant 1 : i32
    %while3A_417 = scf.for %while3A_968 = %while3A_408 to %while3A_415 step %while3A_416 iter_args(%while3A_969 = %while3A_409) -> (i32)  : i32 {
      %mul3A_970 = arith.constant 16 : i32
      %mul3A_971 = arith.muli %while3A_968, %mul3A_970 : i32
      %add3A_972 = arith.constant 7168 : i32
      %add3A_973 = arith.addi %add3A_972, %mul3A_971 : i32
      %get3A = arith.index_cast %add3A_973 : i32 to index
      %get3A_974 = tpu.vector_load %arg9[%get3A] {strides = array<i32>} : memref<16400xi32, #tpu.memory_space<vmem>>, vector<16xi32>,
      %mul3A_975 = arith.constant 16 : i32
      %mul3A_976 = arith.muli %while3A_968, %mul3A_975 : i32
      %add3A_977 = arith.addi %add3A_376, %mul3A_976 : i32
      %swap3A_978 = arith.index_cast %add3A_977 : i32 to index
      %swap3A_979 = tpu.vector_load %arg11[%swap3A_978] {strides = array<i32>} : memref<12704xi32, #tpu.memory_space<vmem>>, vector<16xi32>,
      tpu.vector_store %arg11[%swap3A_978], %get3A_974 {strides = array<i32>} : memref<12704xi32, #tpu.memory_space<vmem>>, vector<16xi32>,
      %mul3A_980 = arith.constant 16 : i32
      %mul3A_981 = arith.muli %while3A_968, %mul3A_980 : i32
      %add3A_982 = arith.constant 7168 : i32
      %add3A_983 = arith.addi %add3A_982, %mul3A_981 : i32
      %get3A_984 = arith.index_cast %add3A_983 : i32 to index
      %get3A_985 = tpu.vector_load %arg10[%get3A_984] {strides = array<i32>} : memref<16400xi32, #tpu.memory_space<vmem>>, vector<16xi32>,
      %mul3A_986 = arith.constant 16 : i32
      %mul3A_987 = arith.muli %while3A_968, %mul3A_986 : i32
      %add3A_988 = arith.addi %add3A_376, %mul3A_987 : i32
      %swap3A_989 = arith.index_cast %add3A_988 : i32 to index
      %swap3A_990 = tpu.vector_load %arg12[%swap3A_989] {strides = array<i32>} : memref<12704xi32, #tpu.memory_space<vmem>>, vector<16xi32>,
      tpu.vector_store %arg12[%swap3A_989], %get3A_985 {strides = array<i32>} : memref<12704xi32, #tpu.memory_space<vmem>>, vector<16xi32>,
      %while3A_991 = arith.constant 0 : i32
      scf.yield %while3A_991 : i32
    }
    %while3A_418 = arith.constant 1 : i32
    %while3A_419 = scf.for %while3A_968 = %while3A_415 to %while3A_411 step %while3A_418 iter_args(%while3A_969 = %while3A_417) -> (i32)  : i32 {
      %mul3A_970 = arith.constant 16 : i32
      %mul3A_971 = arith.muli %while3A_968, %mul3A_970 : i32
      %add3A_972 = arith.constant 7168 : i32
      %add3A_973 = arith.addi %add3A_972, %mul3A_971 : i32
      %get3A = arith.index_cast %add3A_973 : i32 to index
      %get3A_974 = tpu.vector_load %arg9[%get3A] {strides = array<i32>} : memref<16400xi32, #tpu.memory_space<vmem>>, vector<16xi32>,
      %mul3A_975 = arith.constant 16 : i32
      %mul3A_976 = arith.muli %while3A_968, %mul3A_975 : i32
      %add3A_977 = arith.addi %add3A_376, %mul3A_976 : i32
      %swap3A_978 = arith.index_cast %add3A_977 : i32 to index
      %swap3A_979 = tpu.vector_load %arg11[%swap3A_978] {strides = array<i32>} : memref<12704xi32, #tpu.memory_space<vmem>>, vector<16xi32>,
      tpu.vector_store %arg11[%swap3A_978], %get3A_974 {strides = array<i32>} : memref<12704xi32, #tpu.memory_space<vmem>>, vector<16xi32>,
      %mul3A_980 = arith.constant 16 : i32
      %mul3A_981 = arith.muli %while3A_968, %mul3A_980 : i32
      %add3A_982 = arith.constant 7168 : i32
      %add3A_983 = arith.addi %add3A_982, %mul3A_981 : i32
      %get3A_984 = arith.index_cast %add3A_983 : i32 to index
      %get3A_985 = tpu.vector_load %arg10[%get3A_984] {strides = array<i32>} : memref<16400xi32, #tpu.memory_space<vmem>>, vector<16xi32>,
      %mul3A_986 = arith.constant 16 : i32
      %mul3A_987 = arith.muli %while3A_968, %mul3A_986 : i32
      %add3A_988 = arith.addi %add3A_376, %mul3A_987 : i32
      %swap3A_989 = arith.index_cast %add3A_988 : i32 to index
      %swap3A_990 = tpu.vector_load %arg12[%swap3A_989] {strides = array<i32>} : memref<12704xi32, #tpu.memory_space<vmem>>, vector<16xi32>,
      tpu.vector_store %arg12[%swap3A_989], %get3A_985 {strides = array<i32>} : memref<12704xi32, #tpu.memory_space<vmem>>, vector<16xi32>,
      %while3A_991 = arith.constant 0 : i32
      scf.yield %while3A_991 : i32
    }
    %add3A_420 = arith.addi %add3A_376, %min3A_381 : i32
    %slice3A_421 = vector.extract_strided_slice %sub3A {offsets = [8], sizes = [1], strides = [1]} : vector<16xi32> to vector<1xi32>
    %squeeze3A_422 = vector.extract %slice3A_421[0] : i32 from vector<1xi32>
    %sub3A_423 = arith.constant 12288 : i32
    %sub3A_424 = arith.subi %sub3A_423, %add3A_420 : i32
    %min3A_425 = arith.minsi %squeeze3A_422, %sub3A_424 : i32
    %add3A_426 = arith.constant 15 : i32
    %add3A_427 = arith.addi %min3A_425, %add3A_426 : i32
    %jit3A_428 = arith.constant 16 : i32
    %div3A_429 = arith.divsi %add3A_427, %jit3A_428 : i32
    %sign3A_430 = arith.constant 0 : i32
    %sign3A_431 = arith.cmpi sgt, %add3A_427, %sign3A_430 : i32
    %sign3A_432 = arith.extui %sign3A_431 : i1 to i32
    %sign3A_433 = arith.constant 0 : i32
    %sign3A_434 = arith.cmpi slt, %add3A_427, %sign3A_433 : i32
    %sign3A_435 = arith.extui %sign3A_434 : i1 to i32
    %sign3A_436 = arith.subi %sign3A_432, %sign3A_435 : i32
    %sign3A_437 = arith.constant 0 : i32
    %sign3A_438 = arith.cmpi sgt, %jit3A_428, %sign3A_437 : i32
    %sign3A_439 = arith.extui %sign3A_438 : i1 to i32
    %sign3A_440 = arith.constant 0 : i32
    %sign3A_441 = arith.cmpi slt, %jit3A_428, %sign3A_440 : i32
    %sign3A_442 = arith.extui %sign3A_441 : i1 to i32
    %sign3A_443 = arith.subi %sign3A_439, %sign3A_442 : i32
    %ne3A_444 = arith.cmpi ne, %sign3A_436, %sign3A_443 : i32
    %rem3A_445 = arith.remsi %add3A_427, %jit3A_428 : i32
    %ne3A_446 = arith.constant 0 : i32
    %ne3A_447 = arith.cmpi ne, %rem3A_445, %ne3A_446 : i32
    %and3A_448 = arith.andi %ne3A_444, %ne3A_447 : i1
    %sub3A_449 = arith.constant 1 : i32
    %sub3A_450 = arith.subi %div3A_429, %sub3A_449 : i32
    %select_n3A_451 = arith.select %and3A_448, %sub3A_450, %div3A_429 : i32
    %while3A_452 = arith.constant 0 : i32
    %while3A_453 = arith.constant 0 : i32
    %while3A_454 = arith.subi %select_n3A_451, %while3A_452 : i32
    %while3A_455 = arith.addi %while3A_452, %while3A_454 : i32
    %while3A_456 = arith.constant 1 : i32
    %while3A_457 = arith.divsi %while3A_454, %while3A_456 : i32
    %while3A_458 = arith.muli %while3A_457, %while3A_456 : i32
    %while3A_459 = arith.addi %while3A_452, %while3A_458 : i32
    %while3A_460 = arith.constant 1 : i32
    %while3A_461 = scf.for %while3A_968 = %while3A_452 to %while3A_459 step %while3A_460 iter_args(%while3A_969 = %while3A_453) -> (i32)  : i32 {
      %mul3A_970 = arith.constant 16 : i32
      %mul3A_971 = arith.muli %while3A_968, %mul3A_970 : i32
      %add3A_972 = arith.constant 8192 : i32
      %add3A_973 = arith.addi %add3A_972, %mul3A_971 : i32
      %get3A = arith.index_cast %add3A_973 : i32 to index
      %get3A_974 = tpu.vector_load %arg9[%get3A] {strides = array<i32>} : memref<16400xi32, #tpu.memory_space<vmem>>, vector<16xi32>,
      %mul3A_975 = arith.constant 16 : i32
      %mul3A_976 = arith.muli %while3A_968, %mul3A_975 : i32
      %add3A_977 = arith.addi %add3A_420, %mul3A_976 : i32
      %swap3A_978 = arith.index_cast %add3A_977 : i32 to index
      %swap3A_979 = tpu.vector_load %arg11[%swap3A_978] {strides = array<i32>} : memref<12704xi32, #tpu.memory_space<vmem>>, vector<16xi32>,
      tpu.vector_store %arg11[%swap3A_978], %get3A_974 {strides = array<i32>} : memref<12704xi32, #tpu.memory_space<vmem>>, vector<16xi32>,
      %mul3A_980 = arith.constant 16 : i32
      %mul3A_981 = arith.muli %while3A_968, %mul3A_980 : i32
      %add3A_982 = arith.constant 8192 : i32
      %add3A_983 = arith.addi %add3A_982, %mul3A_981 : i32
      %get3A_984 = arith.index_cast %add3A_983 : i32 to index
      %get3A_985 = tpu.vector_load %arg10[%get3A_984] {strides = array<i32>} : memref<16400xi32, #tpu.memory_space<vmem>>, vector<16xi32>,
      %mul3A_986 = arith.constant 16 : i32
      %mul3A_987 = arith.muli %while3A_968, %mul3A_986 : i32
      %add3A_988 = arith.addi %add3A_420, %mul3A_987 : i32
      %swap3A_989 = arith.index_cast %add3A_988 : i32 to index
      %swap3A_990 = tpu.vector_load %arg12[%swap3A_989] {strides = array<i32>} : memref<12704xi32, #tpu.memory_space<vmem>>, vector<16xi32>,
      tpu.vector_store %arg12[%swap3A_989], %get3A_985 {strides = array<i32>} : memref<12704xi32, #tpu.memory_space<vmem>>, vector<16xi32>,
      %while3A_991 = arith.constant 0 : i32
      scf.yield %while3A_991 : i32
    }
    %while3A_462 = arith.constant 1 : i32
    %while3A_463 = scf.for %while3A_968 = %while3A_459 to %while3A_455 step %while3A_462 iter_args(%while3A_969 = %while3A_461) -> (i32)  : i32 {
      %mul3A_970 = arith.constant 16 : i32
      %mul3A_971 = arith.muli %while3A_968, %mul3A_970 : i32
      %add3A_972 = arith.constant 8192 : i32
      %add3A_973 = arith.addi %add3A_972, %mul3A_971 : i32
      %get3A = arith.index_cast %add3A_973 : i32 to index
      %get3A_974 = tpu.vector_load %arg9[%get3A] {strides = array<i32>} : memref<16400xi32, #tpu.memory_space<vmem>>, vector<16xi32>,
      %mul3A_975 = arith.constant 16 : i32
      %mul3A_976 = arith.muli %while3A_968, %mul3A_975 : i32
      %add3A_977 = arith.addi %add3A_420, %mul3A_976 : i32
      %swap3A_978 = arith.index_cast %add3A_977 : i32 to index
      %swap3A_979 = tpu.vector_load %arg11[%swap3A_978] {strides = array<i32>} : memref<12704xi32, #tpu.memory_space<vmem>>, vector<16xi32>,
      tpu.vector_store %arg11[%swap3A_978], %get3A_974 {strides = array<i32>} : memref<12704xi32, #tpu.memory_space<vmem>>, vector<16xi32>,
      %mul3A_980 = arith.constant 16 : i32
      %mul3A_981 = arith.muli %while3A_968, %mul3A_980 : i32
      %add3A_982 = arith.constant 8192 : i32
      %add3A_983 = arith.addi %add3A_982, %mul3A_981 : i32
      %get3A_984 = arith.index_cast %add3A_983 : i32 to index
      %get3A_985 = tpu.vector_load %arg10[%get3A_984] {strides = array<i32>} : memref<16400xi32, #tpu.memory_space<vmem>>, vector<16xi32>,
      %mul3A_986 = arith.constant 16 : i32
      %mul3A_987 = arith.muli %while3A_968, %mul3A_986 : i32
      %add3A_988 = arith.addi %add3A_420, %mul3A_987 : i32
      %swap3A_989 = arith.index_cast %add3A_988 : i32 to index
      %swap3A_990 = tpu.vector_load %arg12[%swap3A_989] {strides = array<i32>} : memref<12704xi32, #tpu.memory_space<vmem>>, vector<16xi32>,
      tpu.vector_store %arg12[%swap3A_989], %get3A_985 {strides = array<i32>} : memref<12704xi32, #tpu.memory_space<vmem>>, vector<16xi32>,
      %while3A_991 = arith.constant 0 : i32
      scf.yield %while3A_991 : i32
    }
    %add3A_464 = arith.addi %add3A_420, %min3A_425 : i32
    %slice3A_465 = vector.extract_strided_slice %sub3A {offsets = [9], sizes = [1], strides = [1]} : vector<16xi32> to vector<1xi32>
    %squeeze3A_466 = vector.extract %slice3A_465[0] : i32 from vector<1xi32>
    %sub3A_467 = arith.constant 12288 : i32
    %sub3A_468 = arith.subi %sub3A_467, %add3A_464 : i32
    %min3A_469 = arith.minsi %squeeze3A_466, %sub3A_468 : i32
    %add3A_470 = arith.constant 15 : i32
    %add3A_471 = arith.addi %min3A_469, %add3A_470 : i32
    %jit3A_472 = arith.constant 16 : i32
    %div3A_473 = arith.divsi %add3A_471, %jit3A_472 : i32
    %sign3A_474 = arith.constant 0 : i32
    %sign3A_475 = arith.cmpi sgt, %add3A_471, %sign3A_474 : i32
    %sign3A_476 = arith.extui %sign3A_475 : i1 to i32
    %sign3A_477 = arith.constant 0 : i32
    %sign3A_478 = arith.cmpi slt, %add3A_471, %sign3A_477 : i32
    %sign3A_479 = arith.extui %sign3A_478 : i1 to i32
    %sign3A_480 = arith.subi %sign3A_476, %sign3A_479 : i32
    %sign3A_481 = arith.constant 0 : i32
    %sign3A_482 = arith.cmpi sgt, %jit3A_472, %sign3A_481 : i32
    %sign3A_483 = arith.extui %sign3A_482 : i1 to i32
    %sign3A_484 = arith.constant 0 : i32
    %sign3A_485 = arith.cmpi slt, %jit3A_472, %sign3A_484 : i32
    %sign3A_486 = arith.extui %sign3A_485 : i1 to i32
    %sign3A_487 = arith.subi %sign3A_483, %sign3A_486 : i32
    %ne3A_488 = arith.cmpi ne, %sign3A_480, %sign3A_487 : i32
    %rem3A_489 = arith.remsi %add3A_471, %jit3A_472 : i32
    %ne3A_490 = arith.constant 0 : i32
    %ne3A_491 = arith.cmpi ne, %rem3A_489, %ne3A_490 : i32
    %and3A_492 = arith.andi %ne3A_488, %ne3A_491 : i1
    %sub3A_493 = arith.constant 1 : i32
    %sub3A_494 = arith.subi %div3A_473, %sub3A_493 : i32
    %select_n3A_495 = arith.select %and3A_492, %sub3A_494, %div3A_473 : i32
    %while3A_496 = arith.constant 0 : i32
    %while3A_497 = arith.constant 0 : i32
    %while3A_498 = arith.subi %select_n3A_495, %while3A_496 : i32
    %while3A_499 = arith.addi %while3A_496, %while3A_498 : i32
    %while3A_500 = arith.constant 1 : i32
    %while3A_501 = arith.divsi %while3A_498, %while3A_500 : i32
    %while3A_502 = arith.muli %while3A_501, %while3A_500 : i32
    %while3A_503 = arith.addi %while3A_496, %while3A_502 : i32
    %while3A_504 = arith.constant 1 : i32
    %while3A_505 = scf.for %while3A_968 = %while3A_496 to %while3A_503 step %while3A_504 iter_args(%while3A_969 = %while3A_497) -> (i32)  : i32 {
      %mul3A_970 = arith.constant 16 : i32
      %mul3A_971 = arith.muli %while3A_968, %mul3A_970 : i32
      %add3A_972 = arith.constant 9216 : i32
      %add3A_973 = arith.addi %add3A_972, %mul3A_971 : i32
      %get3A = arith.index_cast %add3A_973 : i32 to index
      %get3A_974 = tpu.vector_load %arg9[%get3A] {strides = array<i32>} : memref<16400xi32, #tpu.memory_space<vmem>>, vector<16xi32>,
      %mul3A_975 = arith.constant 16 : i32
      %mul3A_976 = arith.muli %while3A_968, %mul3A_975 : i32
      %add3A_977 = arith.addi %add3A_464, %mul3A_976 : i32
      %swap3A_978 = arith.index_cast %add3A_977 : i32 to index
      %swap3A_979 = tpu.vector_load %arg11[%swap3A_978] {strides = array<i32>} : memref<12704xi32, #tpu.memory_space<vmem>>, vector<16xi32>,
      tpu.vector_store %arg11[%swap3A_978], %get3A_974 {strides = array<i32>} : memref<12704xi32, #tpu.memory_space<vmem>>, vector<16xi32>,
      %mul3A_980 = arith.constant 16 : i32
      %mul3A_981 = arith.muli %while3A_968, %mul3A_980 : i32
      %add3A_982 = arith.constant 9216 : i32
      %add3A_983 = arith.addi %add3A_982, %mul3A_981 : i32
      %get3A_984 = arith.index_cast %add3A_983 : i32 to index
      %get3A_985 = tpu.vector_load %arg10[%get3A_984] {strides = array<i32>} : memref<16400xi32, #tpu.memory_space<vmem>>, vector<16xi32>,
      %mul3A_986 = arith.constant 16 : i32
      %mul3A_987 = arith.muli %while3A_968, %mul3A_986 : i32
      %add3A_988 = arith.addi %add3A_464, %mul3A_987 : i32
      %swap3A_989 = arith.index_cast %add3A_988 : i32 to index
      %swap3A_990 = tpu.vector_load %arg12[%swap3A_989] {strides = array<i32>} : memref<12704xi32, #tpu.memory_space<vmem>>, vector<16xi32>,
      tpu.vector_store %arg12[%swap3A_989], %get3A_985 {strides = array<i32>} : memref<12704xi32, #tpu.memory_space<vmem>>, vector<16xi32>,
      %while3A_991 = arith.constant 0 : i32
      scf.yield %while3A_991 : i32
    }
    %while3A_506 = arith.constant 1 : i32
    %while3A_507 = scf.for %while3A_968 = %while3A_503 to %while3A_499 step %while3A_506 iter_args(%while3A_969 = %while3A_505) -> (i32)  : i32 {
      %mul3A_970 = arith.constant 16 : i32
      %mul3A_971 = arith.muli %while3A_968, %mul3A_970 : i32
      %add3A_972 = arith.constant 9216 : i32
      %add3A_973 = arith.addi %add3A_972, %mul3A_971 : i32
      %get3A = arith.index_cast %add3A_973 : i32 to index
      %get3A_974 = tpu.vector_load %arg9[%get3A] {strides = array<i32>} : memref<16400xi32, #tpu.memory_space<vmem>>, vector<16xi32>,
      %mul3A_975 = arith.constant 16 : i32
      %mul3A_976 = arith.muli %while3A_968, %mul3A_975 : i32
      %add3A_977 = arith.addi %add3A_464, %mul3A_976 : i32
      %swap3A_978 = arith.index_cast %add3A_977 : i32 to index
      %swap3A_979 = tpu.vector_load %arg11[%swap3A_978] {strides = array<i32>} : memref<12704xi32, #tpu.memory_space<vmem>>, vector<16xi32>,
      tpu.vector_store %arg11[%swap3A_978], %get3A_974 {strides = array<i32>} : memref<12704xi32, #tpu.memory_space<vmem>>, vector<16xi32>,
      %mul3A_980 = arith.constant 16 : i32
      %mul3A_981 = arith.muli %while3A_968, %mul3A_980 : i32
      %add3A_982 = arith.constant 9216 : i32
      %add3A_983 = arith.addi %add3A_982, %mul3A_981 : i32
      %get3A_984 = arith.index_cast %add3A_983 : i32 to index
      %get3A_985 = tpu.vector_load %arg10[%get3A_984] {strides = array<i32>} : memref<16400xi32, #tpu.memory_space<vmem>>, vector<16xi32>,
      %mul3A_986 = arith.constant 16 : i32
      %mul3A_987 = arith.muli %while3A_968, %mul3A_986 : i32
      %add3A_988 = arith.addi %add3A_464, %mul3A_987 : i32
      %swap3A_989 = arith.index_cast %add3A_988 : i32 to index
      %swap3A_990 = tpu.vector_load %arg12[%swap3A_989] {strides = array<i32>} : memref<12704xi32, #tpu.memory_space<vmem>>, vector<16xi32>,
      tpu.vector_store %arg12[%swap3A_989], %get3A_985 {strides = array<i32>} : memref<12704xi32, #tpu.memory_space<vmem>>, vector<16xi32>,
      %while3A_991 = arith.constant 0 : i32
      scf.yield %while3A_991 : i32
    }
    %add3A_508 = arith.addi %add3A_464, %min3A_469 : i32
    %slice3A_509 = vector.extract_strided_slice %sub3A {offsets = [10], sizes = [1], strides = [1]} : vector<16xi32> to vector<1xi32>
    %squeeze3A_510 = vector.extract %slice3A_509[0] : i32 from vector<1xi32>
    %sub3A_511 = arith.constant 12288 : i32
    %sub3A_512 = arith.subi %sub3A_511, %add3A_508 : i32
    %min3A_513 = arith.minsi %squeeze3A_510, %sub3A_512 : i32
    %add3A_514 = arith.constant 15 : i32
    %add3A_515 = arith.addi %min3A_513, %add3A_514 : i32
    %jit3A_516 = arith.constant 16 : i32
    %div3A_517 = arith.divsi %add3A_515, %jit3A_516 : i32
    %sign3A_518 = arith.constant 0 : i32
    %sign3A_519 = arith.cmpi sgt, %add3A_515, %sign3A_518 : i32
    %sign3A_520 = arith.extui %sign3A_519 : i1 to i32
    %sign3A_521 = arith.constant 0 : i32
    %sign3A_522 = arith.cmpi slt, %add3A_515, %sign3A_521 : i32
    %sign3A_523 = arith.extui %sign3A_522 : i1 to i32
    %sign3A_524 = arith.subi %sign3A_520, %sign3A_523 : i32
    %sign3A_525 = arith.constant 0 : i32
    %sign3A_526 = arith.cmpi sgt, %jit3A_516, %sign3A_525 : i32
    %sign3A_527 = arith.extui %sign3A_526 : i1 to i32
    %sign3A_528 = arith.constant 0 : i32
    %sign3A_529 = arith.cmpi slt, %jit3A_516, %sign3A_528 : i32
    %sign3A_530 = arith.extui %sign3A_529 : i1 to i32
    %sign3A_531 = arith.subi %sign3A_527, %sign3A_530 : i32
    %ne3A_532 = arith.cmpi ne, %sign3A_524, %sign3A_531 : i32
    %rem3A_533 = arith.remsi %add3A_515, %jit3A_516 : i32
    %ne3A_534 = arith.constant 0 : i32
    %ne3A_535 = arith.cmpi ne, %rem3A_533, %ne3A_534 : i32
    %and3A_536 = arith.andi %ne3A_532, %ne3A_535 : i1
    %sub3A_537 = arith.constant 1 : i32
    %sub3A_538 = arith.subi %div3A_517, %sub3A_537 : i32
    %select_n3A_539 = arith.select %and3A_536, %sub3A_538, %div3A_517 : i32
    %while3A_540 = arith.constant 0 : i32
    %while3A_541 = arith.constant 0 : i32
    %while3A_542 = arith.subi %select_n3A_539, %while3A_540 : i32
    %while3A_543 = arith.addi %while3A_540, %while3A_542 : i32
    %while3A_544 = arith.constant 1 : i32
    %while3A_545 = arith.divsi %while3A_542, %while3A_544 : i32
    %while3A_546 = arith.muli %while3A_545, %while3A_544 : i32
    %while3A_547 = arith.addi %while3A_540, %while3A_546 : i32
    %while3A_548 = arith.constant 1 : i32
    %while3A_549 = scf.for %while3A_968 = %while3A_540 to %while3A_547 step %while3A_548 iter_args(%while3A_969 = %while3A_541) -> (i32)  : i32 {
      %mul3A_970 = arith.constant 16 : i32
      %mul3A_971 = arith.muli %while3A_968, %mul3A_970 : i32
      %add3A_972 = arith.constant 10240 : i32
      %add3A_973 = arith.addi %add3A_972, %mul3A_971 : i32
      %get3A = arith.index_cast %add3A_973 : i32 to index
      %get3A_974 = tpu.vector_load %arg9[%get3A] {strides = array<i32>} : memref<16400xi32, #tpu.memory_space<vmem>>, vector<16xi32>,
      %mul3A_975 = arith.constant 16 : i32
      %mul3A_976 = arith.muli %while3A_968, %mul3A_975 : i32
      %add3A_977 = arith.addi %add3A_508, %mul3A_976 : i32
      %swap3A_978 = arith.index_cast %add3A_977 : i32 to index
      %swap3A_979 = tpu.vector_load %arg11[%swap3A_978] {strides = array<i32>} : memref<12704xi32, #tpu.memory_space<vmem>>, vector<16xi32>,
      tpu.vector_store %arg11[%swap3A_978], %get3A_974 {strides = array<i32>} : memref<12704xi32, #tpu.memory_space<vmem>>, vector<16xi32>,
      %mul3A_980 = arith.constant 16 : i32
      %mul3A_981 = arith.muli %while3A_968, %mul3A_980 : i32
      %add3A_982 = arith.constant 10240 : i32
      %add3A_983 = arith.addi %add3A_982, %mul3A_981 : i32
      %get3A_984 = arith.index_cast %add3A_983 : i32 to index
      %get3A_985 = tpu.vector_load %arg10[%get3A_984] {strides = array<i32>} : memref<16400xi32, #tpu.memory_space<vmem>>, vector<16xi32>,
      %mul3A_986 = arith.constant 16 : i32
      %mul3A_987 = arith.muli %while3A_968, %mul3A_986 : i32
      %add3A_988 = arith.addi %add3A_508, %mul3A_987 : i32
      %swap3A_989 = arith.index_cast %add3A_988 : i32 to index
      %swap3A_990 = tpu.vector_load %arg12[%swap3A_989] {strides = array<i32>} : memref<12704xi32, #tpu.memory_space<vmem>>, vector<16xi32>,
      tpu.vector_store %arg12[%swap3A_989], %get3A_985 {strides = array<i32>} : memref<12704xi32, #tpu.memory_space<vmem>>, vector<16xi32>,
      %while3A_991 = arith.constant 0 : i32
      scf.yield %while3A_991 : i32
    }
    %while3A_550 = arith.constant 1 : i32
    %while3A_551 = scf.for %while3A_968 = %while3A_547 to %while3A_543 step %while3A_550 iter_args(%while3A_969 = %while3A_549) -> (i32)  : i32 {
      %mul3A_970 = arith.constant 16 : i32
      %mul3A_971 = arith.muli %while3A_968, %mul3A_970 : i32
      %add3A_972 = arith.constant 10240 : i32
      %add3A_973 = arith.addi %add3A_972, %mul3A_971 : i32
      %get3A = arith.index_cast %add3A_973 : i32 to index
      %get3A_974 = tpu.vector_load %arg9[%get3A] {strides = array<i32>} : memref<16400xi32, #tpu.memory_space<vmem>>, vector<16xi32>,
      %mul3A_975 = arith.constant 16 : i32
      %mul3A_976 = arith.muli %while3A_968, %mul3A_975 : i32
      %add3A_977 = arith.addi %add3A_508, %mul3A_976 : i32
      %swap3A_978 = arith.index_cast %add3A_977 : i32 to index
      %swap3A_979 = tpu.vector_load %arg11[%swap3A_978] {strides = array<i32>} : memref<12704xi32, #tpu.memory_space<vmem>>, vector<16xi32>,
      tpu.vector_store %arg11[%swap3A_978], %get3A_974 {strides = array<i32>} : memref<12704xi32, #tpu.memory_space<vmem>>, vector<16xi32>,
      %mul3A_980 = arith.constant 16 : i32
      %mul3A_981 = arith.muli %while3A_968, %mul3A_980 : i32
      %add3A_982 = arith.constant 10240 : i32
      %add3A_983 = arith.addi %add3A_982, %mul3A_981 : i32
      %get3A_984 = arith.index_cast %add3A_983 : i32 to index
      %get3A_985 = tpu.vector_load %arg10[%get3A_984] {strides = array<i32>} : memref<16400xi32, #tpu.memory_space<vmem>>, vector<16xi32>,
      %mul3A_986 = arith.constant 16 : i32
      %mul3A_987 = arith.muli %while3A_968, %mul3A_986 : i32
      %add3A_988 = arith.addi %add3A_508, %mul3A_987 : i32
      %swap3A_989 = arith.index_cast %add3A_988 : i32 to index
      %swap3A_990 = tpu.vector_load %arg12[%swap3A_989] {strides = array<i32>} : memref<12704xi32, #tpu.memory_space<vmem>>, vector<16xi32>,
      tpu.vector_store %arg12[%swap3A_989], %get3A_985 {strides = array<i32>} : memref<12704xi32, #tpu.memory_space<vmem>>, vector<16xi32>,
      %while3A_991 = arith.constant 0 : i32
      scf.yield %while3A_991 : i32
    }
    %add3A_552 = arith.addi %add3A_508, %min3A_513 : i32
    %slice3A_553 = vector.extract_strided_slice %sub3A {offsets = [11], sizes = [1], strides = [1]} : vector<16xi32> to vector<1xi32>
    %squeeze3A_554 = vector.extract %slice3A_553[0] : i32 from vector<1xi32>
    %sub3A_555 = arith.constant 12288 : i32
    %sub3A_556 = arith.subi %sub3A_555, %add3A_552 : i32
    %min3A_557 = arith.minsi %squeeze3A_554, %sub3A_556 : i32
    %add3A_558 = arith.constant 15 : i32
    %add3A_559 = arith.addi %min3A_557, %add3A_558 : i32
    %jit3A_560 = arith.constant 16 : i32
    %div3A_561 = arith.divsi %add3A_559, %jit3A_560 : i32
    %sign3A_562 = arith.constant 0 : i32
    %sign3A_563 = arith.cmpi sgt, %add3A_559, %sign3A_562 : i32
    %sign3A_564 = arith.extui %sign3A_563 : i1 to i32
    %sign3A_565 = arith.constant 0 : i32
    %sign3A_566 = arith.cmpi slt, %add3A_559, %sign3A_565 : i32
    %sign3A_567 = arith.extui %sign3A_566 : i1 to i32
    %sign3A_568 = arith.subi %sign3A_564, %sign3A_567 : i32
    %sign3A_569 = arith.constant 0 : i32
    %sign3A_570 = arith.cmpi sgt, %jit3A_560, %sign3A_569 : i32
    %sign3A_571 = arith.extui %sign3A_570 : i1 to i32
    %sign3A_572 = arith.constant 0 : i32
    %sign3A_573 = arith.cmpi slt, %jit3A_560, %sign3A_572 : i32
    %sign3A_574 = arith.extui %sign3A_573 : i1 to i32
    %sign3A_575 = arith.subi %sign3A_571, %sign3A_574 : i32
    %ne3A_576 = arith.cmpi ne, %sign3A_568, %sign3A_575 : i32
    %rem3A_577 = arith.remsi %add3A_559, %jit3A_560 : i32
    %ne3A_578 = arith.constant 0 : i32
    %ne3A_579 = arith.cmpi ne, %rem3A_577, %ne3A_578 : i32
    %and3A_580 = arith.andi %ne3A_576, %ne3A_579 : i1
    %sub3A_581 = arith.constant 1 : i32
    %sub3A_582 = arith.subi %div3A_561, %sub3A_581 : i32
    %select_n3A_583 = arith.select %and3A_580, %sub3A_582, %div3A_561 : i32
    %while3A_584 = arith.constant 0 : i32
    %while3A_585 = arith.constant 0 : i32
    %while3A_586 = arith.subi %select_n3A_583, %while3A_584 : i32
    %while3A_587 = arith.addi %while3A_584, %while3A_586 : i32
    %while3A_588 = arith.constant 1 : i32
    %while3A_589 = arith.divsi %while3A_586, %while3A_588 : i32
    %while3A_590 = arith.muli %while3A_589, %while3A_588 : i32
    %while3A_591 = arith.addi %while3A_584, %while3A_590 : i32
    %while3A_592 = arith.constant 1 : i32
    %while3A_593 = scf.for %while3A_968 = %while3A_584 to %while3A_591 step %while3A_592 iter_args(%while3A_969 = %while3A_585) -> (i32)  : i32 {
      %mul3A_970 = arith.constant 16 : i32
      %mul3A_971 = arith.muli %while3A_968, %mul3A_970 : i32
      %add3A_972 = arith.constant 11264 : i32
      %add3A_973 = arith.addi %add3A_972, %mul3A_971 : i32
      %get3A = arith.index_cast %add3A_973 : i32 to index
      %get3A_974 = tpu.vector_load %arg9[%get3A] {strides = array<i32>} : memref<16400xi32, #tpu.memory_space<vmem>>, vector<16xi32>,
      %mul3A_975 = arith.constant 16 : i32
      %mul3A_976 = arith.muli %while3A_968, %mul3A_975 : i32
      %add3A_977 = arith.addi %add3A_552, %mul3A_976 : i32
      %swap3A_978 = arith.index_cast %add3A_977 : i32 to index
      %swap3A_979 = tpu.vector_load %arg11[%swap3A_978] {strides = array<i32>} : memref<12704xi32, #tpu.memory_space<vmem>>, vector<16xi32>,
      tpu.vector_store %arg11[%swap3A_978], %get3A_974 {strides = array<i32>} : memref<12704xi32, #tpu.memory_space<vmem>>, vector<16xi32>,
      %mul3A_980 = arith.constant 16 : i32
      %mul3A_981 = arith.muli %while3A_968, %mul3A_980 : i32
      %add3A_982 = arith.constant 11264 : i32
      %add3A_983 = arith.addi %add3A_982, %mul3A_981 : i32
      %get3A_984 = arith.index_cast %add3A_983 : i32 to index
      %get3A_985 = tpu.vector_load %arg10[%get3A_984] {strides = array<i32>} : memref<16400xi32, #tpu.memory_space<vmem>>, vector<16xi32>,
      %mul3A_986 = arith.constant 16 : i32
      %mul3A_987 = arith.muli %while3A_968, %mul3A_986 : i32
      %add3A_988 = arith.addi %add3A_552, %mul3A_987 : i32
      %swap3A_989 = arith.index_cast %add3A_988 : i32 to index
      %swap3A_990 = tpu.vector_load %arg12[%swap3A_989] {strides = array<i32>} : memref<12704xi32, #tpu.memory_space<vmem>>, vector<16xi32>,
      tpu.vector_store %arg12[%swap3A_989], %get3A_985 {strides = array<i32>} : memref<12704xi32, #tpu.memory_space<vmem>>, vector<16xi32>,
      %while3A_991 = arith.constant 0 : i32
      scf.yield %while3A_991 : i32
    }
    %while3A_594 = arith.constant 1 : i32
    %while3A_595 = scf.for %while3A_968 = %while3A_591 to %while3A_587 step %while3A_594 iter_args(%while3A_969 = %while3A_593) -> (i32)  : i32 {
      %mul3A_970 = arith.constant 16 : i32
      %mul3A_971 = arith.muli %while3A_968, %mul3A_970 : i32
      %add3A_972 = arith.constant 11264 : i32
      %add3A_973 = arith.addi %add3A_972, %mul3A_971 : i32
      %get3A = arith.index_cast %add3A_973 : i32 to index
      %get3A_974 = tpu.vector_load %arg9[%get3A] {strides = array<i32>} : memref<16400xi32, #tpu.memory_space<vmem>>, vector<16xi32>,
      %mul3A_975 = arith.constant 16 : i32
      %mul3A_976 = arith.muli %while3A_968, %mul3A_975 : i32
      %add3A_977 = arith.addi %add3A_552, %mul3A_976 : i32
      %swap3A_978 = arith.index_cast %add3A_977 : i32 to index
      %swap3A_979 = tpu.vector_load %arg11[%swap3A_978] {strides = array<i32>} : memref<12704xi32, #tpu.memory_space<vmem>>, vector<16xi32>,
      tpu.vector_store %arg11[%swap3A_978], %get3A_974 {strides = array<i32>} : memref<12704xi32, #tpu.memory_space<vmem>>, vector<16xi32>,
      %mul3A_980 = arith.constant 16 : i32
      %mul3A_981 = arith.muli %while3A_968, %mul3A_980 : i32
      %add3A_982 = arith.constant 11264 : i32
      %add3A_983 = arith.addi %add3A_982, %mul3A_981 : i32
      %get3A_984 = arith.index_cast %add3A_983 : i32 to index
      %get3A_985 = tpu.vector_load %arg10[%get3A_984] {strides = array<i32>} : memref<16400xi32, #tpu.memory_space<vmem>>, vector<16xi32>,
      %mul3A_986 = arith.constant 16 : i32
      %mul3A_987 = arith.muli %while3A_968, %mul3A_986 : i32
      %add3A_988 = arith.addi %add3A_552, %mul3A_987 : i32
      %swap3A_989 = arith.index_cast %add3A_988 : i32 to index
      %swap3A_990 = tpu.vector_load %arg12[%swap3A_989] {strides = array<i32>} : memref<12704xi32, #tpu.memory_space<vmem>>, vector<16xi32>,
      tpu.vector_store %arg12[%swap3A_989], %get3A_985 {strides = array<i32>} : memref<12704xi32, #tpu.memory_space<vmem>>, vector<16xi32>,
      %while3A_991 = arith.constant 0 : i32
      scf.yield %while3A_991 : i32
    }
    %add3A_596 = arith.addi %add3A_552, %min3A_557 : i32
    %slice3A_597 = vector.extract_strided_slice %sub3A {offsets = [12], sizes = [1], strides = [1]} : vector<16xi32> to vector<1xi32>
    %squeeze3A_598 = vector.extract %slice3A_597[0] : i32 from vector<1xi32>
    %sub3A_599 = arith.constant 12288 : i32
    %sub3A_600 = arith.subi %sub3A_599, %add3A_596 : i32
    %min3A_601 = arith.minsi %squeeze3A_598, %sub3A_600 : i32
    %add3A_602 = arith.constant 15 : i32
    %add3A_603 = arith.addi %min3A_601, %add3A_602 : i32
    %jit3A_604 = arith.constant 16 : i32
    %div3A_605 = arith.divsi %add3A_603, %jit3A_604 : i32
    %sign3A_606 = arith.constant 0 : i32
    %sign3A_607 = arith.cmpi sgt, %add3A_603, %sign3A_606 : i32
    %sign3A_608 = arith.extui %sign3A_607 : i1 to i32
    %sign3A_609 = arith.constant 0 : i32
    %sign3A_610 = arith.cmpi slt, %add3A_603, %sign3A_609 : i32
    %sign3A_611 = arith.extui %sign3A_610 : i1 to i32
    %sign3A_612 = arith.subi %sign3A_608, %sign3A_611 : i32
    %sign3A_613 = arith.constant 0 : i32
    %sign3A_614 = arith.cmpi sgt, %jit3A_604, %sign3A_613 : i32
    %sign3A_615 = arith.extui %sign3A_614 : i1 to i32
    %sign3A_616 = arith.constant 0 : i32
    %sign3A_617 = arith.cmpi slt, %jit3A_604, %sign3A_616 : i32
    %sign3A_618 = arith.extui %sign3A_617 : i1 to i32
    %sign3A_619 = arith.subi %sign3A_615, %sign3A_618 : i32
    %ne3A_620 = arith.cmpi ne, %sign3A_612, %sign3A_619 : i32
    %rem3A_621 = arith.remsi %add3A_603, %jit3A_604 : i32
    %ne3A_622 = arith.constant 0 : i32
    %ne3A_623 = arith.cmpi ne, %rem3A_621, %ne3A_622 : i32
    %and3A_624 = arith.andi %ne3A_620, %ne3A_623 : i1
    %sub3A_625 = arith.constant 1 : i32
    %sub3A_626 = arith.subi %div3A_605, %sub3A_625 : i32
    %select_n3A_627 = arith.select %and3A_624, %sub3A_626, %div3A_605 : i32
    %while3A_628 = arith.constant 0 : i32
    %while3A_629 = arith.constant 0 : i32
    %while3A_630 = arith.subi %select_n3A_627, %while3A_628 : i32
    %while3A_631 = arith.addi %while3A_628, %while3A_630 : i32
    %while3A_632 = arith.constant 1 : i32
    %while3A_633 = arith.divsi %while3A_630, %while3A_632 : i32
    %while3A_634 = arith.muli %while3A_633, %while3A_632 : i32
    %while3A_635 = arith.addi %while3A_628, %while3A_634 : i32
    %while3A_636 = arith.constant 1 : i32
    %while3A_637 = scf.for %while3A_968 = %while3A_628 to %while3A_635 step %while3A_636 iter_args(%while3A_969 = %while3A_629) -> (i32)  : i32 {
      %mul3A_970 = arith.constant 16 : i32
      %mul3A_971 = arith.muli %while3A_968, %mul3A_970 : i32
      %add3A_972 = arith.constant 12288 : i32
      %add3A_973 = arith.addi %add3A_972, %mul3A_971 : i32
      %get3A = arith.index_cast %add3A_973 : i32 to index
      %get3A_974 = tpu.vector_load %arg9[%get3A] {strides = array<i32>} : memref<16400xi32, #tpu.memory_space<vmem>>, vector<16xi32>,
      %mul3A_975 = arith.constant 16 : i32
      %mul3A_976 = arith.muli %while3A_968, %mul3A_975 : i32
      %add3A_977 = arith.addi %add3A_596, %mul3A_976 : i32
      %swap3A_978 = arith.index_cast %add3A_977 : i32 to index
      %swap3A_979 = tpu.vector_load %arg11[%swap3A_978] {strides = array<i32>} : memref<12704xi32, #tpu.memory_space<vmem>>, vector<16xi32>,
      tpu.vector_store %arg11[%swap3A_978], %get3A_974 {strides = array<i32>} : memref<12704xi32, #tpu.memory_space<vmem>>, vector<16xi32>,
      %mul3A_980 = arith.constant 16 : i32
      %mul3A_981 = arith.muli %while3A_968, %mul3A_980 : i32
      %add3A_982 = arith.constant 12288 : i32
      %add3A_983 = arith.addi %add3A_982, %mul3A_981 : i32
      %get3A_984 = arith.index_cast %add3A_983 : i32 to index
      %get3A_985 = tpu.vector_load %arg10[%get3A_984] {strides = array<i32>} : memref<16400xi32, #tpu.memory_space<vmem>>, vector<16xi32>,
      %mul3A_986 = arith.constant 16 : i32
      %mul3A_987 = arith.muli %while3A_968, %mul3A_986 : i32
      %add3A_988 = arith.addi %add3A_596, %mul3A_987 : i32
      %swap3A_989 = arith.index_cast %add3A_988 : i32 to index
      %swap3A_990 = tpu.vector_load %arg12[%swap3A_989] {strides = array<i32>} : memref<12704xi32, #tpu.memory_space<vmem>>, vector<16xi32>,
      tpu.vector_store %arg12[%swap3A_989], %get3A_985 {strides = array<i32>} : memref<12704xi32, #tpu.memory_space<vmem>>, vector<16xi32>,
      %while3A_991 = arith.constant 0 : i32
      scf.yield %while3A_991 : i32
    }
    %while3A_638 = arith.constant 1 : i32
    %while3A_639 = scf.for %while3A_968 = %while3A_635 to %while3A_631 step %while3A_638 iter_args(%while3A_969 = %while3A_637) -> (i32)  : i32 {
      %mul3A_970 = arith.constant 16 : i32
      %mul3A_971 = arith.muli %while3A_968, %mul3A_970 : i32
      %add3A_972 = arith.constant 12288 : i32
      %add3A_973 = arith.addi %add3A_972, %mul3A_971 : i32
      %get3A = arith.index_cast %add3A_973 : i32 to index
      %get3A_974 = tpu.vector_load %arg9[%get3A] {strides = array<i32>} : memref<16400xi32, #tpu.memory_space<vmem>>, vector<16xi32>,
      %mul3A_975 = arith.constant 16 : i32
      %mul3A_976 = arith.muli %while3A_968, %mul3A_975 : i32
      %add3A_977 = arith.addi %add3A_596, %mul3A_976 : i32
      %swap3A_978 = arith.index_cast %add3A_977 : i32 to index
      %swap3A_979 = tpu.vector_load %arg11[%swap3A_978] {strides = array<i32>} : memref<12704xi32, #tpu.memory_space<vmem>>, vector<16xi32>,
      tpu.vector_store %arg11[%swap3A_978], %get3A_974 {strides = array<i32>} : memref<12704xi32, #tpu.memory_space<vmem>>, vector<16xi32>,
      %mul3A_980 = arith.constant 16 : i32
      %mul3A_981 = arith.muli %while3A_968, %mul3A_980 : i32
      %add3A_982 = arith.constant 12288 : i32
      %add3A_983 = arith.addi %add3A_982, %mul3A_981 : i32
      %get3A_984 = arith.index_cast %add3A_983 : i32 to index
      %get3A_985 = tpu.vector_load %arg10[%get3A_984] {strides = array<i32>} : memref<16400xi32, #tpu.memory_space<vmem>>, vector<16xi32>,
      %mul3A_986 = arith.constant 16 : i32
      %mul3A_987 = arith.muli %while3A_968, %mul3A_986 : i32
      %add3A_988 = arith.addi %add3A_596, %mul3A_987 : i32
      %swap3A_989 = arith.index_cast %add3A_988 : i32 to index
      %swap3A_990 = tpu.vector_load %arg12[%swap3A_989] {strides = array<i32>} : memref<12704xi32, #tpu.memory_space<vmem>>, vector<16xi32>,
      tpu.vector_store %arg12[%swap3A_989], %get3A_985 {strides = array<i32>} : memref<12704xi32, #tpu.memory_space<vmem>>, vector<16xi32>,
      %while3A_991 = arith.constant 0 : i32
      scf.yield %while3A_991 : i32
    }
    %add3A_640 = arith.addi %add3A_596, %min3A_601 : i32
    %slice3A_641 = vector.extract_strided_slice %sub3A {offsets = [13], sizes = [1], strides = [1]} : vector<16xi32> to vector<1xi32>
    %squeeze3A_642 = vector.extract %slice3A_641[0] : i32 from vector<1xi32>
    %sub3A_643 = arith.constant 12288 : i32
    %sub3A_644 = arith.subi %sub3A_643, %add3A_640 : i32
    %min3A_645 = arith.minsi %squeeze3A_642, %sub3A_644 : i32
    %add3A_646 = arith.constant 15 : i32
    %add3A_647 = arith.addi %min3A_645, %add3A_646 : i32
    %jit3A_648 = arith.constant 16 : i32
    %div3A_649 = arith.divsi %add3A_647, %jit3A_648 : i32
    %sign3A_650 = arith.constant 0 : i32
    %sign3A_651 = arith.cmpi sgt, %add3A_647, %sign3A_650 : i32
    %sign3A_652 = arith.extui %sign3A_651 : i1 to i32
    %sign3A_653 = arith.constant 0 : i32
    %sign3A_654 = arith.cmpi slt, %add3A_647, %sign3A_653 : i32
    %sign3A_655 = arith.extui %sign3A_654 : i1 to i32
    %sign3A_656 = arith.subi %sign3A_652, %sign3A_655 : i32
    %sign3A_657 = arith.constant 0 : i32
    %sign3A_658 = arith.cmpi sgt, %jit3A_648, %sign3A_657 : i32
    %sign3A_659 = arith.extui %sign3A_658 : i1 to i32
    %sign3A_660 = arith.constant 0 : i32
    %sign3A_661 = arith.cmpi slt, %jit3A_648, %sign3A_660 : i32
    %sign3A_662 = arith.extui %sign3A_661 : i1 to i32
    %sign3A_663 = arith.subi %sign3A_659, %sign3A_662 : i32
    %ne3A_664 = arith.cmpi ne, %sign3A_656, %sign3A_663 : i32
    %rem3A_665 = arith.remsi %add3A_647, %jit3A_648 : i32
    %ne3A_666 = arith.constant 0 : i32
    %ne3A_667 = arith.cmpi ne, %rem3A_665, %ne3A_666 : i32
    %and3A_668 = arith.andi %ne3A_664, %ne3A_667 : i1
    %sub3A_669 = arith.constant 1 : i32
    %sub3A_670 = arith.subi %div3A_649, %sub3A_669 : i32
    %select_n3A_671 = arith.select %and3A_668, %sub3A_670, %div3A_649 : i32
    %while3A_672 = arith.constant 0 : i32
    %while3A_673 = arith.constant 0 : i32
    %while3A_674 = arith.subi %select_n3A_671, %while3A_672 : i32
    %while3A_675 = arith.addi %while3A_672, %while3A_674 : i32
    %while3A_676 = arith.constant 1 : i32
    %while3A_677 = arith.divsi %while3A_674, %while3A_676 : i32
    %while3A_678 = arith.muli %while3A_677, %while3A_676 : i32
    %while3A_679 = arith.addi %while3A_672, %while3A_678 : i32
    %while3A_680 = arith.constant 1 : i32
    %while3A_681 = scf.for %while3A_968 = %while3A_672 to %while3A_679 step %while3A_680 iter_args(%while3A_969 = %while3A_673) -> (i32)  : i32 {
      %mul3A_970 = arith.constant 16 : i32
      %mul3A_971 = arith.muli %while3A_968, %mul3A_970 : i32
      %add3A_972 = arith.constant 13312 : i32
      %add3A_973 = arith.addi %add3A_972, %mul3A_971 : i32
      %get3A = arith.index_cast %add3A_973 : i32 to index
      %get3A_974 = tpu.vector_load %arg9[%get3A] {strides = array<i32>} : memref<16400xi32, #tpu.memory_space<vmem>>, vector<16xi32>,
      %mul3A_975 = arith.constant 16 : i32
      %mul3A_976 = arith.muli %while3A_968, %mul3A_975 : i32
      %add3A_977 = arith.addi %add3A_640, %mul3A_976 : i32
      %swap3A_978 = arith.index_cast %add3A_977 : i32 to index
      %swap3A_979 = tpu.vector_load %arg11[%swap3A_978] {strides = array<i32>} : memref<12704xi32, #tpu.memory_space<vmem>>, vector<16xi32>,
      tpu.vector_store %arg11[%swap3A_978], %get3A_974 {strides = array<i32>} : memref<12704xi32, #tpu.memory_space<vmem>>, vector<16xi32>,
      %mul3A_980 = arith.constant 16 : i32
      %mul3A_981 = arith.muli %while3A_968, %mul3A_980 : i32
      %add3A_982 = arith.constant 13312 : i32
      %add3A_983 = arith.addi %add3A_982, %mul3A_981 : i32
      %get3A_984 = arith.index_cast %add3A_983 : i32 to index
      %get3A_985 = tpu.vector_load %arg10[%get3A_984] {strides = array<i32>} : memref<16400xi32, #tpu.memory_space<vmem>>, vector<16xi32>,
      %mul3A_986 = arith.constant 16 : i32
      %mul3A_987 = arith.muli %while3A_968, %mul3A_986 : i32
      %add3A_988 = arith.addi %add3A_640, %mul3A_987 : i32
      %swap3A_989 = arith.index_cast %add3A_988 : i32 to index
      %swap3A_990 = tpu.vector_load %arg12[%swap3A_989] {strides = array<i32>} : memref<12704xi32, #tpu.memory_space<vmem>>, vector<16xi32>,
      tpu.vector_store %arg12[%swap3A_989], %get3A_985 {strides = array<i32>} : memref<12704xi32, #tpu.memory_space<vmem>>, vector<16xi32>,
      %while3A_991 = arith.constant 0 : i32
      scf.yield %while3A_991 : i32
    }
    %while3A_682 = arith.constant 1 : i32
    %while3A_683 = scf.for %while3A_968 = %while3A_679 to %while3A_675 step %while3A_682 iter_args(%while3A_969 = %while3A_681) -> (i32)  : i32 {
      %mul3A_970 = arith.constant 16 : i32
      %mul3A_971 = arith.muli %while3A_968, %mul3A_970 : i32
      %add3A_972 = arith.constant 13312 : i32
      %add3A_973 = arith.addi %add3A_972, %mul3A_971 : i32
      %get3A = arith.index_cast %add3A_973 : i32 to index
      %get3A_974 = tpu.vector_load %arg9[%get3A] {strides = array<i32>} : memref<16400xi32, #tpu.memory_space<vmem>>, vector<16xi32>,
      %mul3A_975 = arith.constant 16 : i32
      %mul3A_976 = arith.muli %while3A_968, %mul3A_975 : i32
      %add3A_977 = arith.addi %add3A_640, %mul3A_976 : i32
      %swap3A_978 = arith.index_cast %add3A_977 : i32 to index
      %swap3A_979 = tpu.vector_load %arg11[%swap3A_978] {strides = array<i32>} : memref<12704xi32, #tpu.memory_space<vmem>>, vector<16xi32>,
      tpu.vector_store %arg11[%swap3A_978], %get3A_974 {strides = array<i32>} : memref<12704xi32, #tpu.memory_space<vmem>>, vector<16xi32>,
      %mul3A_980 = arith.constant 16 : i32
      %mul3A_981 = arith.muli %while3A_968, %mul3A_980 : i32
      %add3A_982 = arith.constant 13312 : i32
      %add3A_983 = arith.addi %add3A_982, %mul3A_981 : i32
      %get3A_984 = arith.index_cast %add3A_983 : i32 to index
      %get3A_985 = tpu.vector_load %arg10[%get3A_984] {strides = array<i32>} : memref<16400xi32, #tpu.memory_space<vmem>>, vector<16xi32>,
      %mul3A_986 = arith.constant 16 : i32
      %mul3A_987 = arith.muli %while3A_968, %mul3A_986 : i32
      %add3A_988 = arith.addi %add3A_640, %mul3A_987 : i32
      %swap3A_989 = arith.index_cast %add3A_988 : i32 to index
      %swap3A_990 = tpu.vector_load %arg12[%swap3A_989] {strides = array<i32>} : memref<12704xi32, #tpu.memory_space<vmem>>, vector<16xi32>,
      tpu.vector_store %arg12[%swap3A_989], %get3A_985 {strides = array<i32>} : memref<12704xi32, #tpu.memory_space<vmem>>, vector<16xi32>,
      %while3A_991 = arith.constant 0 : i32
      scf.yield %while3A_991 : i32
    }
    %add3A_684 = arith.addi %add3A_640, %min3A_645 : i32
    %slice3A_685 = vector.extract_strided_slice %sub3A {offsets = [14], sizes = [1], strides = [1]} : vector<16xi32> to vector<1xi32>
    %squeeze3A_686 = vector.extract %slice3A_685[0] : i32 from vector<1xi32>
    %sub3A_687 = arith.constant 12288 : i32
    %sub3A_688 = arith.subi %sub3A_687, %add3A_684 : i32
    %min3A_689 = arith.minsi %squeeze3A_686, %sub3A_688 : i32
    %add3A_690 = arith.constant 15 : i32
    %add3A_691 = arith.addi %min3A_689, %add3A_690 : i32
    %jit3A_692 = arith.constant 16 : i32
    %div3A_693 = arith.divsi %add3A_691, %jit3A_692 : i32
    %sign3A_694 = arith.constant 0 : i32
    %sign3A_695 = arith.cmpi sgt, %add3A_691, %sign3A_694 : i32
    %sign3A_696 = arith.extui %sign3A_695 : i1 to i32
    %sign3A_697 = arith.constant 0 : i32
    %sign3A_698 = arith.cmpi slt, %add3A_691, %sign3A_697 : i32
    %sign3A_699 = arith.extui %sign3A_698 : i1 to i32
    %sign3A_700 = arith.subi %sign3A_696, %sign3A_699 : i32
    %sign3A_701 = arith.constant 0 : i32
    %sign3A_702 = arith.cmpi sgt, %jit3A_692, %sign3A_701 : i32
    %sign3A_703 = arith.extui %sign3A_702 : i1 to i32
    %sign3A_704 = arith.constant 0 : i32
    %sign3A_705 = arith.cmpi slt, %jit3A_692, %sign3A_704 : i32
    %sign3A_706 = arith.extui %sign3A_705 : i1 to i32
    %sign3A_707 = arith.subi %sign3A_703, %sign3A_706 : i32
    %ne3A_708 = arith.cmpi ne, %sign3A_700, %sign3A_707 : i32
    %rem3A_709 = arith.remsi %add3A_691, %jit3A_692 : i32
    %ne3A_710 = arith.constant 0 : i32
    %ne3A_711 = arith.cmpi ne, %rem3A_709, %ne3A_710 : i32
    %and3A_712 = arith.andi %ne3A_708, %ne3A_711 : i1
    %sub3A_713 = arith.constant 1 : i32
    %sub3A_714 = arith.subi %div3A_693, %sub3A_713 : i32
    %select_n3A_715 = arith.select %and3A_712, %sub3A_714, %div3A_693 : i32
    %while3A_716 = arith.constant 0 : i32
    %while3A_717 = arith.constant 0 : i32
    %while3A_718 = arith.subi %select_n3A_715, %while3A_716 : i32
    %while3A_719 = arith.addi %while3A_716, %while3A_718 : i32
    %while3A_720 = arith.constant 1 : i32
    %while3A_721 = arith.divsi %while3A_718, %while3A_720 : i32
    %while3A_722 = arith.muli %while3A_721, %while3A_720 : i32
    %while3A_723 = arith.addi %while3A_716, %while3A_722 : i32
    %while3A_724 = arith.constant 1 : i32
    %while3A_725 = scf.for %while3A_968 = %while3A_716 to %while3A_723 step %while3A_724 iter_args(%while3A_969 = %while3A_717) -> (i32)  : i32 {
      %mul3A_970 = arith.constant 16 : i32
      %mul3A_971 = arith.muli %while3A_968, %mul3A_970 : i32
      %add3A_972 = arith.constant 14336 : i32
      %add3A_973 = arith.addi %add3A_972, %mul3A_971 : i32
      %get3A = arith.index_cast %add3A_973 : i32 to index
      %get3A_974 = tpu.vector_load %arg9[%get3A] {strides = array<i32>} : memref<16400xi32, #tpu.memory_space<vmem>>, vector<16xi32>,
      %mul3A_975 = arith.constant 16 : i32
      %mul3A_976 = arith.muli %while3A_968, %mul3A_975 : i32
      %add3A_977 = arith.addi %add3A_684, %mul3A_976 : i32
      %swap3A_978 = arith.index_cast %add3A_977 : i32 to index
      %swap3A_979 = tpu.vector_load %arg11[%swap3A_978] {strides = array<i32>} : memref<12704xi32, #tpu.memory_space<vmem>>, vector<16xi32>,
      tpu.vector_store %arg11[%swap3A_978], %get3A_974 {strides = array<i32>} : memref<12704xi32, #tpu.memory_space<vmem>>, vector<16xi32>,
      %mul3A_980 = arith.constant 16 : i32
      %mul3A_981 = arith.muli %while3A_968, %mul3A_980 : i32
      %add3A_982 = arith.constant 14336 : i32
      %add3A_983 = arith.addi %add3A_982, %mul3A_981 : i32
      %get3A_984 = arith.index_cast %add3A_983 : i32 to index
      %get3A_985 = tpu.vector_load %arg10[%get3A_984] {strides = array<i32>} : memref<16400xi32, #tpu.memory_space<vmem>>, vector<16xi32>,
      %mul3A_986 = arith.constant 16 : i32
      %mul3A_987 = arith.muli %while3A_968, %mul3A_986 : i32
      %add3A_988 = arith.addi %add3A_684, %mul3A_987 : i32
      %swap3A_989 = arith.index_cast %add3A_988 : i32 to index
      %swap3A_990 = tpu.vector_load %arg12[%swap3A_989] {strides = array<i32>} : memref<12704xi32, #tpu.memory_space<vmem>>, vector<16xi32>,
      tpu.vector_store %arg12[%swap3A_989], %get3A_985 {strides = array<i32>} : memref<12704xi32, #tpu.memory_space<vmem>>, vector<16xi32>,
      %while3A_991 = arith.constant 0 : i32
      scf.yield %while3A_991 : i32
    }
    %while3A_726 = arith.constant 1 : i32
    %while3A_727 = scf.for %while3A_968 = %while3A_723 to %while3A_719 step %while3A_726 iter_args(%while3A_969 = %while3A_725) -> (i32)  : i32 {
      %mul3A_970 = arith.constant 16 : i32
      %mul3A_971 = arith.muli %while3A_968, %mul3A_970 : i32
      %add3A_972 = arith.constant 14336 : i32
      %add3A_973 = arith.addi %add3A_972, %mul3A_971 : i32
      %get3A = arith.index_cast %add3A_973 : i32 to index
      %get3A_974 = tpu.vector_load %arg9[%get3A] {strides = array<i32>} : memref<16400xi32, #tpu.memory_space<vmem>>, vector<16xi32>,
      %mul3A_975 = arith.constant 16 : i32
      %mul3A_976 = arith.muli %while3A_968, %mul3A_975 : i32
      %add3A_977 = arith.addi %add3A_684, %mul3A_976 : i32
      %swap3A_978 = arith.index_cast %add3A_977 : i32 to index
      %swap3A_979 = tpu.vector_load %arg11[%swap3A_978] {strides = array<i32>} : memref<12704xi32, #tpu.memory_space<vmem>>, vector<16xi32>,
      tpu.vector_store %arg11[%swap3A_978], %get3A_974 {strides = array<i32>} : memref<12704xi32, #tpu.memory_space<vmem>>, vector<16xi32>,
      %mul3A_980 = arith.constant 16 : i32
      %mul3A_981 = arith.muli %while3A_968, %mul3A_980 : i32
      %add3A_982 = arith.constant 14336 : i32
      %add3A_983 = arith.addi %add3A_982, %mul3A_981 : i32
      %get3A_984 = arith.index_cast %add3A_983 : i32 to index
      %get3A_985 = tpu.vector_load %arg10[%get3A_984] {strides = array<i32>} : memref<16400xi32, #tpu.memory_space<vmem>>, vector<16xi32>,
      %mul3A_986 = arith.constant 16 : i32
      %mul3A_987 = arith.muli %while3A_968, %mul3A_986 : i32
      %add3A_988 = arith.addi %add3A_684, %mul3A_987 : i32
      %swap3A_989 = arith.index_cast %add3A_988 : i32 to index
      %swap3A_990 = tpu.vector_load %arg12[%swap3A_989] {strides = array<i32>} : memref<12704xi32, #tpu.memory_space<vmem>>, vector<16xi32>,
      tpu.vector_store %arg12[%swap3A_989], %get3A_985 {strides = array<i32>} : memref<12704xi32, #tpu.memory_space<vmem>>, vector<16xi32>,
      %while3A_991 = arith.constant 0 : i32
      scf.yield %while3A_991 : i32
    }
    %add3A_728 = arith.addi %add3A_684, %min3A_689 : i32
    %slice3A_729 = vector.extract_strided_slice %sub3A {offsets = [15], sizes = [1], strides = [1]} : vector<16xi32> to vector<1xi32>
    %squeeze3A_730 = vector.extract %slice3A_729[0] : i32 from vector<1xi32>
    %sub3A_731 = arith.constant 12288 : i32
    %sub3A_732 = arith.subi %sub3A_731, %add3A_728 : i32
    %min3A_733 = arith.minsi %squeeze3A_730, %sub3A_732 : i32
    %add3A_734 = arith.constant 15 : i32
    %add3A_735 = arith.addi %min3A_733, %add3A_734 : i32
    %jit3A_736 = arith.constant 16 : i32
    %div3A_737 = arith.divsi %add3A_735, %jit3A_736 : i32
    %sign3A_738 = arith.constant 0 : i32
    %sign3A_739 = arith.cmpi sgt, %add3A_735, %sign3A_738 : i32
    %sign3A_740 = arith.extui %sign3A_739 : i1 to i32
    %sign3A_741 = arith.constant 0 : i32
    %sign3A_742 = arith.cmpi slt, %add3A_735, %sign3A_741 : i32
    %sign3A_743 = arith.extui %sign3A_742 : i1 to i32
    %sign3A_744 = arith.subi %sign3A_740, %sign3A_743 : i32
    %sign3A_745 = arith.constant 0 : i32
    %sign3A_746 = arith.cmpi sgt, %jit3A_736, %sign3A_745 : i32
    %sign3A_747 = arith.extui %sign3A_746 : i1 to i32
    %sign3A_748 = arith.constant 0 : i32
    %sign3A_749 = arith.cmpi slt, %jit3A_736, %sign3A_748 : i32
    %sign3A_750 = arith.extui %sign3A_749 : i1 to i32
    %sign3A_751 = arith.subi %sign3A_747, %sign3A_750 : i32
    %ne3A_752 = arith.cmpi ne, %sign3A_744, %sign3A_751 : i32
    %rem3A_753 = arith.remsi %add3A_735, %jit3A_736 : i32
    %ne3A_754 = arith.constant 0 : i32
    %ne3A_755 = arith.cmpi ne, %rem3A_753, %ne3A_754 : i32
    %and3A_756 = arith.andi %ne3A_752, %ne3A_755 : i1
    %sub3A_757 = arith.constant 1 : i32
    %sub3A_758 = arith.subi %div3A_737, %sub3A_757 : i32
    %select_n3A_759 = arith.select %and3A_756, %sub3A_758, %div3A_737 : i32
    %while3A_760 = arith.constant 0 : i32
    %while3A_761 = arith.constant 0 : i32
    %while3A_762 = arith.subi %select_n3A_759, %while3A_760 : i32
    %while3A_763 = arith.addi %while3A_760, %while3A_762 : i32
    %while3A_764 = arith.constant 1 : i32
    %while3A_765 = arith.divsi %while3A_762, %while3A_764 : i32
    %while3A_766 = arith.muli %while3A_765, %while3A_764 : i32
    %while3A_767 = arith.addi %while3A_760, %while3A_766 : i32
    %while3A_768 = arith.constant 1 : i32
    %while3A_769 = scf.for %while3A_968 = %while3A_760 to %while3A_767 step %while3A_768 iter_args(%while3A_969 = %while3A_761) -> (i32)  : i32 {
      %mul3A_970 = arith.constant 16 : i32
      %mul3A_971 = arith.muli %while3A_968, %mul3A_970 : i32
      %add3A_972 = arith.constant 15360 : i32
      %add3A_973 = arith.addi %add3A_972, %mul3A_971 : i32
      %get3A = arith.index_cast %add3A_973 : i32 to index
      %get3A_974 = tpu.vector_load %arg9[%get3A] {strides = array<i32>} : memref<16400xi32, #tpu.memory_space<vmem>>, vector<16xi32>,
      %mul3A_975 = arith.constant 16 : i32
      %mul3A_976 = arith.muli %while3A_968, %mul3A_975 : i32
      %add3A_977 = arith.addi %add3A_728, %mul3A_976 : i32
      %swap3A_978 = arith.index_cast %add3A_977 : i32 to index
      %swap3A_979 = tpu.vector_load %arg11[%swap3A_978] {strides = array<i32>} : memref<12704xi32, #tpu.memory_space<vmem>>, vector<16xi32>,
      tpu.vector_store %arg11[%swap3A_978], %get3A_974 {strides = array<i32>} : memref<12704xi32, #tpu.memory_space<vmem>>, vector<16xi32>,
      %mul3A_980 = arith.constant 16 : i32
      %mul3A_981 = arith.muli %while3A_968, %mul3A_980 : i32
      %add3A_982 = arith.constant 15360 : i32
      %add3A_983 = arith.addi %add3A_982, %mul3A_981 : i32
      %get3A_984 = arith.index_cast %add3A_983 : i32 to index
      %get3A_985 = tpu.vector_load %arg10[%get3A_984] {strides = array<i32>} : memref<16400xi32, #tpu.memory_space<vmem>>, vector<16xi32>,
      %mul3A_986 = arith.constant 16 : i32
      %mul3A_987 = arith.muli %while3A_968, %mul3A_986 : i32
      %add3A_988 = arith.addi %add3A_728, %mul3A_987 : i32
      %swap3A_989 = arith.index_cast %add3A_988 : i32 to index
      %swap3A_990 = tpu.vector_load %arg12[%swap3A_989] {strides = array<i32>} : memref<12704xi32, #tpu.memory_space<vmem>>, vector<16xi32>,
      tpu.vector_store %arg12[%swap3A_989], %get3A_985 {strides = array<i32>} : memref<12704xi32, #tpu.memory_space<vmem>>, vector<16xi32>,
      %while3A_991 = arith.constant 0 : i32
      scf.yield %while3A_991 : i32
    }
    %while3A_770 = arith.constant 1 : i32
    %while3A_771 = scf.for %while3A_968 = %while3A_767 to %while3A_763 step %while3A_770 iter_args(%while3A_969 = %while3A_769) -> (i32)  : i32 {
      %mul3A_970 = arith.constant 16 : i32
      %mul3A_971 = arith.muli %while3A_968, %mul3A_970 : i32
      %add3A_972 = arith.constant 15360 : i32
      %add3A_973 = arith.addi %add3A_972, %mul3A_971 : i32
      %get3A = arith.index_cast %add3A_973 : i32 to index
      %get3A_974 = tpu.vector_load %arg9[%get3A] {strides = array<i32>} : memref<16400xi32, #tpu.memory_space<vmem>>, vector<16xi32>,
      %mul3A_975 = arith.constant 16 : i32
      %mul3A_976 = arith.muli %while3A_968, %mul3A_975 : i32
      %add3A_977 = arith.addi %add3A_728, %mul3A_976 : i32
      %swap3A_978 = arith.index_cast %add3A_977 : i32 to index
      %swap3A_979 = tpu.vector_load %arg11[%swap3A_978] {strides = array<i32>} : memref<12704xi32, #tpu.memory_space<vmem>>, vector<16xi32>,
      tpu.vector_store %arg11[%swap3A_978], %get3A_974 {strides = array<i32>} : memref<12704xi32, #tpu.memory_space<vmem>>, vector<16xi32>,
      %mul3A_980 = arith.constant 16 : i32
      %mul3A_981 = arith.muli %while3A_968, %mul3A_980 : i32
      %add3A_982 = arith.constant 15360 : i32
      %add3A_983 = arith.addi %add3A_982, %mul3A_981 : i32
      %get3A_984 = arith.index_cast %add3A_983 : i32 to index
      %get3A_985 = tpu.vector_load %arg10[%get3A_984] {strides = array<i32>} : memref<16400xi32, #tpu.memory_space<vmem>>, vector<16xi32>,
      %mul3A_986 = arith.constant 16 : i32
      %mul3A_987 = arith.muli %while3A_968, %mul3A_986 : i32
      %add3A_988 = arith.addi %add3A_728, %mul3A_987 : i32
      %swap3A_989 = arith.index_cast %add3A_988 : i32 to index
      %swap3A_990 = tpu.vector_load %arg12[%swap3A_989] {strides = array<i32>} : memref<12704xi32, #tpu.memory_space<vmem>>, vector<16xi32>,
      tpu.vector_store %arg12[%swap3A_989], %get3A_985 {strides = array<i32>} : memref<12704xi32, #tpu.memory_space<vmem>>, vector<16xi32>,
      %while3A_991 = arith.constant 0 : i32
      scf.yield %while3A_991 : i32
    }
    %add3A_772 = arith.addi %add3A_728, %min3A_733 : i32
    %broadcast_in_dim3A = arith.constant 0 : i32
    %broadcast_in_dim3A_773 = vector.broadcast %broadcast_in_dim3A : i32 to vector<16xi32>
    %add3A_774 = arith.constant 0 : i32
    %add3A_775 = arith.addi %add3A_772, %add3A_774 : i32
    %swap3A = arith.index_cast %add3A_775 : i32 to index
    %swap3A_776 = tpu.vector_load %arg11[%swap3A] {strides = array<i32>} : memref<12704xi32, #tpu.memory_space<vmem>>, vector<16xi32>,
    tpu.vector_store %arg11[%swap3A], %broadcast_in_dim3A_773 {strides = array<i32>} : memref<12704xi32, #tpu.memory_space<vmem>>, vector<16xi32>,
    %add3A_777 = arith.constant 0 : i32
    %add3A_778 = arith.addi %add3A_772, %add3A_777 : i32
    %swap3A_779 = arith.index_cast %add3A_778 : i32 to index
    %swap3A_780 = tpu.vector_load %arg12[%swap3A_779] {strides = array<i32>} : memref<12704xi32, #tpu.memory_space<vmem>>, vector<16xi32>,
    tpu.vector_store %arg12[%swap3A_779], %broadcast_in_dim3A_773 {strides = array<i32>} : memref<12704xi32, #tpu.memory_space<vmem>>, vector<16xi32>,
    %add3A_781 = arith.constant 16 : i32
    %add3A_782 = arith.addi %add3A_772, %add3A_781 : i32
    %swap3A_783 = arith.index_cast %add3A_782 : i32 to index
    %swap3A_784 = tpu.vector_load %arg11[%swap3A_783] {strides = array<i32>} : memref<12704xi32, #tpu.memory_space<vmem>>, vector<16xi32>,
    tpu.vector_store %arg11[%swap3A_783], %broadcast_in_dim3A_773 {strides = array<i32>} : memref<12704xi32, #tpu.memory_space<vmem>>, vector<16xi32>,
    %add3A_785 = arith.constant 16 : i32
    %add3A_786 = arith.addi %add3A_772, %add3A_785 : i32
    %swap3A_787 = arith.index_cast %add3A_786 : i32 to index
    %swap3A_788 = tpu.vector_load %arg12[%swap3A_787] {strides = array<i32>} : memref<12704xi32, #tpu.memory_space<vmem>>, vector<16xi32>,
    tpu.vector_store %arg12[%swap3A_787], %broadcast_in_dim3A_773 {strides = array<i32>} : memref<12704xi32, #tpu.memory_space<vmem>>, vector<16xi32>,
    %add3A_789 = arith.constant 32 : i32
    %add3A_790 = arith.addi %add3A_772, %add3A_789 : i32
    %swap3A_791 = arith.index_cast %add3A_790 : i32 to index
    %swap3A_792 = tpu.vector_load %arg11[%swap3A_791] {strides = array<i32>} : memref<12704xi32, #tpu.memory_space<vmem>>, vector<16xi32>,
    tpu.vector_store %arg11[%swap3A_791], %broadcast_in_dim3A_773 {strides = array<i32>} : memref<12704xi32, #tpu.memory_space<vmem>>, vector<16xi32>,
    %add3A_793 = arith.constant 32 : i32
    %add3A_794 = arith.addi %add3A_772, %add3A_793 : i32
    %swap3A_795 = arith.index_cast %add3A_794 : i32 to index
    %swap3A_796 = tpu.vector_load %arg12[%swap3A_795] {strides = array<i32>} : memref<12704xi32, #tpu.memory_space<vmem>>, vector<16xi32>,
    tpu.vector_store %arg12[%swap3A_795], %broadcast_in_dim3A_773 {strides = array<i32>} : memref<12704xi32, #tpu.memory_space<vmem>>, vector<16xi32>,
    %add3A_797 = arith.constant 48 : i32
    %add3A_798 = arith.addi %add3A_772, %add3A_797 : i32
    %swap3A_799 = arith.index_cast %add3A_798 : i32 to index
    %swap3A_800 = tpu.vector_load %arg11[%swap3A_799] {strides = array<i32>} : memref<12704xi32, #tpu.memory_space<vmem>>, vector<16xi32>,
    tpu.vector_store %arg11[%swap3A_799], %broadcast_in_dim3A_773 {strides = array<i32>} : memref<12704xi32, #tpu.memory_space<vmem>>, vector<16xi32>,
    %add3A_801 = arith.constant 48 : i32
    %add3A_802 = arith.addi %add3A_772, %add3A_801 : i32
    %swap3A_803 = arith.index_cast %add3A_802 : i32 to index
    %swap3A_804 = tpu.vector_load %arg12[%swap3A_803] {strides = array<i32>} : memref<12704xi32, #tpu.memory_space<vmem>>, vector<16xi32>,
    tpu.vector_store %arg12[%swap3A_803], %broadcast_in_dim3A_773 {strides = array<i32>} : memref<12704xi32, #tpu.memory_space<vmem>>, vector<16xi32>,
    %add3A_805 = arith.constant 64 : i32
    %add3A_806 = arith.addi %add3A_772, %add3A_805 : i32
    %swap3A_807 = arith.index_cast %add3A_806 : i32 to index
    %swap3A_808 = tpu.vector_load %arg11[%swap3A_807] {strides = array<i32>} : memref<12704xi32, #tpu.memory_space<vmem>>, vector<16xi32>,
    tpu.vector_store %arg11[%swap3A_807], %broadcast_in_dim3A_773 {strides = array<i32>} : memref<12704xi32, #tpu.memory_space<vmem>>, vector<16xi32>,
    %add3A_809 = arith.constant 64 : i32
    %add3A_810 = arith.addi %add3A_772, %add3A_809 : i32
    %swap3A_811 = arith.index_cast %add3A_810 : i32 to index
    %swap3A_812 = tpu.vector_load %arg12[%swap3A_811] {strides = array<i32>} : memref<12704xi32, #tpu.memory_space<vmem>>, vector<16xi32>,
    tpu.vector_store %arg12[%swap3A_811], %broadcast_in_dim3A_773 {strides = array<i32>} : memref<12704xi32, #tpu.memory_space<vmem>>, vector<16xi32>,
    %add3A_813 = arith.constant 80 : i32
    %add3A_814 = arith.addi %add3A_772, %add3A_813 : i32
    %swap3A_815 = arith.index_cast %add3A_814 : i32 to index
    %swap3A_816 = tpu.vector_load %arg11[%swap3A_815] {strides = array<i32>} : memref<12704xi32, #tpu.memory_space<vmem>>, vector<16xi32>,
    tpu.vector_store %arg11[%swap3A_815], %broadcast_in_dim3A_773 {strides = array<i32>} : memref<12704xi32, #tpu.memory_space<vmem>>, vector<16xi32>,
    %add3A_817 = arith.constant 80 : i32
    %add3A_818 = arith.addi %add3A_772, %add3A_817 : i32
    %swap3A_819 = arith.index_cast %add3A_818 : i32 to index
    %swap3A_820 = tpu.vector_load %arg12[%swap3A_819] {strides = array<i32>} : memref<12704xi32, #tpu.memory_space<vmem>>, vector<16xi32>,
    tpu.vector_store %arg12[%swap3A_819], %broadcast_in_dim3A_773 {strides = array<i32>} : memref<12704xi32, #tpu.memory_space<vmem>>, vector<16xi32>,
    %add3A_821 = arith.constant 96 : i32
    %add3A_822 = arith.addi %add3A_772, %add3A_821 : i32
    %swap3A_823 = arith.index_cast %add3A_822 : i32 to index
    %swap3A_824 = tpu.vector_load %arg11[%swap3A_823] {strides = array<i32>} : memref<12704xi32, #tpu.memory_space<vmem>>, vector<16xi32>,
    tpu.vector_store %arg11[%swap3A_823], %broadcast_in_dim3A_773 {strides = array<i32>} : memref<12704xi32, #tpu.memory_space<vmem>>, vector<16xi32>,
    %add3A_825 = arith.constant 96 : i32
    %add3A_826 = arith.addi %add3A_772, %add3A_825 : i32
    %swap3A_827 = arith.index_cast %add3A_826 : i32 to index
    %swap3A_828 = tpu.vector_load %arg12[%swap3A_827] {strides = array<i32>} : memref<12704xi32, #tpu.memory_space<vmem>>, vector<16xi32>,
    tpu.vector_store %arg12[%swap3A_827], %broadcast_in_dim3A_773 {strides = array<i32>} : memref<12704xi32, #tpu.memory_space<vmem>>, vector<16xi32>,
    %add3A_829 = arith.constant 112 : i32
    %add3A_830 = arith.addi %add3A_772, %add3A_829 : i32
    %swap3A_831 = arith.index_cast %add3A_830 : i32 to index
    %swap3A_832 = tpu.vector_load %arg11[%swap3A_831] {strides = array<i32>} : memref<12704xi32, #tpu.memory_space<vmem>>, vector<16xi32>,
    tpu.vector_store %arg11[%swap3A_831], %broadcast_in_dim3A_773 {strides = array<i32>} : memref<12704xi32, #tpu.memory_space<vmem>>, vector<16xi32>,
    %add3A_833 = arith.constant 112 : i32
    %add3A_834 = arith.addi %add3A_772, %add3A_833 : i32
    %swap3A_835 = arith.index_cast %add3A_834 : i32 to index
    %swap3A_836 = tpu.vector_load %arg12[%swap3A_835] {strides = array<i32>} : memref<12704xi32, #tpu.memory_space<vmem>>, vector<16xi32>,
    tpu.vector_store %arg12[%swap3A_835], %broadcast_in_dim3A_773 {strides = array<i32>} : memref<12704xi32, #tpu.memory_space<vmem>>, vector<16xi32>,
    %add3A_837 = arith.constant 128 : i32
    %add3A_838 = arith.addi %add3A_772, %add3A_837 : i32
    %swap3A_839 = arith.index_cast %add3A_838 : i32 to index
    %swap3A_840 = tpu.vector_load %arg11[%swap3A_839] {strides = array<i32>} : memref<12704xi32, #tpu.memory_space<vmem>>, vector<16xi32>,
    tpu.vector_store %arg11[%swap3A_839], %broadcast_in_dim3A_773 {strides = array<i32>} : memref<12704xi32, #tpu.memory_space<vmem>>, vector<16xi32>,
    %add3A_841 = arith.constant 128 : i32
    %add3A_842 = arith.addi %add3A_772, %add3A_841 : i32
    %swap3A_843 = arith.index_cast %add3A_842 : i32 to index
    %swap3A_844 = tpu.vector_load %arg12[%swap3A_843] {strides = array<i32>} : memref<12704xi32, #tpu.memory_space<vmem>>, vector<16xi32>,
    tpu.vector_store %arg12[%swap3A_843], %broadcast_in_dim3A_773 {strides = array<i32>} : memref<12704xi32, #tpu.memory_space<vmem>>, vector<16xi32>,
    %add3A_845 = arith.constant 144 : i32
    %add3A_846 = arith.addi %add3A_772, %add3A_845 : i32
    %swap3A_847 = arith.index_cast %add3A_846 : i32 to index
    %swap3A_848 = tpu.vector_load %arg11[%swap3A_847] {strides = array<i32>} : memref<12704xi32, #tpu.memory_space<vmem>>, vector<16xi32>,
    tpu.vector_store %arg11[%swap3A_847], %broadcast_in_dim3A_773 {strides = array<i32>} : memref<12704xi32, #tpu.memory_space<vmem>>, vector<16xi32>,
    %add3A_849 = arith.constant 144 : i32
    %add3A_850 = arith.addi %add3A_772, %add3A_849 : i32
    %swap3A_851 = arith.index_cast %add3A_850 : i32 to index
    %swap3A_852 = tpu.vector_load %arg12[%swap3A_851] {strides = array<i32>} : memref<12704xi32, #tpu.memory_space<vmem>>, vector<16xi32>,
    tpu.vector_store %arg12[%swap3A_851], %broadcast_in_dim3A_773 {strides = array<i32>} : memref<12704xi32, #tpu.memory_space<vmem>>, vector<16xi32>,
    %add3A_853 = arith.constant 160 : i32
    %add3A_854 = arith.addi %add3A_772, %add3A_853 : i32
    %swap3A_855 = arith.index_cast %add3A_854 : i32 to index
    %swap3A_856 = tpu.vector_load %arg11[%swap3A_855] {strides = array<i32>} : memref<12704xi32, #tpu.memory_space<vmem>>, vector<16xi32>,
    tpu.vector_store %arg11[%swap3A_855], %broadcast_in_dim3A_773 {strides = array<i32>} : memref<12704xi32, #tpu.memory_space<vmem>>, vector<16xi32>,
    %add3A_857 = arith.constant 160 : i32
    %add3A_858 = arith.addi %add3A_772, %add3A_857 : i32
    %swap3A_859 = arith.index_cast %add3A_858 : i32 to index
    %swap3A_860 = tpu.vector_load %arg12[%swap3A_859] {strides = array<i32>} : memref<12704xi32, #tpu.memory_space<vmem>>, vector<16xi32>,
    tpu.vector_store %arg12[%swap3A_859], %broadcast_in_dim3A_773 {strides = array<i32>} : memref<12704xi32, #tpu.memory_space<vmem>>, vector<16xi32>,
    %add3A_861 = arith.constant 176 : i32
    %add3A_862 = arith.addi %add3A_772, %add3A_861 : i32
    %swap3A_863 = arith.index_cast %add3A_862 : i32 to index
    %swap3A_864 = tpu.vector_load %arg11[%swap3A_863] {strides = array<i32>} : memref<12704xi32, #tpu.memory_space<vmem>>, vector<16xi32>,
    tpu.vector_store %arg11[%swap3A_863], %broadcast_in_dim3A_773 {strides = array<i32>} : memref<12704xi32, #tpu.memory_space<vmem>>, vector<16xi32>,
    %add3A_865 = arith.constant 176 : i32
    %add3A_866 = arith.addi %add3A_772, %add3A_865 : i32
    %swap3A_867 = arith.index_cast %add3A_866 : i32 to index
    %swap3A_868 = tpu.vector_load %arg12[%swap3A_867] {strides = array<i32>} : memref<12704xi32, #tpu.memory_space<vmem>>, vector<16xi32>,
    tpu.vector_store %arg12[%swap3A_867], %broadcast_in_dim3A_773 {strides = array<i32>} : memref<12704xi32, #tpu.memory_space<vmem>>, vector<16xi32>,
    %add3A_869 = arith.constant 192 : i32
    %add3A_870 = arith.addi %add3A_772, %add3A_869 : i32
    %swap3A_871 = arith.index_cast %add3A_870 : i32 to index
    %swap3A_872 = tpu.vector_load %arg11[%swap3A_871] {strides = array<i32>} : memref<12704xi32, #tpu.memory_space<vmem>>, vector<16xi32>,
    tpu.vector_store %arg11[%swap3A_871], %broadcast_in_dim3A_773 {strides = array<i32>} : memref<12704xi32, #tpu.memory_space<vmem>>, vector<16xi32>,
    %add3A_873 = arith.constant 192 : i32
    %add3A_874 = arith.addi %add3A_772, %add3A_873 : i32
    %swap3A_875 = arith.index_cast %add3A_874 : i32 to index
    %swap3A_876 = tpu.vector_load %arg12[%swap3A_875] {strides = array<i32>} : memref<12704xi32, #tpu.memory_space<vmem>>, vector<16xi32>,
    tpu.vector_store %arg12[%swap3A_875], %broadcast_in_dim3A_773 {strides = array<i32>} : memref<12704xi32, #tpu.memory_space<vmem>>, vector<16xi32>,
    %add3A_877 = arith.constant 208 : i32
    %add3A_878 = arith.addi %add3A_772, %add3A_877 : i32
    %swap3A_879 = arith.index_cast %add3A_878 : i32 to index
    %swap3A_880 = tpu.vector_load %arg11[%swap3A_879] {strides = array<i32>} : memref<12704xi32, #tpu.memory_space<vmem>>, vector<16xi32>,
    tpu.vector_store %arg11[%swap3A_879], %broadcast_in_dim3A_773 {strides = array<i32>} : memref<12704xi32, #tpu.memory_space<vmem>>, vector<16xi32>,
    %add3A_881 = arith.constant 208 : i32
    %add3A_882 = arith.addi %add3A_772, %add3A_881 : i32
    %swap3A_883 = arith.index_cast %add3A_882 : i32 to index
    %swap3A_884 = tpu.vector_load %arg12[%swap3A_883] {strides = array<i32>} : memref<12704xi32, #tpu.memory_space<vmem>>, vector<16xi32>,
    tpu.vector_store %arg12[%swap3A_883], %broadcast_in_dim3A_773 {strides = array<i32>} : memref<12704xi32, #tpu.memory_space<vmem>>, vector<16xi32>,
    %add3A_885 = arith.constant 224 : i32
    %add3A_886 = arith.addi %add3A_772, %add3A_885 : i32
    %swap3A_887 = arith.index_cast %add3A_886 : i32 to index
    %swap3A_888 = tpu.vector_load %arg11[%swap3A_887] {strides = array<i32>} : memref<12704xi32, #tpu.memory_space<vmem>>, vector<16xi32>,
    tpu.vector_store %arg11[%swap3A_887], %broadcast_in_dim3A_773 {strides = array<i32>} : memref<12704xi32, #tpu.memory_space<vmem>>, vector<16xi32>,
    %add3A_889 = arith.constant 224 : i32
    %add3A_890 = arith.addi %add3A_772, %add3A_889 : i32
    %swap3A_891 = arith.index_cast %add3A_890 : i32 to index
    %swap3A_892 = tpu.vector_load %arg12[%swap3A_891] {strides = array<i32>} : memref<12704xi32, #tpu.memory_space<vmem>>, vector<16xi32>,
    tpu.vector_store %arg12[%swap3A_891], %broadcast_in_dim3A_773 {strides = array<i32>} : memref<12704xi32, #tpu.memory_space<vmem>>, vector<16xi32>,
    %add3A_893 = arith.constant 240 : i32
    %add3A_894 = arith.addi %add3A_772, %add3A_893 : i32
    %swap3A_895 = arith.index_cast %add3A_894 : i32 to index
    %swap3A_896 = tpu.vector_load %arg11[%swap3A_895] {strides = array<i32>} : memref<12704xi32, #tpu.memory_space<vmem>>, vector<16xi32>,
    tpu.vector_store %arg11[%swap3A_895], %broadcast_in_dim3A_773 {strides = array<i32>} : memref<12704xi32, #tpu.memory_space<vmem>>, vector<16xi32>,
    %add3A_897 = arith.constant 240 : i32
    %add3A_898 = arith.addi %add3A_772, %add3A_897 : i32
    %swap3A_899 = arith.index_cast %add3A_898 : i32 to index
    %swap3A_900 = tpu.vector_load %arg12[%swap3A_899] {strides = array<i32>} : memref<12704xi32, #tpu.memory_space<vmem>>, vector<16xi32>,
    tpu.vector_store %arg12[%swap3A_899], %broadcast_in_dim3A_773 {strides = array<i32>} : memref<12704xi32, #tpu.memory_space<vmem>>, vector<16xi32>,
    %add3A_901 = arith.constant 256 : i32
    %add3A_902 = arith.addi %add3A_772, %add3A_901 : i32
    %swap3A_903 = arith.index_cast %add3A_902 : i32 to index
    %swap3A_904 = tpu.vector_load %arg11[%swap3A_903] {strides = array<i32>} : memref<12704xi32, #tpu.memory_space<vmem>>, vector<16xi32>,
    tpu.vector_store %arg11[%swap3A_903], %broadcast_in_dim3A_773 {strides = array<i32>} : memref<12704xi32, #tpu.memory_space<vmem>>, vector<16xi32>,
    %add3A_905 = arith.constant 256 : i32
    %add3A_906 = arith.addi %add3A_772, %add3A_905 : i32
    %swap3A_907 = arith.index_cast %add3A_906 : i32 to index
    %swap3A_908 = tpu.vector_load %arg12[%swap3A_907] {strides = array<i32>} : memref<12704xi32, #tpu.memory_space<vmem>>, vector<16xi32>,
    tpu.vector_store %arg12[%swap3A_907], %broadcast_in_dim3A_773 {strides = array<i32>} : memref<12704xi32, #tpu.memory_space<vmem>>, vector<16xi32>,
    %add3A_909 = arith.constant 272 : i32
    %add3A_910 = arith.addi %add3A_772, %add3A_909 : i32
    %swap3A_911 = arith.index_cast %add3A_910 : i32 to index
    %swap3A_912 = tpu.vector_load %arg11[%swap3A_911] {strides = array<i32>} : memref<12704xi32, #tpu.memory_space<vmem>>, vector<16xi32>,
    tpu.vector_store %arg11[%swap3A_911], %broadcast_in_dim3A_773 {strides = array<i32>} : memref<12704xi32, #tpu.memory_space<vmem>>, vector<16xi32>,
    %add3A_913 = arith.constant 272 : i32
    %add3A_914 = arith.addi %add3A_772, %add3A_913 : i32
    %swap3A_915 = arith.index_cast %add3A_914 : i32 to index
    %swap3A_916 = tpu.vector_load %arg12[%swap3A_915] {strides = array<i32>} : memref<12704xi32, #tpu.memory_space<vmem>>, vector<16xi32>,
    tpu.vector_store %arg12[%swap3A_915], %broadcast_in_dim3A_773 {strides = array<i32>} : memref<12704xi32, #tpu.memory_space<vmem>>, vector<16xi32>,
    %add3A_917 = arith.constant 288 : i32
    %add3A_918 = arith.addi %add3A_772, %add3A_917 : i32
    %swap3A_919 = arith.index_cast %add3A_918 : i32 to index
    %swap3A_920 = tpu.vector_load %arg11[%swap3A_919] {strides = array<i32>} : memref<12704xi32, #tpu.memory_space<vmem>>, vector<16xi32>,
    tpu.vector_store %arg11[%swap3A_919], %broadcast_in_dim3A_773 {strides = array<i32>} : memref<12704xi32, #tpu.memory_space<vmem>>, vector<16xi32>,
    %add3A_921 = arith.constant 288 : i32
    %add3A_922 = arith.addi %add3A_772, %add3A_921 : i32
    %swap3A_923 = arith.index_cast %add3A_922 : i32 to index
    %swap3A_924 = tpu.vector_load %arg12[%swap3A_923] {strides = array<i32>} : memref<12704xi32, #tpu.memory_space<vmem>>, vector<16xi32>,
    tpu.vector_store %arg12[%swap3A_923], %broadcast_in_dim3A_773 {strides = array<i32>} : memref<12704xi32, #tpu.memory_space<vmem>>, vector<16xi32>,
    %add3A_925 = arith.constant 304 : i32
    %add3A_926 = arith.addi %add3A_772, %add3A_925 : i32
    %swap3A_927 = arith.index_cast %add3A_926 : i32 to index
    %swap3A_928 = tpu.vector_load %arg11[%swap3A_927] {strides = array<i32>} : memref<12704xi32, #tpu.memory_space<vmem>>, vector<16xi32>,
    tpu.vector_store %arg11[%swap3A_927], %broadcast_in_dim3A_773 {strides = array<i32>} : memref<12704xi32, #tpu.memory_space<vmem>>, vector<16xi32>,
    %add3A_929 = arith.constant 304 : i32
    %add3A_930 = arith.addi %add3A_772, %add3A_929 : i32
    %swap3A_931 = arith.index_cast %add3A_930 : i32 to index
    %swap3A_932 = tpu.vector_load %arg12[%swap3A_931] {strides = array<i32>} : memref<12704xi32, #tpu.memory_space<vmem>>, vector<16xi32>,
    tpu.vector_store %arg12[%swap3A_931], %broadcast_in_dim3A_773 {strides = array<i32>} : memref<12704xi32, #tpu.memory_space<vmem>>, vector<16xi32>,
    %add3A_933 = arith.constant 320 : i32
    %add3A_934 = arith.addi %add3A_772, %add3A_933 : i32
    %swap3A_935 = arith.index_cast %add3A_934 : i32 to index
    %swap3A_936 = tpu.vector_load %arg11[%swap3A_935] {strides = array<i32>} : memref<12704xi32, #tpu.memory_space<vmem>>, vector<16xi32>,
    tpu.vector_store %arg11[%swap3A_935], %broadcast_in_dim3A_773 {strides = array<i32>} : memref<12704xi32, #tpu.memory_space<vmem>>, vector<16xi32>,
    %add3A_937 = arith.constant 320 : i32
    %add3A_938 = arith.addi %add3A_772, %add3A_937 : i32
    %swap3A_939 = arith.index_cast %add3A_938 : i32 to index
    %swap3A_940 = tpu.vector_load %arg12[%swap3A_939] {strides = array<i32>} : memref<12704xi32, #tpu.memory_space<vmem>>, vector<16xi32>,
    tpu.vector_store %arg12[%swap3A_939], %broadcast_in_dim3A_773 {strides = array<i32>} : memref<12704xi32, #tpu.memory_space<vmem>>, vector<16xi32>,
    %add3A_941 = arith.constant 336 : i32
    %add3A_942 = arith.addi %add3A_772, %add3A_941 : i32
    %swap3A_943 = arith.index_cast %add3A_942 : i32 to index
    %swap3A_944 = tpu.vector_load %arg11[%swap3A_943] {strides = array<i32>} : memref<12704xi32, #tpu.memory_space<vmem>>, vector<16xi32>,
    tpu.vector_store %arg11[%swap3A_943], %broadcast_in_dim3A_773 {strides = array<i32>} : memref<12704xi32, #tpu.memory_space<vmem>>, vector<16xi32>,
    %add3A_945 = arith.constant 336 : i32
    %add3A_946 = arith.addi %add3A_772, %add3A_945 : i32
    %swap3A_947 = arith.index_cast %add3A_946 : i32 to index
    %swap3A_948 = tpu.vector_load %arg12[%swap3A_947] {strides = array<i32>} : memref<12704xi32, #tpu.memory_space<vmem>>, vector<16xi32>,
    tpu.vector_store %arg12[%swap3A_947], %broadcast_in_dim3A_773 {strides = array<i32>} : memref<12704xi32, #tpu.memory_space<vmem>>, vector<16xi32>,
    %add3A_949 = arith.constant 352 : i32
    %add3A_950 = arith.addi %add3A_772, %add3A_949 : i32
    %swap3A_951 = arith.index_cast %add3A_950 : i32 to index
    %swap3A_952 = tpu.vector_load %arg11[%swap3A_951] {strides = array<i32>} : memref<12704xi32, #tpu.memory_space<vmem>>, vector<16xi32>,
    tpu.vector_store %arg11[%swap3A_951], %broadcast_in_dim3A_773 {strides = array<i32>} : memref<12704xi32, #tpu.memory_space<vmem>>, vector<16xi32>,
    %add3A_953 = arith.constant 352 : i32
    %add3A_954 = arith.addi %add3A_772, %add3A_953 : i32
    %swap3A_955 = arith.index_cast %add3A_954 : i32 to index
    %swap3A_956 = tpu.vector_load %arg12[%swap3A_955] {strides = array<i32>} : memref<12704xi32, #tpu.memory_space<vmem>>, vector<16xi32>,
    tpu.vector_store %arg12[%swap3A_955], %broadcast_in_dim3A_773 {strides = array<i32>} : memref<12704xi32, #tpu.memory_space<vmem>>, vector<16xi32>,
    %add3A_957 = arith.constant 368 : i32
    %add3A_958 = arith.addi %add3A_772, %add3A_957 : i32
    %swap3A_959 = arith.index_cast %add3A_958 : i32 to index
    %swap3A_960 = tpu.vector_load %arg11[%swap3A_959] {strides = array<i32>} : memref<12704xi32, #tpu.memory_space<vmem>>, vector<16xi32>,
    tpu.vector_store %arg11[%swap3A_959], %broadcast_in_dim3A_773 {strides = array<i32>} : memref<12704xi32, #tpu.memory_space<vmem>>, vector<16xi32>,
    %add3A_961 = arith.constant 368 : i32
    %add3A_962 = arith.addi %add3A_772, %add3A_961 : i32
    %swap3A_963 = arith.index_cast %add3A_962 : i32 to index
    %swap3A_964 = tpu.vector_load %arg12[%swap3A_963] {strides = array<i32>} : memref<12704xi32, #tpu.memory_space<vmem>>, vector<16xi32>,
    tpu.vector_store %arg12[%swap3A_963], %broadcast_in_dim3A_773 {strides = array<i32>} : memref<12704xi32, #tpu.memory_space<vmem>>, vector<16xi32>,
    %broadcast_in_dim3A_965 = vector.broadcast %add3A_772 : i32 to vector<16xi32>
    %swap3A_966 = arith.constant 0 : index
    %swap3A_967 = tpu.vector_load %arg13[%swap3A_966] {strides = array<i32>} : memref<16xi32, #tpu.memory_space<vmem>>, vector<16xi32>,
    tpu.vector_store %arg13[%swap3A_966], %broadcast_in_dim3A_965 {strides = array<i32>} : memref<16xi32, #tpu.memory_space<vmem>>, vector<16xi32>,
    "tpu.region"() ({
      %run_scoped3A = tpu.sem_alloc : memref<!tpu.dma_semaphore, #tpu.memory_space<semaphore_mem>>
      %dma_start3A = arith.constant 0 : i32
      %dma_start3A_968 = tpu.memref_slice %arg4[%add3A, %dma_start3A] : memref<32x12704xi32, #tpu.memory_space<hbm>> -> memref<1x12704xi32, #tpu.memory_space<hbm>>
      %dma_start3A_969 = tpu.memref_squeeze %dma_start3A_968 : memref<1x12704xi32, #tpu.memory_space<hbm>> -> memref<12704xi32, #tpu.memory_space<hbm>>
      %dma_start3A_970 = arith.constant 0 : i32
      %dma_start3A_971 = tpu.memref_slice %arg4[%add3A, %dma_start3A_970] : memref<32x12704xi32, #tpu.memory_space<hbm>> -> memref<1x12704xi32, #tpu.memory_space<hbm>>
      %dma_start3A_972 = tpu.memref_squeeze %dma_start3A_971 : memref<1x12704xi32, #tpu.memory_space<hbm>> -> memref<12704xi32, #tpu.memory_space<hbm>>
      tpu.enqueue_dma source(%arg11 : memref<12704xi32, #tpu.memory_space<vmem>>) target(%dma_start3A_972 : memref<12704xi32, #tpu.memory_space<hbm>>) target_semaphore(%run_scoped3A : memref<!tpu.dma_semaphore, #tpu.memory_space<semaphore_mem>>)
      %dma_wait3A = arith.constant 0 : i32
      %dma_wait3A_973 = tpu.memref_slice %arg4[%add3A, %dma_wait3A] : memref<32x12704xi32, #tpu.memory_space<hbm>> -> memref<1x12704xi32, #tpu.memory_space<hbm>>
      %dma_wait3A_974 = tpu.memref_squeeze %dma_wait3A_973 : memref<1x12704xi32, #tpu.memory_space<hbm>> -> memref<12704xi32, #tpu.memory_space<hbm>>
      %dma_wait3A_975 = arith.constant 0 : i32
      %dma_wait3A_976 = tpu.memref_slice %arg4[%add3A, %dma_wait3A_975] : memref<32x12704xi32, #tpu.memory_space<hbm>> -> memref<1x12704xi32, #tpu.memory_space<hbm>>
      %dma_wait3A_977 = tpu.memref_squeeze %dma_wait3A_976 : memref<1x12704xi32, #tpu.memory_space<hbm>> -> memref<12704xi32, #tpu.memory_space<hbm>>
      tpu.wait_dma2 semaphore(%run_scoped3A : memref<!tpu.dma_semaphore, #tpu.memory_space<semaphore_mem>>) src(%arg11 : memref<12704xi32, #tpu.memory_space<vmem>>) dst(%dma_wait3A_977 : memref<12704xi32, #tpu.memory_space<hbm>>)
      tpu.yield
    }) : () -> ()
    "tpu.region"() ({
      %run_scoped3A = tpu.sem_alloc : memref<!tpu.dma_semaphore, #tpu.memory_space<semaphore_mem>>
      %dma_start3A = arith.constant 0 : i32
      %dma_start3A_968 = tpu.memref_slice %arg5[%add3A, %dma_start3A] : memref<32x12704xi32, #tpu.memory_space<hbm>> -> memref<1x12704xi32, #tpu.memory_space<hbm>>
      %dma_start3A_969 = tpu.memref_squeeze %dma_start3A_968 : memref<1x12704xi32, #tpu.memory_space<hbm>> -> memref<12704xi32, #tpu.memory_space<hbm>>
      %dma_start3A_970 = arith.constant 0 : i32
      %dma_start3A_971 = tpu.memref_slice %arg5[%add3A, %dma_start3A_970] : memref<32x12704xi32, #tpu.memory_space<hbm>> -> memref<1x12704xi32, #tpu.memory_space<hbm>>
      %dma_start3A_972 = tpu.memref_squeeze %dma_start3A_971 : memref<1x12704xi32, #tpu.memory_space<hbm>> -> memref<12704xi32, #tpu.memory_space<hbm>>
      tpu.enqueue_dma source(%arg12 : memref<12704xi32, #tpu.memory_space<vmem>>) target(%dma_start3A_972 : memref<12704xi32, #tpu.memory_space<hbm>>) target_semaphore(%run_scoped3A : memref<!tpu.dma_semaphore, #tpu.memory_space<semaphore_mem>>)
      %dma_wait3A = arith.constant 0 : i32
      %dma_wait3A_973 = tpu.memref_slice %arg5[%add3A, %dma_wait3A] : memref<32x12704xi32, #tpu.memory_space<hbm>> -> memref<1x12704xi32, #tpu.memory_space<hbm>>
      %dma_wait3A_974 = tpu.memref_squeeze %dma_wait3A_973 : memref<1x12704xi32, #tpu.memory_space<hbm>> -> memref<12704xi32, #tpu.memory_space<hbm>>
      %dma_wait3A_975 = arith.constant 0 : i32
      %dma_wait3A_976 = tpu.memref_slice %arg5[%add3A, %dma_wait3A_975] : memref<32x12704xi32, #tpu.memory_space<hbm>> -> memref<1x12704xi32, #tpu.memory_space<hbm>>
      %dma_wait3A_977 = tpu.memref_squeeze %dma_wait3A_976 : memref<1x12704xi32, #tpu.memory_space<hbm>> -> memref<12704xi32, #tpu.memory_space<hbm>>
      tpu.wait_dma2 semaphore(%run_scoped3A : memref<!tpu.dma_semaphore, #tpu.memory_space<semaphore_mem>>) src(%arg12 : memref<12704xi32, #tpu.memory_space<vmem>>) dst(%dma_wait3A_977 : memref<12704xi32, #tpu.memory_space<hbm>>)
      tpu.yield
    }) : () -> ()
    "tpu.region"() ({
      %run_scoped3A = tpu.sem_alloc : memref<!tpu.dma_semaphore, #tpu.memory_space<semaphore_mem>>
      %dma_start3A = arith.constant 0 : i32
      %dma_start3A_968 = tpu.memref_slice %arg6[%add3A, %dma_start3A] : memref<32x16xi32, #tpu.memory_space<hbm>> -> memref<1x16xi32, #tpu.memory_space<hbm>>
      %dma_start3A_969 = tpu.memref_squeeze %dma_start3A_968 : memref<1x16xi32, #tpu.memory_space<hbm>> -> memref<16xi32, #tpu.memory_space<hbm>>
      %dma_start3A_970 = arith.constant 0 : i32
      %dma_start3A_971 = tpu.memref_slice %arg6[%add3A, %dma_start3A_970] : memref<32x16xi32, #tpu.memory_space<hbm>> -> memref<1x16xi32, #tpu.memory_space<hbm>>
      %dma_start3A_972 = tpu.memref_squeeze %dma_start3A_971 : memref<1x16xi32, #tpu.memory_space<hbm>> -> memref<16xi32, #tpu.memory_space<hbm>>
      tpu.enqueue_dma source(%arg13 : memref<16xi32, #tpu.memory_space<vmem>>) target(%dma_start3A_972 : memref<16xi32, #tpu.memory_space<hbm>>) target_semaphore(%run_scoped3A : memref<!tpu.dma_semaphore, #tpu.memory_space<semaphore_mem>>)
      %dma_wait3A = arith.constant 0 : i32
      %dma_wait3A_973 = tpu.memref_slice %arg6[%add3A, %dma_wait3A] : memref<32x16xi32, #tpu.memory_space<hbm>> -> memref<1x16xi32, #tpu.memory_space<hbm>>
      %dma_wait3A_974 = tpu.memref_squeeze %dma_wait3A_973 : memref<1x16xi32, #tpu.memory_space<hbm>> -> memref<16xi32, #tpu.memory_space<hbm>>
      %dma_wait3A_975 = arith.constant 0 : i32
      %dma_wait3A_976 = tpu.memref_slice %arg6[%add3A, %dma_wait3A_975] : memref<32x16xi32, #tpu.memory_space<hbm>> -> memref<1x16xi32, #tpu.memory_space<hbm>>
      %dma_wait3A_977 = tpu.memref_squeeze %dma_wait3A_976 : memref<1x16xi32, #tpu.memory_space<hbm>> -> memref<16xi32, #tpu.memory_space<hbm>>
      tpu.wait_dma2 semaphore(%run_scoped3A : memref<!tpu.dma_semaphore, #tpu.memory_space<semaphore_mem>>) src(%arg13 : memref<16xi32, #tpu.memory_space<vmem>>) dst(%dma_wait3A_977 : memref<16xi32, #tpu.memory_space<hbm>>)
      tpu.yield
    }) : () -> ()
    return
  }
}

</mosaic_0001>

<sc_bundles>
// kernel: _sc_partition.3.cloned.1.call-start
scs
__scs_entry_jumppad:
0x0: {  	(pc) =	sbr.rel $0x88, $3  }
0x1: {  	(tag) =	ssettag $0x0;
	lr =	simm.s32 $0x1  }
0x2: {  	[smem:$0x3F9F] =	sst lr;
	_ =	strace $0xD0000000  }
0x3: {  	_ = 	snop  }
0x4: {  	_ = 	snop  }
0x5: {  	_ = 	snop  }
0x6: {  	_ = 	snop  }
0x7: {  	_ = 	snop  }
__scs_overlays_trampoline_lowered:
0x8: {  	[smem:$0x3FAE] =	sst s0  }
0x9: {  	[smem:$0x3FAF] =	sst s1  }
0xa: {  	[smem:$0x3FB0] =	sst s2  }
0xb: {  	[smem:$0x3FB1] =	sst s3  }
0xc: {  	[smem:$0x3FB2] =	sst s4  }
0xd: {  	[smem:$0x3FB3] =	sst s5  }
0xe: {  	[smem:$0x3FB4] =	sst s6  }
0xf: {  	[smem:$0x3FB5] =	sst s7  }
0x10: {  	[smem:$0x3FB6] =	sst s8  }
0x11: {  	[smem:$0x3FB7] =	sst s9;
	s0 =	simm.s32 @!p0 $0x0  }
0x12: {  	s1 =	sld [smem:$0x3F9D];
	s0 =	simm.s32 @p0 $0x1  }
0x13: {  	[smem:$0x3FB8] =	sst s0;
	s0 =	simm.s32 @!p1 $0x0  }
0x14: {  	s2 =	sld [smem:$0x3F9C];
	s0 =	simm.s32 @p1 $0x1  }
0x15: {  	[smem:$0x3FB9] =	sst s0;
	s0 =	simm.s32 @!p2 $0x0  }
0x16: {  	s3 =	sld [smem:$0x3FDB];
	s0 =	simm.s32 @p2 $0x1  }
0x17: {  	s4 =	simm.s32 $0x1BF5;
	[smem:$0x3FBB] =	sst s0  }
0x18: {  	s0 =	sld [smem:$0x3F9E];
	_ =	swait.ge [sflag:s4], $0x0  }
0x19: {  	s7 =	sld [smem:$0x3F9F]  }
0x1a: {  	s8 =	sadd.s32 $0xFFFFE003, lr  }
0x1b: {  	s9 =	sadd.s32 $0xFFFFFEF7, lr;
	s5 =	simm.s32 $0xFFFFFFFF;
	p2 =	slt.u32 s8, $0xFFFFF086  }
0x1c: {  	p1 =	slt.u32 s9, $0xF7A;
	s5 =	simm.s32 @!p2 $0x0  }
0x1d: {  	s5 =	simm.s32 @p1 $0x1;
	p0 =	seq.s32 s7, s2  }
0x1e: {  	s7 =	smul.u32 @!p0 $0xF7A, s2;
	p2 =	seq.s32 @!p0 s5, $0x0  }
0x1f: {  	s9 =	smul.u32 $0xF7A, s1;
	s8 =	simm.s32 @!p0 $0x1BF5;
	p2 =	por !p2, p0  }
0x20: {  	[sflag:s8] =	ssyncset.s32 @!p0 $0xFFFFF086;
	s6 =	sadd.s32 @!p0 s3, s7;
	s7 =	simm.s32 @!p0 $0x108  }
0x21: {  	s3 =	sadd.s32 s3, s9;
	s6 =	sadd.s32 @!p0 $0x88, s6;
	s7 =	simm.s32 @p2 $0x1082  }
0x22: {  	[simem:s7], [sflag:s8] =	dma.local @!p0 [hbm:s6], $0xF7A  }
0x23: {  	s9 =	sor.u32 $0xD0000000, s2;
	s6 =	simm.s32 $0x108;
	_ =	swait.ge @!p0 [sflag:s8], $0x0  }
0x24: {  	s3 =	sadd.s32 $0x88, s3;
	s6 =	simm.s32 @!p1 $0x1082;
	[sflag:s4] =	ssyncset.s32 $0xFFFFF086  }
0x25: {  	[simem:s6], [sflag:s4] =	dma.local [hbm:s3], $0xF7A  }
0x26: {  	[smem:$0x3F9F] =	sst s1;
	(tag) =	ssettag s2;
	_ =	strace s9  }
0x27: {  	s1 =	sld [smem:$0x3FAF]  }
0x28: {  	s2 =	sld [smem:$0x3FB0]  }
0x29: {  	s4 =	sld [smem:$0x3FB2]  }
0x2a: {  	p0 =	seq.s32 s5, $0x0;
	s5 =	sld [smem:$0x3FB3]  }
0x2b: {  	s6 =	sld [smem:$0x3FB4]  }
0x2c: {  	s7 =	sld [smem:$0x3FB5]  }
0x2d: {  	s3 =	simm.s32 $0x108;
	s8 =	sld [smem:$0x3FB6]  }
0x2e: {  	s3 =	simm.s32 @!p0 $0x1082;
	s9 =	sld [smem:$0x3FB7]  }
0x2f: {  	lr =	sadd.s32 s0, s3;
	s0 =	sld [smem:$0x3FAE]  }
0x30: {  	s3 =	sld [smem:$0x3FB1]  }
0x31: {  	[smem:$0x3FBA] =	sst s10  }
0x32: {  	s10 =	sld [smem:$0x3FB8];
	_ =	sdelay $0x3  }
0x33: {  	p0 =	seq.s32 s10, $0x1;
	s10 =	sld [smem:$0x3FBA];
	_ =	sdelay $0x3  }
0x34: {  	[smem:$0x3FBA] =	sst s10  }
0x35: {  	s10 =	sld [smem:$0x3FB9];
	_ =	sdelay $0x3  }
0x36: {  	p1 =	seq.s32 s10, $0x1;
	s10 =	sld [smem:$0x3FBA];
	_ =	sdelay $0x3  }
0x37: {  	[smem:$0x3FBA] =	sst s10  }
0x38: {  	s10 =	sld [smem:$0x3FBB]  }
0x39: {  	_ = 	snop;
	(pc) =	sbr.ind lr, $3  }
0x3a: {  	_ = 	snop  }
0x3b: {  	_ = 	snop  }
0x3c: {  	p2 =	seq.s32 s10, $0x1;
	s10 =	sld [smem:$0x3FBA]  }
0x3d: {  	_ =	shalt  }
0x3e: {  	_ =	shalt  }
0x3f: {  	_ =	shalt  }
0x40: {  	_ =	shalt  }
0x41: {  	_ =	shalt  }
0x42: {  	_ =	shalt  }
0x43: {  	_ =	shalt  }
0x44: {  	_ =	shalt  }
0x45: {  	_ =	shalt  }
0x46: {  	_ =	shalt  }
0x47: {  	_ =	shalt  }
0x48: {  	_ =	shalt  }
0x49: {  	_ =	shalt  }
0x4a: {  	_ =	shalt  }
0x4b: {  	_ =	shalt  }
0x4c: {  	_ =	shalt  }
0x4d: {  	_ =	shalt  }
0x4e: {  	_ =	shalt  }
0x4f: {  	_ =	shalt  }
0x50: {  	_ =	shalt  }
0x51: {  	_ =	shalt  }
0x52: {  	_ =	shalt  }
0x53: {  	_ =	shalt  }
0x54: {  	_ =	shalt  }
0x55: {  	_ =	shalt  }
0x56: {  	_ =	shalt  }
0x57: {  	_ =	shalt  }
0x58: {  	_ =	shalt  }
0x59: {  	_ =	shalt  }
0x5a: {  	_ =	shalt  }
0x5b: {  	_ =	shalt  }
0x5c: {  	_ =	shalt  }
0x5d: {  	_ =	shalt  }
0x5e: {  	_ =	shalt  }
0x5f: {  	_ =	shalt  }
0x60: {  	_ =	shalt  }
0x61: {  	_ =	shalt  }
0x62: {  	_ =	shalt  }
0x63: {  	_ =	shalt  }
0x64: {  	_ =	shalt  }
0x65: {  	_ =	shalt  }
0x66: {  	_ =	shalt  }
0x67: {  	_ =	shalt  }
0x68: {  	_ =	shalt  }
0x69: {  	_ =	shalt  }
0x6a: {  	_ =	shalt  }
0x6b: {  	_ =	shalt  }
0x6c: {  	_ =	shalt  }
0x6d: {  	_ =	shalt  }
0x6e: {  	_ =	shalt  }
0x6f: {  	_ =	shalt  }
0x70: {  	_ =	shalt  }
0x71: {  	_ =	shalt  }
0x72: {  	_ =	shalt  }
0x73: {  	_ =	shalt  }
0x74: {  	_ =	shalt  }
0x75: {  	_ =	shalt  }
0x76: {  	_ =	shalt  }
0x77: {  	_ =	shalt  }
0x78: {  	_ =	shalt  }
0x79: {  	_ =	shalt  }
0x7a: {  	_ =	shalt  }
0x7b: {  	_ =	shalt  }
0x7c: {  	_ =	shalt  }
0x7d: {  	_ =	shalt  }
0x7e: {  	_ =	shalt  }
0x7f: {  	_ =	shalt  }
0x80: {  	_ =	shalt  }
0x81: {  	_ =	shalt  }
0x82: {  	_ =	shalt  }
0x83: {  	_ =	shalt  }
0x84: {  	_ =	shalt  }
0x85: {  	_ =	shalt  }
0x86: {  	_ =	shalt  }
0x87: {  	_ =	shalt  }
.Lfunc_end0:
.L_simem_size_0:
called_computation_lowered:
.L_overlay_start_0:
0x88: {  	s2 =	sld [smem:$0x3FD9]  }
0x89: {  	s3 =	sld [smem:$0x3FFE];
	_ =	sdelay $0x1  }
0x8a: {  	s1 =	srdreg.scid  }
0x8b: {  	s0 =	sand.u32 $0x1, s1  }
0x8c: {  	s14 =	sshll.u32 s0, $0xA;
	s2 =	sadd.s32 s3, s2  }
0x8d: {  	s2 =	sadd.s32 s2, s14  }
0x8e: {  	[smem:$0x3FC6] =	sst s2  }
0x8f: {  	_ = 	snop  }
0x90: {  	s2 =	sld [smem:$0x3FD0];
	_ =	sdelay $0x1  }
0x91: {  	s15 =	sld [smem:$0x3FC9]  }
0x92: {  	s5 =	simm.s32 $0xA;
	s6 =	simm.s32 $0x10;
	s4 =	sld [smem:$0x3FC8]  }
0x93: {  	[smem:s6], [sflag:s5] =	dma.local [hbm:s2], $0x1  }
0x94: {  	_ =	swait.eq [sflag:s5], $0x1  }
0x95: {  	[sflag:s5] =	ssyncset.done $0x0  }
0x96: {  	s16 =	sld [smem:$0x10];
	[sflag:s5] =	ssyncadd.s32 $0xFFFFFFFF  }
0x97: {  	s17 =	sld [smem:$0x11];
	(tm) =	ssettm $0x1  }
0x98: {  	s18 =	sld [smem:$0x3FFB];
	_ =	sdelay $0x3  }
0x99: {  	_ =	strace s18  }
0x9a: {  	s6 =	sld [smem:$0x3FFC];
	_ =	sdelay $0x3  }
0x9b: {  	_ =	strace s6  }
0x9c: {  	s6 =	sld [smem:$0x3FFD];
	_ =	sdelay $0x3  }
0x9d: {  	_ =	strace s6  }
0x9e: {  	_ =	strace $0x8FFFFFFF  }
0x9f: {  	s19 =	sld [smem:$0x3FDB];
	_ =	sdelay $0x1  }
0xa0: {  	s7 =	simm.s32 $_scs_section_size  }
0xa1: {  	s8 =	simm.s32 $_size__tile_overlayer_lowered;
	s9 =	simm.s32 $_tile_overlayer_lowered  }
0xa2: {  	s22 =	simm.s32 $0x1BFF;
	s21 =	sshll.u32 s9, $0x1;
	s6 =	sadd.s32 s7, s19  }
0xa3: {  	s10 =	simm.s32 $0x0;
	s20 =	sshll.u32 s8, $0x1;
	s8 =	sadd.s32 s21, s6  }
0xa4: {  	[timem:s10], [sflag:s22] =	dma.local [hbm:s8], s20  }
0xa5: {  	_ =	swait.ge [sflag:s22], s20  }
0xa6: {  	s7 =	ssub.s32 $0x0, s20;
	[sflag:s22] =	ssyncset.done $0x0  }
0xa7: {  	[sflag:s22] =	ssyncadd.s32 s7;
	_ =	sdelay $0x1  }
0xa8: {  	s23 =	simm.s32 $0x1B8B  }
0xa9: {  	_ =	swait.ge [sflag:s23], $0x1  }
0xaa: {  	[sflag:s23] =	ssyncset.done $0x0  }
0xab: {  	s25 =	simm.s32 $0x1B8E;
	s24 =	sld [smem:$0x3FFE];
	[sflag:s23] =	ssyncadd.s32 $0xFFFFFFFF  }
0xac: {  	s26 =	simm.s32 $execute0_lowered;
	[smem:$0x3FD2] =	sst s25  }
0xad: {  	s8 =	sshll.u32 s26, $0x1;
	_ =	strace $0x80000046;
	[dreg:$0x1] =	wrdreg $0xFFFFFFFF  }
0xae: {  	s28 =	simm.s32 $_size_execute0_lowered;
	s6 =	sadd.s32 s6, s8;
	[dreg:$0x0] =	wrdreg $0x0  }
0xaf: {  	s8 =	sshll.u32 s28, $0x1;
	[dreg:$0x2] =	wrdreg s6  }
0xb0: {  	[dreg:$0x3] =	wrdreg s8  }
0xb1: {  	[dreg:$0x4] =	wrdreg $0xC0  }
0xb2: {  	_ =	task [dreg:s10], $0x5FFFF  }
0xb3: {  	[dreg:$0x1] =	wrdreg $0xFFFFFFFF  }
0xb4: {  	[dreg:$0x0] =	wrdreg $0x60  }
0xb5: {  	[dreg:$0x2] =	wrdreg s15  }
0xb6: {  	[dreg:$0x3] =	wrdreg s4  }
0xb7: {  	[dreg:$0x4] =	wrdreg s16  }
0xb8: {  	[dreg:$0x5] =	wrdreg s17  }
0xb9: {  	[dreg:$0x6] =	wrdreg s24  }
0xba: {  	[dreg:$0x7] =	wrdreg $0x9  }
0xbb: {  	_ =	task.clear_ibuf [dreg:s10], $0x8FFFF;
	_ =	strace $0x90000046  }
0xbc: {  	s29 =	simm.s32 $0x9;
	_ =	strace $0x80000048  }
0xbd: {  	_ =	swait.ge [sflag:s29], $0x1  }
0xbe: {  	[sflag:s29] =	ssyncadd.s32 $0xFFFFFFFF  }
0xbf: {  	_ =	strace $0x90000048  }
0xc0: {  	_ =	sfence  }
0xc1: {  	s30 =	sld [smem:$0x0];
	_ =	sdelay $0x2  }
0xc2: {  	s31 =	sshll.u32 s1, $0xD;
	s1 =	sshrl.u32 s1, $0x2  }
0xc3: {  	s3 =	sand.u32 $0x4000, s31;
	s1 =	sadd.s32 s1, s30  }
0xc4: {  	s0 =	sor.u32 s3, s0;
	s1 =	sshll.u32 s1, $0x11  }
0xc5: {  	s0 =	sor.u32 s1, s0  }
0xc6: {  	s0 =	sadd.s32 $0x8F2B, s0  }
0xc7: {  	[sflag:s0] =	ssyncadd.remote.s32 $0x1  }
0xc8: {  	_ =	sfence.sel $0xFFFF  }
0xc9: {  	[dreg:$0x0] =	wrdreg $0xFFFFFFFF;
	(pc) =	sbr.abs _section_cstart, $3  }
0xca: {  	[dreg:$0x1] =	wrdreg $0xFFFFFFFF  }
0xcb: {  	_ =	task.clear_ibuf [dreg:s10], $0x2FFFF;
	_ =	strace $0x9FFFFFFF  }
0xcc: {  	(tm) =	ssettm $0x7FFFFFFF  }
0xcd: {  	_ =	shalt  }
tec
execute0_lowered:
.L_overlay_start_1:
0x0: {  	(tag) =	ssettag $0x1  }
0x1: {  	s10 =	rddreg [dreg:$0x0]  }
0x2: {  	s11 =	rddreg [dreg:$0x1]  }
0x3: {  	s0 =	rddreg [dreg:$0x2]  }
0x4: {  	s2 =	rddreg [dreg:$0x3]  }
0x5: {  	s4 =	stileid.u32;
	s5 =	rddreg [dreg:$0x4]  }
0x6: {  	s3 =	sshll.u32 s4, $0x1;
	s6 =	sshrl.u32 s4, $0x2;
	s4 =	simm.s32 $0x0  }
0x7: {  	s13 =	sadd.s32 $0xFA0, s10;
	[smem:$0x7FF] =	sst s4  }
0x8: {  	s14 =	sadd.s32 $0xFA0, s11;
	_ =	strace $0x80000047;
	[dreg:$0x6] =	wrdreg s13  }
0x9: {  	s1 =	srdreg.scid;
	s15 =	sadd.s32 $0x1F40, s10;
	[dreg:$0x7] =	wrdreg s14  }
0xa: {  	s28 =	simm.s32 $0x1;
	s16 =	sadd.s32 $0x1F40, s11;
	[dreg:$0x8] =	wrdreg s15  }
0xb: {  	s29 =	simm.s32 $0x7D00;
	s17 =	sadd.s32 $0x2EE0, s10;
	[dreg:$0x9] =	wrdreg s16  }
0xc: {  	s30 =	simm.s32 $0xFA00;
	s18 =	sadd.s32 $0x2EE0, s11;
	[dreg:$0xa] =	wrdreg s17  }
0xd: {  	s31 =	simm.s32 $0x13A80;
	s19 =	sadd.s32 $0x3E80, s10;
	[dreg:$0xb] =	wrdreg s18  }
0xe: {  	s1 =	sand.u32 $0x1, s1;
	s20 =	sadd.s32 $0x3E80, s11;
	[dreg:$0xc] =	wrdreg s19  }
0xf: {  	s21 =	sadd.s32 $0x4E20, s10;
	s22 =	sadd.s32 $0x4E20, s11;
	[dreg:$0xd] =	wrdreg s20  }
0x10: {  	s23 =	sadd.s32 $0x5DC0, s10;
	s24 =	sadd.s32 $0x5DC0, s11;
	[dreg:$0xe] =	wrdreg s21  }
0x11: {  	s25 =	sadd.s32 $0x6D60, s10;
	s26 =	sadd.s32 $0x6D60, s11;
	[dreg:$0xf] =	wrdreg s22  }
0x12: {  	s3 =	sor.u32 s1, s3;
	s8 =	sshll.u32 s6, $0xA;
	[dreg:$0x10] =	wrdreg s23  }
0x13: {  	s1 =	ssub.s32 $0x2, s1;
	s6 =	smul.u32 $0x19000, s6;
	[dreg:$0x11] =	wrdreg s24  }
0x14: {  	s7 =	sshll.u32 s3, $0x7;
	s9 =	sshrl.u32 s1, $0x1;
	[dreg:$0x12] =	wrdreg s25  }
0x15: {  	s3 =	smul.u32 $0x140, s3;
	[dreg:$0x13] =	wrdreg s26;
	s21 =	sadd.s32 $0x7D00, s10  }
0x16: {  	s24 =	sadd.s32 $0x7D00, s11;
	s25 =	sadd.s32 $0x8CA0, s10;
	s26 =	sadd.s32 $0x8CA0, s11  }
.Ltmp0:
0x17: {  	s7 =	sand.u32 $0x380, s7;
	s1 =	ssub.s32 s1, s9;
	(pc) =	sbr.rel .LBB2_1-.Ltmp0, $4  }
0x18: {  	v6 =	vlaneseq.u32;
	s8 =	sor.u32 s8, s7;
	s12 =	sadd.s32 $0x140, s3;
	s6 =	sor.u32 s6, s7  }
0x19: {  	v0 =	vmul.u32 $0x400, v6;
	s23 =	smax.u32 s1, $0x1;
	s8 =	sshrl.u32 s8, $0x3;
	s6 =	sshrl.u32 s6, $0x3  }
0x1a: {  	v5 =	vimm.s32 $0x0;
	v4 =	vor.u32 $0x4000, v6;
	v6 =	vmul.u32 $0xFFFFFC00, v6;
	s1 =	simm.s32 $0x0;
	s5 =	sadd.s32 s8, s5;
	s0 =	sadd.s32 s0, s6  }
0x1b: {  	v3 =	vadd.s32 $0x400, v0;
	v1 =	vmov s3;
	v2 =	vmov s12;
	s20 =	sadd.s32 s2, s6;
	[dreg:$0x14] =	wrdreg s0;
	s22 =	sadd.s32 $0x800, s5  }
.LBB2_114:
0x1c: {  	v8 =	vld [tilespmem:s7+$0x13600];
	_ =	sdelay $0x4  }
0x1d: {  	[tilespmem:v7+s0+$0x17B00 ss:$0x1] =	vst.idx.msk $0xffff, v8  }
0x1e: {  	v8 =	vld [tilespmem:s7+$0x17680];
	_ =	sdelay $0x4  }
0x1f: {  	[tilespmem:v7+s2+$0x1AD00 ss:$0x1] =	vst.idx.msk $0xffff, v8  }
.LBB2_115:
0x20: {  	s0 =	sadd.s32 s5, s6  }
0x21: {  	[tilespmem:s0+$0x17B00] =	vst v5  }
0x22: {  	[tilespmem:s0+$0x1AD00] =	vst v5  }
0x23: {  	[tilespmem:s0+$0x17B10] =	vst v5  }
0x24: {  	[tilespmem:s0+$0x1AD10] =	vst v5  }
0x25: {  	[tilespmem:s0+$0x17B20] =	vst v5  }
0x26: {  	[tilespmem:s0+$0x1AD20] =	vst v5  }
0x27: {  	[tilespmem:s0+$0x17B30] =	vst v5  }
0x28: {  	[tilespmem:s0+$0x1AD30] =	vst v5  }
0x29: {  	[tilespmem:s0+$0x17B40] =	vst v5  }
0x2a: {  	[tilespmem:s0+$0x1AD40] =	vst v5  }
0x2b: {  	[tilespmem:s0+$0x17B50] =	vst v5  }
0x2c: {  	[tilespmem:s0+$0x1AD50] =	vst v5  }
0x2d: {  	[tilespmem:s0+$0x17B60] =	vst v5  }
0x2e: {  	[tilespmem:s0+$0x1AD60] =	vst v5  }
0x2f: {  	[tilespmem:s0+$0x17B70] =	vst v5  }
0x30: {  	[tilespmem:s0+$0x1AD70] =	vst v5  }
0x31: {  	[tilespmem:s0+$0x17B80] =	vst v5  }
0x32: {  	[tilespmem:s0+$0x1AD80] =	vst v5  }
0x33: {  	[tilespmem:s0+$0x17B90] =	vst v5  }
0x34: {  	[tilespmem:s0+$0x1AD90] =	vst v5  }
0x35: {  	[tilespmem:s0+$0x17BA0] =	vst v5  }
0x36: {  	[tilespmem:s0+$0x1ADA0] =	vst v5  }
0x37: {  	[tilespmem:s0+$0x17BB0] =	vst v5  }
0x38: {  	[tilespmem:s0+$0x1ADB0] =	vst v5  }
0x39: {  	[tilespmem:s0+$0x17BC0] =	vst v5  }
0x3a: {  	[tilespmem:s0+$0x1ADC0] =	vst v5  }
0x3b: {  	[tilespmem:s0+$0x17BD0] =	vst v5  }
0x3c: {  	[tilespmem:s0+$0x1ADD0] =	vst v5  }
0x3d: {  	[tilespmem:s0+$0x17BE0] =	vst v5  }
0x3e: {  	[tilespmem:s0+$0x1ADE0] =	vst v5  }
0x3f: {  	[tilespmem:s0+$0x17BF0] =	vst v5  }
0x40: {  	[tilespmem:s0+$0x1ADF0] =	vst v5  }
0x41: {  	[tilespmem:s0+$0x17C00] =	vst v5  }
0x42: {  	[tilespmem:s0+$0x1AE00] =	vst v5  }
0x43: {  	[tilespmem:s0+$0x17C10] =	vst v5  }
0x44: {  	[tilespmem:s0+$0x1AE10] =	vst v5  }
0x45: {  	[tilespmem:s0+$0x17C20] =	vst v5  }
0x46: {  	[tilespmem:s0+$0x1AE20] =	vst v5  }
0x47: {  	[tilespmem:s0+$0x17C30] =	vst v5  }
0x48: {  	[tilespmem:s0+$0x1AE30] =	vst v5  }
0x49: {  	[tilespmem:s0+$0x17C40] =	vst v5  }
0x4a: {  	[tilespmem:s0+$0x1AE40] =	vst v5  }
0x4b: {  	[tilespmem:s0+$0x17C50] =	vst v5  }
0x4c: {  	[tilespmem:s0+$0x1AE50] =	vst v5  }
0x4d: {  	[tilespmem:s0+$0x17C60] =	vst v5  }
0x4e: {  	[tilespmem:s0+$0x1AE60] =	vst v5  }
0x4f: {  	[tilespmem:s0+$0x17C70] =	vst v5  }
0x50: {  	s16 =	rddreg [dreg:$0x14];
	[tilespmem:s0+$0x1AE70] =	vst v5;
	v7 =	vmov s0  }
0x51: {  	s2 =	simm.s32 $0x80;
	s3 =	simm.s32 $0x400;
	s17 =	simm.s32 $0x17B00;
	[tilespmem:$0x1DF00] =	vst v7  }
0x52: {  	[hbm4b:s16+s2] =	stream.strided.scatter [tilespmem:s17], [sflag:$0x1], $0x3200, s3, s2, $0x38;
	[tilespmem:$0x1DF80] =	vst v63  }
0x53: {  	_ =	swait.ge [sflag:s28], $0x3200  }
0x54: {  	[sflag:s28] =	ssyncset.done $0x0  }
0x55: {  	s18 =	simm.s32 $0x1AD00;
	[sflag:s28] =	ssyncadd.s32 $0xFFFFCE00  }
0x56: {  	[hbm4b:s20+s2] =	stream.strided.scatter [tilespmem:s18], [sflag:$0x1], $0x3200, s3, s2, $0x38;
	[tilespmem:$0x1DF80] =	vst v63  }
0x57: {  	s1 =	sadd.s32 $0x1, s1;
	_ =	swait.ge [sflag:s28], $0x3200  }
0x58: {  	p0 =	sne.s32 s1, s23;
	[sflag:s28] =	ssyncset.done $0x0  }
.Ltmp1:
0x59: {  	s19 =	simm.s32 $0x1DF00;
	[sflag:s28] =	ssyncadd.s32 $0xFFFFCE00;
	(pc) =	sbr.rel @!p0 .LBB2_116-.Ltmp1, $4  }
0x5a: {  	[hbm4b:s22+s4] =	stream.linear.scatter [tilespmem:s19], [sflag:$0x1], $0x80, $0x38;
	[tilespmem:$0x1DF80] =	vst v63  }
0x5b: {  	_ =	swait.ge [sflag:s28], $0x80  }
0x5c: {  	[sflag:s28] =	ssyncset.done $0x0  }
0x5d: {  	[sflag:s28] =	ssyncadd.s32 $0xFFFFFF80  }
.LBB2_1:
0x5e: {  	s0 =	rddreg [dreg:$0x0]  }
0x5f: {  	[tilespmem:s4], [sflag:$0x1] =	stream.linear.gather [hbm4b:s0+s4], $0x7D00, $0x38;
	[tilespmem:$0x1DF80] =	vst v63  }
0x60: {  	_ =	swait.ge [sflag:s28], $0x7D00  }
0x61: {  	[sflag:s28] =	ssyncset.done $0x0  }
0x62: {  	[sflag:s28] =	ssyncadd.s32 $0xFFFF8300  }
0x63: {  	s19 =	rddreg [dreg:$0x1]  }
0x64: {  	[tilespmem:s29], [sflag:$0x1] =	stream.linear.gather [hbm4b:s19+s4], $0x7D00, $0x38;
	[tilespmem:$0x1DF80] =	vst v63  }
0x65: {  	_ =	swait.ge [sflag:s28], $0x7D00  }
0x66: {  	[sflag:s28] =	ssyncset.done $0x0  }
0x67: {  	s2 =	simm.s32 $0x0;
	[sflag:s28] =	ssyncadd.s32 $0xFFFF8300  }
0x68: {  	v7 =	vmov v0;
	s0 =	simm.s32 $0x40;
	v8 =	vld [tilespmem:s2+$0x7D00]  }
.LBB2_2:
0x69: {  	p0 =	sne.s32 s0, $0x1F3C0;
	_ =	sdelay $0x3  }
0x6a: {  	vm1 =	vlt.s32 v7, v3;
	vm0 =	vlt.s32 v8, v2  }
0x6b: {  	vm2 =	vge.s32 v8, v1;
	vm0 =	vmand vm0, vm1  }
0x6c: {  	vm0 =	vmand vm0, vm2  }
0x6d: {  	v9 =	vld [tilespmem:s2+$0x0];
	v10 =	vsel vm0, v7, v4;
	v11 =	vsel vm0, $0x1, v5  }
0x6e: {  	v7 =	vadd.s32 v11, v7;
	_ =	sdelay $0x1  }
.Ltmp2:
0x6f: {  	(pc) =	sbr.rel @p0 .LBB2_2-.Ltmp2, $4  }
0x70: {  	_ = 	snop  }
0x71: {  	v8 =	vsub.s32 v8, v1;
	[tilespmem:v10+s30+$0x0] =	vst.idx.msk $0xffff, v9  }
0x72: {  	s2 =	sshra.s32 s0, $0x2;
	[tilespmem:v10+s31+$0x0] =	vst.idx.msk $0xffff, v8  }
0x73: {  	s0 =	sadd.s32 $0x40, s0;
	v8 =	vld [tilespmem:s2+$0x7D00]  }
0x74: {  	_ =	sdelay $0x3  }
0x75: {  	vm1 =	vlt.s32 v7, v3;
	vm0 =	vlt.s32 v8, v2  }
0x76: {  	vm2 =	vge.s32 v8, v1;
	vm0 =	vmand vm0, vm1  }
0x77: {  	vm0 =	vmand vm0, vm2  }
0x78: {  	v9 =	vld [tilespmem:s2+$0x0];
	v10 =	vsel vm0, v7, v4;
	_ =	sdelay $0x4  }
0x79: {  	v8 =	vsub.s32 v8, v1;
	[tilespmem:v10+s30+$0x0] =	vst.idx.msk $0xffff, v9  }
0x7a: {  	s0 =	simm.s32 $0x0;
	s18 =	rddreg [dreg:$0x6];
	[tilespmem:v10+s31+$0x0] =	vst.idx.msk $0xffff, v8  }
0x7b: {  	[tilespmem:s0], [sflag:$0x1] =	stream.linear.gather [hbm4b:s18+s0], $0x7D00, $0x38;
	[tilespmem:$0x1DF80] =	vst v63  }
0x7c: {  	_ =	swait.ge [sflag:s28], $0x7D00  }
0x7d: {  	[sflag:s28] =	ssyncset.done $0x0  }
0x7e: {  	s19 =	rddreg [dreg:$0x7];
	[sflag:s28] =	ssyncadd.s32 $0xFFFF8300  }
0x7f: {  	[tilespmem:s29], [sflag:$0x1] =	stream.linear.gather [hbm4b:s19+s0], $0x7D00, $0x38;
	[tilespmem:$0x1DF80] =	vst v63  }
0x80: {  	_ =	swait.ge [sflag:s28], $0x7D00  }
0x81: {  	[sflag:s28] =	ssyncset.done $0x0  }
0x82: {  	s2 =	simm.s32 $0x0;
	v8 =	vsel vm0, $0x1, v5;
	[sflag:s28] =	ssyncadd.s32 $0xFFFF8300  }
0x83: {  	v7 =	vadd.s32 v8, v7;
	s0 =	simm.s32 $0x40;
	v8 =	vld [tilespmem:s2+$0x7D00]  }
.LBB2_4:
0x84: {  	p0 =	sne.s32 s0, $0x1F3C0;
	_ =	sdelay $0x3  }
0x85: {  	vm1 =	vlt.s32 v7, v3;
	vm0 =	vlt.s32 v8, v2  }
0x86: {  	vm2 =	vge.s32 v8, v1;
	vm0 =	vmand vm0, vm1  }
0x87: {  	vm0 =	vmand vm0, vm2  }
0x88: {  	v9 =	vld [tilespmem:s2+$0x0];
	v10 =	vsel vm0, v7, v4;
	v11 =	vsel vm0, $0x1, v5  }
0x89: {  	v7 =	vadd.s32 v11, v7;
	_ =	sdelay $0x1  }
.Ltmp3:
0x8a: {  	(pc) =	sbr.rel @p0 .LBB2_4-.Ltmp3, $4  }
0x8b: {  	_ = 	snop  }
0x8c: {  	v8 =	vsub.s32 v8, v1;
	[tilespmem:v10+s30+$0x0] =	vst.idx.msk $0xffff, v9  }
0x8d: {  	s2 =	sshra.s32 s0, $0x2;
	[tilespmem:v10+s31+$0x0] =	vst.idx.msk $0xffff, v8  }
0x8e: {  	s0 =	sadd.s32 $0x40, s0;
	v8 =	vld [tilespmem:s2+$0x7D00]  }
0x8f: {  	_ =	sdelay $0x3  }
0x90: {  	vm1 =	vlt.s32 v7, v3;
	vm0 =	vlt.s32 v8, v2  }
0x91: {  	vm2 =	vge.s32 v8, v1;
	vm0 =	vmand vm0, vm1  }
0x92: {  	vm0 =	vmand vm0, vm2  }
0x93: {  	v9 =	vld [tilespmem:s2+$0x0];
	v10 =	vsel vm0, v7, v4;
	_ =	sdelay $0x4  }
0x94: {  	v8 =	vsub.s32 v8, v1;
	[tilespmem:v10+s30+$0x0] =	vst.idx.msk $0xffff, v9  }
0x95: {  	s0 =	simm.s32 $0x0;
	s18 =	rddreg [dreg:$0x8];
	[tilespmem:v10+s31+$0x0] =	vst.idx.msk $0xffff, v8  }
0x96: {  	[tilespmem:s0], [sflag:$0x1] =	stream.linear.gather [hbm4b:s18+s0], $0x7D00, $0x38;
	[tilespmem:$0x1DF80] =	vst v63  }
0x97: {  	_ =	swait.ge [sflag:s28], $0x7D00  }
0x98: {  	[sflag:s28] =	ssyncset.done $0x0  }
0x99: {  	s19 =	rddreg [dreg:$0x9];
	[sflag:s28] =	ssyncadd.s32 $0xFFFF8300  }
0x9a: {  	[tilespmem:s29], [sflag:$0x1] =	stream.linear.gather [hbm4b:s19+s0], $0x7D00, $0x38;
	[tilespmem:$0x1DF80] =	vst v63  }
0x9b: {  	_ =	swait.ge [sflag:s28], $0x7D00  }
0x9c: {  	[sflag:s28] =	ssyncset.done $0x0  }
0x9d: {  	s2 =	simm.s32 $0x0;
	v8 =	vsel vm0, $0x1, v5;
	[sflag:s28] =	ssyncadd.s32 $0xFFFF8300  }
0x9e: {  	v7 =	vadd.s32 v8, v7;
	s0 =	simm.s32 $0x40;
	v8 =	vld [tilespmem:s2+$0x7D00]  }
.LBB2_6:
0x9f: {  	p0 =	sne.s32 s0, $0x1F3C0;
	_ =	sdelay $0x3  }
0xa0: {  	vm1 =	vlt.s32 v7, v3;
	vm0 =	vlt.s32 v8, v2  }
0xa1: {  	vm2 =	vge.s32 v8, v1;
	vm0 =	vmand vm0, vm1  }
0xa2: {  	vm0 =	vmand vm0, vm2  }
0xa3: {  	v9 =	vld [tilespmem:s2+$0x0];
	v10 =	vsel vm0, v7, v4;
	v11 =	vsel vm0, $0x1, v5  }
0xa4: {  	v7 =	vadd.s32 v11, v7;
	_ =	sdelay $0x1  }
.Ltmp4:
0xa5: {  	(pc) =	sbr.rel @p0 .LBB2_6-.Ltmp4, $4  }
0xa6: {  	_ = 	snop  }
0xa7: {  	v8 =	vsub.s32 v8, v1;
	[tilespmem:v10+s30+$0x0] =	vst.idx.msk $0xffff, v9  }
0xa8: {  	s2 =	sshra.s32 s0, $0x2;
	[tilespmem:v10+s31+$0x0] =	vst.idx.msk $0xffff, v8  }
0xa9: {  	s0 =	sadd.s32 $0x40, s0;
	v8 =	vld [tilespmem:s2+$0x7D00]  }
0xaa: {  	_ =	sdelay $0x3  }
0xab: {  	vm1 =	vlt.s32 v7, v3;
	vm0 =	vlt.s32 v8, v2  }
0xac: {  	vm2 =	vge.s32 v8, v1;
	vm0 =	vmand vm0, vm1  }
0xad: {  	vm0 =	vmand vm0, vm2  }
0xae: {  	v9 =	vld [tilespmem:s2+$0x0];
	v10 =	vsel vm0, v7, v4;
	_ =	sdelay $0x4  }
0xaf: {  	v8 =	vsub.s32 v8, v1;
	[tilespmem:v10+s30+$0x0] =	vst.idx.msk $0xffff, v9  }
0xb0: {  	s0 =	simm.s32 $0x0;
	s18 =	rddreg [dreg:$0xa];
	[tilespmem:v10+s31+$0x0] =	vst.idx.msk $0xffff, v8  }
0xb1: {  	[tilespmem:s0], [sflag:$0x1] =	stream.linear.gather [hbm4b:s18+s0], $0x7D00, $0x38;
	[tilespmem:$0x1DF80] =	vst v63  }
0xb2: {  	_ =	swait.ge [sflag:s28], $0x7D00  }
0xb3: {  	[sflag:s28] =	ssyncset.done $0x0  }
0xb4: {  	s19 =	rddreg [dreg:$0xb];
	[sflag:s28] =	ssyncadd.s32 $0xFFFF8300  }
0xb5: {  	[tilespmem:s29], [sflag:$0x1] =	stream.linear.gather [hbm4b:s19+s0], $0x7D00, $0x38;
	[tilespmem:$0x1DF80] =	vst v63  }
0xb6: {  	_ =	swait.ge [sflag:s28], $0x7D00  }
0xb7: {  	[sflag:s28] =	ssyncset.done $0x0  }
0xb8: {  	s2 =	simm.s32 $0x0;
	v8 =	vsel vm0, $0x1, v5;
	[sflag:s28] =	ssyncadd.s32 $0xFFFF8300  }
0xb9: {  	v7 =	vadd.s32 v8, v7;
	s0 =	simm.s32 $0x40;
	v8 =	vld [tilespmem:s2+$0x7D00]  }
.LBB2_8:
0xba: {  	p0 =	sne.s32 s0, $0x1F3C0;
	_ =	sdelay $0x3  }
0xbb: {  	vm1 =	vlt.s32 v7, v3;
	vm0 =	vlt.s32 v8, v2  }
0xbc: {  	vm2 =	vge.s32 v8, v1;
	vm0 =	vmand vm0, vm1  }
0xbd: {  	vm0 =	vmand vm0, vm2  }
0xbe: {  	v9 =	vld [tilespmem:s2+$0x0];
	v10 =	vsel vm0, v7, v4;
	v11 =	vsel vm0, $0x1, v5  }
0xbf: {  	v7 =	vadd.s32 v11, v7;
	_ =	sdelay $0x1  }
.Ltmp5:
0xc0: {  	(pc) =	sbr.rel @p0 .LBB2_8-.Ltmp5, $4  }
0xc1: {  	_ = 	snop  }
0xc2: {  	v8 =	vsub.s32 v8, v1;
	[tilespmem:v10+s30+$0x0] =	vst.idx.msk $0xffff, v9  }
0xc3: {  	s2 =	sshra.s32 s0, $0x2;
	[tilespmem:v10+s31+$0x0] =	vst.idx.msk $0xffff, v8  }
0xc4: {  	s0 =	sadd.s32 $0x40, s0;
	v8 =	vld [tilespmem:s2+$0x7D00]  }
0xc5: {  	_ =	sdelay $0x3  }
0xc6: {  	vm1 =	vlt.s32 v7, v3;
	vm0 =	vlt.s32 v8, v2  }
0xc7: {  	vm2 =	vge.s32 v8, v1;
	vm0 =	vmand vm0, vm1  }
0xc8: {  	vm0 =	vmand vm0, vm2  }
0xc9: {  	v9 =	vld [tilespmem:s2+$0x0];
	v10 =	vsel vm0, v7, v4;
	_ =	sdelay $0x4  }
0xca: {  	v8 =	vsub.s32 v8, v1;
	[tilespmem:v10+s30+$0x0] =	vst.idx.msk $0xffff, v9  }
0xcb: {  	s0 =	simm.s32 $0x0;
	s18 =	rddreg [dreg:$0xc];
	[tilespmem:v10+s31+$0x0] =	vst.idx.msk $0xffff, v8  }
0xcc: {  	[tilespmem:s0], [sflag:$0x1] =	stream.linear.gather [hbm4b:s18+s0], $0x7D00, $0x38;
	[tilespmem:$0x1DF80] =	vst v63  }
0xcd: {  	_ =	swait.ge [sflag:s28], $0x7D00  }
0xce: {  	[sflag:s28] =	ssyncset.done $0x0  }
0xcf: {  	s19 =	rddreg [dreg:$0xd];
	[sflag:s28] =	ssyncadd.s32 $0xFFFF8300  }
0xd0: {  	[tilespmem:s29], [sflag:$0x1] =	stream.linear.gather [hbm4b:s19+s0], $0x7D00, $0x38;
	[tilespmem:$0x1DF80] =	vst v63  }
0xd1: {  	_ =	swait.ge [sflag:s28], $0x7D00  }
0xd2: {  	[sflag:s28] =	ssyncset.done $0x0  }
0xd3: {  	s2 =	simm.s32 $0x0;
	v8 =	vsel vm0, $0x1, v5;
	[sflag:s28] =	ssyncadd.s32 $0xFFFF8300  }
0xd4: {  	v7 =	vadd.s32 v8, v7;
	s0 =	simm.s32 $0x40;
	v8 =	vld [tilespmem:s2+$0x7D00]  }
.LBB2_10:
0xd5: {  	p0 =	sne.s32 s0, $0x1F3C0;
	_ =	sdelay $0x3  }
0xd6: {  	vm1 =	vlt.s32 v7, v3;
	vm0 =	vlt.s32 v8, v2  }
0xd7: {  	vm2 =	vge.s32 v8, v1;
	vm0 =	vmand vm0, vm1  }
0xd8: {  	vm0 =	vmand vm0, vm2  }
0xd9: {  	v9 =	vld [tilespmem:s2+$0x0];
	v10 =	vsel vm0, v7, v4;
	v11 =	vsel vm0, $0x1, v5  }
0xda: {  	v7 =	vadd.s32 v11, v7;
	_ =	sdelay $0x1  }
.Ltmp6:
0xdb: {  	(pc) =	sbr.rel @p0 .LBB2_10-.Ltmp6, $4  }
0xdc: {  	_ = 	snop  }
0xdd: {  	v8 =	vsub.s32 v8, v1;
	[tilespmem:v10+s30+$0x0] =	vst.idx.msk $0xffff, v9  }
0xde: {  	s2 =	sshra.s32 s0, $0x2;
	[tilespmem:v10+s31+$0x0] =	vst.idx.msk $0xffff, v8  }
0xdf: {  	s0 =	sadd.s32 $0x40, s0;
	v8 =	vld [tilespmem:s2+$0x7D00]  }
0xe0: {  	_ =	sdelay $0x3  }
0xe1: {  	vm1 =	vlt.s32 v7, v3;
	vm0 =	vlt.s32 v8, v2  }
0xe2: {  	vm2 =	vge.s32 v8, v1;
	vm0 =	vmand vm0, vm1  }
0xe3: {  	vm0 =	vmand vm0, vm2  }
0xe4: {  	v9 =	vld [tilespmem:s2+$0x0];
	v10 =	vsel vm0, v7, v4;
	_ =	sdelay $0x4  }
0xe5: {  	v8 =	vsub.s32 v8, v1;
	[tilespmem:v10+s30+$0x0] =	vst.idx.msk $0xffff, v9  }
0xe6: {  	s0 =	simm.s32 $0x0;
	s18 =	rddreg [dreg:$0xe];
	[tilespmem:v10+s31+$0x0] =	vst.idx.msk $0xffff, v8  }
0xe7: {  	[tilespmem:s0], [sflag:$0x1] =	stream.linear.gather [hbm4b:s18+s0], $0x7D00, $0x38;
	[tilespmem:$0x1DF80] =	vst v63  }
0xe8: {  	_ =	swait.ge [sflag:s28], $0x7D00  }
0xe9: {  	[sflag:s28] =	ssyncset.done $0x0  }
0xea: {  	s19 =	rddreg [dreg:$0xf];
	[sflag:s28] =	ssyncadd.s32 $0xFFFF8300  }
0xeb: {  	[tilespmem:s29], [sflag:$0x1] =	stream.linear.gather [hbm4b:s19+s0], $0x7D00, $0x38;
	[tilespmem:$0x1DF80] =	vst v63  }
0xec: {  	_ =	swait.ge [sflag:s28], $0x7D00  }
0xed: {  	[sflag:s28] =	ssyncset.done $0x0  }
0xee: {  	s2 =	simm.s32 $0x0;
	v8 =	vsel vm0, $0x1, v5;
	[sflag:s28] =	ssyncadd.s32 $0xFFFF8300  }
0xef: {  	v7 =	vadd.s32 v8, v7;
	s0 =	simm.s32 $0x40;
	v8 =	vld [tilespmem:s2+$0x7D00]  }
.LBB2_12:
0xf0: {  	p0 =	sne.s32 s0, $0x1F3C0;
	_ =	sdelay $0x3  }
0xf1: {  	vm1 =	vlt.s32 v7, v3;
	vm0 =	vlt.s32 v8, v2  }
0xf2: {  	vm2 =	vge.s32 v8, v1;
	vm0 =	vmand vm0, vm1  }
0xf3: {  	vm0 =	vmand vm0, vm2  }
0xf4: {  	v9 =	vld [tilespmem:s2+$0x0];
	v10 =	vsel vm0, v7, v4;
	v11 =	vsel vm0, $0x1, v5  }
0xf5: {  	v7 =	vadd.s32 v11, v7;
	_ =	sdelay $0x1  }
.Ltmp7:
0xf6: {  	(pc) =	sbr.rel @p0 .LBB2_12-.Ltmp7, $4  }
0xf7: {  	_ = 	snop  }
0xf8: {  	v8 =	vsub.s32 v8, v1;
	[tilespmem:v10+s30+$0x0] =	vst.idx.msk $0xffff, v9  }
0xf9: {  	s2 =	sshra.s32 s0, $0x2;
	[tilespmem:v10+s31+$0x0] =	vst.idx.msk $0xffff, v8  }
0xfa: {  	s0 =	sadd.s32 $0x40, s0;
	v8 =	vld [tilespmem:s2+$0x7D00]  }
0xfb: {  	_ =	sdelay $0x3  }
0xfc: {  	vm1 =	vlt.s32 v7, v3;
	vm0 =	vlt.s32 v8, v2  }
0xfd: {  	vm2 =	vge.s32 v8, v1;
	vm0 =	vmand vm0, vm1  }
0xfe: {  	vm0 =	vmand vm0, vm2  }
0xff: {  	v9 =	vld [tilespmem:s2+$0x0];
	v10 =	vsel vm0, v7, v4;
	_ =	sdelay $0x4  }
0x100: {  	v8 =	vsub.s32 v8, v1;
	[tilespmem:v10+s30+$0x0] =	vst.idx.msk $0xffff, v9  }
0x101: {  	s0 =	simm.s32 $0x0;
	s18 =	rddreg [dreg:$0x10];
	[tilespmem:v10+s31+$0x0] =	vst.idx.msk $0xffff, v8  }
0x102: {  	[tilespmem:s0], [sflag:$0x1] =	stream.linear.gather [hbm4b:s18+s0], $0x7D00, $0x38;
	[tilespmem:$0x1DF80] =	vst v63  }
0x103: {  	_ =	swait.ge [sflag:s28], $0x7D00  }
0x104: {  	[sflag:s28] =	ssyncset.done $0x0  }
0x105: {  	s19 =	rddreg [dreg:$0x11];
	[sflag:s28] =	ssyncadd.s32 $0xFFFF8300  }
0x106: {  	[tilespmem:s29], [sflag:$0x1] =	stream.linear.gather [hbm4b:s19+s0], $0x7D00, $0x38;
	[tilespmem:$0x1DF80] =	vst v63  }
0x107: {  	_ =	swait.ge [sflag:s28], $0x7D00  }
0x108: {  	[sflag:s28] =	ssyncset.done $0x0  }
0x109: {  	s2 =	simm.s32 $0x0;
	v8 =	vsel vm0, $0x1, v5;
	[sflag:s28] =	ssyncadd.s32 $0xFFFF8300  }
0x10a: {  	v7 =	vadd.s32 v8, v7;
	s0 =	simm.s32 $0x40;
	v8 =	vld [tilespmem:s2+$0x7D00]  }
.LBB2_14:
0x10b: {  	p0 =	sne.s32 s0, $0x1F3C0;
	_ =	sdelay $0x3  }
0x10c: {  	vm1 =	vlt.s32 v7, v3;
	vm0 =	vlt.s32 v8, v2  }
0x10d: {  	vm2 =	vge.s32 v8, v1;
	vm0 =	vmand vm0, vm1  }
0x10e: {  	vm0 =	vmand vm0, vm2  }
0x10f: {  	v9 =	vld [tilespmem:s2+$0x0];
	v10 =	vsel vm0, v7, v4;
	v11 =	vsel vm0, $0x1, v5  }
0x110: {  	v7 =	vadd.s32 v11, v7;
	_ =	sdelay $0x1  }
.Ltmp8:
0x111: {  	(pc) =	sbr.rel @p0 .LBB2_14-.Ltmp8, $4  }
0x112: {  	_ = 	snop  }
0x113: {  	v8 =	vsub.s32 v8, v1;
	[tilespmem:v10+s30+$0x0] =	vst.idx.msk $0xffff, v9  }
0x114: {  	s2 =	sshra.s32 s0, $0x2;
	[tilespmem:v10+s31+$0x0] =	vst.idx.msk $0xffff, v8  }
0x115: {  	s0 =	sadd.s32 $0x40, s0;
	v8 =	vld [tilespmem:s2+$0x7D00]  }
0x116: {  	_ =	sdelay $0x3  }
0x117: {  	vm1 =	vlt.s32 v7, v3;
	vm0 =	vlt.s32 v8, v2  }
0x118: {  	vm2 =	vge.s32 v8, v1;
	vm0 =	vmand vm0, vm1  }
0x119: {  	vm0 =	vmand vm0, vm2  }
0x11a: {  	v9 =	vld [tilespmem:s2+$0x0];
	v10 =	vsel vm0, v7, v4;
	_ =	sdelay $0x4  }
0x11b: {  	v8 =	vsub.s32 v8, v1;
	[tilespmem:v10+s30+$0x0] =	vst.idx.msk $0xffff, v9  }
0x11c: {  	s0 =	simm.s32 $0x0;
	s18 =	rddreg [dreg:$0x12];
	[tilespmem:v10+s31+$0x0] =	vst.idx.msk $0xffff, v8  }
0x11d: {  	[tilespmem:s0], [sflag:$0x1] =	stream.linear.gather [hbm4b:s18+s0], $0x7D00, $0x38;
	[tilespmem:$0x1DF80] =	vst v63  }
0x11e: {  	_ =	swait.ge [sflag:s28], $0x7D00  }
0x11f: {  	[sflag:s28] =	ssyncset.done $0x0  }
0x120: {  	s19 =	rddreg [dreg:$0x13];
	[sflag:s28] =	ssyncadd.s32 $0xFFFF8300  }
0x121: {  	[tilespmem:s29], [sflag:$0x1] =	stream.linear.gather [hbm4b:s19+s0], $0x7D00, $0x38;
	[tilespmem:$0x1DF80] =	vst v63  }
0x122: {  	_ =	swait.ge [sflag:s28], $0x7D00  }
0x123: {  	[sflag:s28] =	ssyncset.done $0x0  }
0x124: {  	s2 =	simm.s32 $0x0;
	v8 =	vsel vm0, $0x1, v5;
	[sflag:s28] =	ssyncadd.s32 $0xFFFF8300  }
0x125: {  	v7 =	vadd.s32 v8, v7;
	s0 =	simm.s32 $0x40;
	v8 =	vld [tilespmem:s2+$0x7D00]  }
.LBB2_16:
0x126: {  	p0 =	sne.s32 s0, $0x1F3C0;
	_ =	sdelay $0x3  }
0x127: {  	vm1 =	vlt.s32 v7, v3;
	vm0 =	vlt.s32 v8, v2  }
0x128: {  	vm2 =	vge.s32 v8, v1;
	vm0 =	vmand vm0, vm1  }
0x129: {  	vm0 =	vmand vm0, vm2  }
0x12a: {  	v9 =	vld [tilespmem:s2+$0x0];
	v10 =	vsel vm0, v7, v4;
	v11 =	vsel vm0, $0x1, v5  }
0x12b: {  	v7 =	vadd.s32 v11, v7;
	_ =	sdelay $0x1  }
.Ltmp9:
0x12c: {  	(pc) =	sbr.rel @p0 .LBB2_16-.Ltmp9, $4  }
0x12d: {  	_ = 	snop  }
0x12e: {  	v8 =	vsub.s32 v8, v1;
	[tilespmem:v10+s30+$0x0] =	vst.idx.msk $0xffff, v9  }
0x12f: {  	s2 =	sshra.s32 s0, $0x2;
	[tilespmem:v10+s31+$0x0] =	vst.idx.msk $0xffff, v8  }
0x130: {  	s0 =	sadd.s32 $0x40, s0;
	v8 =	vld [tilespmem:s2+$0x7D00]  }
0x131: {  	_ =	sdelay $0x3  }
0x132: {  	vm1 =	vlt.s32 v7, v3;
	vm0 =	vlt.s32 v8, v2  }
0x133: {  	vm2 =	vge.s32 v8, v1;
	vm0 =	vmand vm0, vm1  }
0x134: {  	vm0 =	vmand vm0, vm2  }
0x135: {  	v9 =	vld [tilespmem:s2+$0x0];
	v10 =	vsel vm0, v7, v4;
	_ =	sdelay $0x4  }
0x136: {  	v8 =	vsub.s32 v8, v1;
	[tilespmem:v10+s30+$0x0] =	vst.idx.msk $0xffff, v9  }
0x137: {  	s0 =	simm.s32 $0x0;
	[tilespmem:v10+s31+$0x0] =	vst.idx.msk $0xffff, v8  }
0x138: {  	[tilespmem:s0], [sflag:$0x1] =	stream.linear.gather [hbm4b:s21+s0], $0x7D00, $0x38;
	[tilespmem:$0x1DF80] =	vst v63  }
0x139: {  	_ =	swait.ge [sflag:s28], $0x7D00  }
0x13a: {  	[sflag:s28] =	ssyncset.done $0x0  }
0x13b: {  	[sflag:s28] =	ssyncadd.s32 $0xFFFF8300  }
0x13c: {  	[tilespmem:s29], [sflag:$0x1] =	stream.linear.gather [hbm4b:s24+s0], $0x7D00, $0x38;
	[tilespmem:$0x1DF80] =	vst v63  }
0x13d: {  	_ =	swait.ge [sflag:s28], $0x7D00  }
0x13e: {  	[sflag:s28] =	ssyncset.done $0x0  }
0x13f: {  	s2 =	simm.s32 $0x0;
	v8 =	vsel vm0, $0x1, v5;
	[sflag:s28] =	ssyncadd.s32 $0xFFFF8300  }
0x140: {  	v7 =	vadd.s32 v8, v7;
	s0 =	simm.s32 $0x40;
	v8 =	vld [tilespmem:s2+$0x7D00]  }
.LBB2_18:
0x141: {  	p0 =	sne.s32 s0, $0x1F3C0;
	_ =	sdelay $0x3  }
0x142: {  	vm1 =	vlt.s32 v7, v3;
	vm0 =	vlt.s32 v8, v2  }
0x143: {  	vm2 =	vge.s32 v8, v1;
	vm0 =	vmand vm0, vm1  }
0x144: {  	vm0 =	vmand vm0, vm2  }
0x145: {  	v9 =	vld [tilespmem:s2+$0x0];
	v10 =	vsel vm0, v7, v4;
	v11 =	vsel vm0, $0x1, v5  }
0x146: {  	v7 =	vadd.s32 v11, v7;
	_ =	sdelay $0x1  }
.Ltmp10:
0x147: {  	(pc) =	sbr.rel @p0 .LBB2_18-.Ltmp10, $4  }
0x148: {  	_ = 	snop  }
0x149: {  	v8 =	vsub.s32 v8, v1;
	[tilespmem:v10+s30+$0x0] =	vst.idx.msk $0xffff, v9  }
0x14a: {  	s2 =	sshra.s32 s0, $0x2;
	[tilespmem:v10+s31+$0x0] =	vst.idx.msk $0xffff, v8  }
0x14b: {  	s0 =	sadd.s32 $0x40, s0;
	v8 =	vld [tilespmem:s2+$0x7D00]  }
0x14c: {  	_ =	sdelay $0x3  }
0x14d: {  	vm1 =	vlt.s32 v7, v3;
	vm0 =	vlt.s32 v8, v2  }
0x14e: {  	vm2 =	vge.s32 v8, v1;
	vm0 =	vmand vm0, vm1  }
0x14f: {  	vm0 =	vmand vm0, vm2  }
0x150: {  	v9 =	vld [tilespmem:s2+$0x0];
	v10 =	vsel vm0, v7, v4;
	_ =	sdelay $0x4  }
0x151: {  	v8 =	vsub.s32 v8, v1;
	[tilespmem:v10+s30+$0x0] =	vst.idx.msk $0xffff, v9  }
0x152: {  	s0 =	simm.s32 $0x0;
	[tilespmem:v10+s31+$0x0] =	vst.idx.msk $0xffff, v8  }
0x153: {  	[tilespmem:s0], [sflag:$0x1] =	stream.linear.gather [hbm4b:s25+s0], $0x7D00, $0x38;
	[tilespmem:$0x1DF80] =	vst v63  }
0x154: {  	_ =	swait.ge [sflag:s28], $0x7D00  }
0x155: {  	[sflag:s28] =	ssyncset.done $0x0  }
0x156: {  	[sflag:s28] =	ssyncadd.s32 $0xFFFF8300  }
0x157: {  	[tilespmem:s29], [sflag:$0x1] =	stream.linear.gather [hbm4b:s26+s0], $0x7D00, $0x38;
	[tilespmem:$0x1DF80] =	vst v63  }
0x158: {  	_ =	swait.ge [sflag:s28], $0x7D00  }
0x159: {  	[sflag:s28] =	ssyncset.done $0x0  }
0x15a: {  	v8 =	vsel vm0, $0x1, v5;
	s0 =	simm.s32 $0x0;
	[sflag:s28] =	ssyncadd.s32 $0xFFFF8300  }
0x15b: {  	s2 =	simm.s32 $0x40;
	v9 =	vadd.s32 v8, v7;
	v8 =	vld [tilespmem:s0+$0x7D00]  }
.LBB2_20:
0x15c: {  	p0 =	sne.s32 s2, $0x1F3C0;
	_ =	sdelay $0x3  }
0x15d: {  	vm1 =	vlt.s32 v9, v3;
	vm0 =	vlt.s32 v8, v2  }
0x15e: {  	vm2 =	vge.s32 v8, v1;
	vm0 =	vmand vm0, vm1  }
0x15f: {  	vm0 =	vmand vm0, vm2  }
0x160: {  	v7 =	vld [tilespmem:s0+$0x0];
	v10 =	vsel vm0, v9, v4;
	v11 =	vsel vm0, $0x1, v5  }
0x161: {  	v9 =	vadd.s32 v11, v9;
	_ =	sdelay $0x1  }
.Ltmp11:
0x162: {  	(pc) =	sbr.rel @p0 .LBB2_20-.Ltmp11, $4  }
0x163: {  	_ = 	snop  }
0x164: {  	[tilespmem:v10+s30+$0x0] =	vst.idx.msk $0xffff, v7;
	v7 =	vsub.s32 v8, v1  }
0x165: {  	s0 =	sshra.s32 s2, $0x2;
	[tilespmem:v10+s31+$0x0] =	vst.idx.msk $0xffff, v7  }
0x166: {  	s2 =	sadd.s32 $0x40, s2;
	v8 =	vld [tilespmem:s0+$0x7D00]  }
0x167: {  	_ =	sdelay $0x3  }
0x168: {  	vm1 =	vlt.s32 v9, v3;
	vm0 =	vlt.s32 v8, v2  }
0x169: {  	vm2 =	vge.s32 v8, v1;
	vm0 =	vmand vm0, vm1  }
0x16a: {  	vm0 =	vmand vm0, vm2  }
0x16b: {  	v7 =	vsel vm0, $0x1, v5  }
0x16c: {  	v7 =	vadd.s32 v7, v9  }
0x16d: {  	v7 =	vadd.s32 v6, v7  }
0x16e: {  	(v2sf) =	vpush v7, $0x0;
	_ =	sdelay $0xe  }
0x16f: {  	s2 =	spop (v2sf)  }
0x170: {  	p0 =	slt.s32 s2, $0x3000  }
0x171: {  	p1 =	slt.s32 s2, $0xFFFFFFF2;
	s2 =	simm.s32 @!p0 $0x3000  }
0x172: {  	s3 =	sadd.s32 $0xF, s2  }
0x173: {  	s5 =	sand.u32 $0xF, s3  }
0x174: {  	s19 =	sshra.s32 s3, $0x1F;
	p6 =	sne.s32 s5, $0x0  }
0x175: {  	v10 =	vld [tilespmem:s0+$0x0];
	s0 =	sshrl.u32 s19, $0x1C;
	p0 =	por !p1, !p6  }
0x176: {  	s0 =	sadd.s32 s0, s3;
	s3 =	simm.s32 $0x1;
	p0 =	por !p0, !p0  }
0x177: {  	s0 =	sshra.s32 s0, $0x4;
	s3 =	simm.s32 @!p0 $0x0  }
0x178: {  	v63 =	vsel vm0, v9, v4;
	s6 =	ssub.s32 s0, s3  }
0x179: {  	p0 =	slt.s32 s6, $0x1  }
.Ltmp12:
0x17a: {  	_ = 	snop;
	(pc) =	sbr.rel @p0 .LBB2_28-.Ltmp12, $3  }
0x17b: {  	_ =	sdelay $0x1  }
0x17c: {  	v8 =	vsub.s32 v8, v1;
	[tilespmem:v63+s30+$0x0] =	vst.idx.msk $0xffff, v10  }
0x17d: {  	[tilespmem:v63+s31+$0x0] =	vst.idx.msk $0xffff, v8  }
0x17e: {  	p1 =	sne.s32 s6, $0x1  }
.Ltmp13:
0x17f: {  	_ = 	snop;
	(pc) =	sbr.rel @!p1 .LBB2_23-.Ltmp13, $3  }
0x180: {  	_ =	sdelay $0x1  }
0x181: {  	s7 =	simm.s32 $0xFA00;
	s5 =	simm.s32 $0x17B00;
	s3 =	simm.s32 $0x13A80  }
0x182: {  	s0 =	simm.s32 $0x1AD00;
	s6 =	sadd.s32 $0xFFFFFFFF, s6;
	p0 =	por $0x0, $0x0;
	v8 =	vld [tilespmem:s7+$0x0]  }
0x183: {  	_ =	sdelay $0x3  }
0x184: {  	[tilespmem:s5+$0x0] =	vst v8  }
0x185: {  	v8 =	vld [tilespmem:s3+$0x0]  }
0x186: {  	p1 =	sne.s32 s6, $0x1  }
.Ltmp14:
0x187: {  	_ = 	snop;
	(pc) =	sbr.rel @!p1 .LBB2_25-.Ltmp14, $3  }
0x188: {  	_ =	sdelay $0x1  }
0x189: {  	s9 =	simm.s32 $0xFA10;
	s10 =	sadd.s32 $0xFFFFFFFF, s6;
	p0 =	por $0x1, $0x1;
	[tilespmem:s0+$0x0] =	vst v8  }
0x18a: {  	s6 =	simm.s32 $0x17B00;
	s8 =	simm.s32 $0x13A80;
	s7 =	simm.s32 $0x1AD00;
	v8 =	vld [tilespmem:s9+$0x0]  }
.LBB2_26:
0x18b: {  	p1 =	sne.s32 s10, $0x1;
	_ =	sdelay $0x2  }
0x18c: {  	s6 =	sadd.s32 $0x10, s6  }
0x18d: {  	s8 =	sadd.s32 $0x10, s8;
	[tilespmem:s6+$0x0] =	vst v8  }
0x18e: {  	v8 =	vld [tilespmem:s8+$0x0];
	_ =	sdelay $0x1  }
.Ltmp15:
0x18f: {  	(pc) =	sbr.rel @p1 .LBB2_26-.Ltmp15, $4  }
0x190: {  	_ = 	snop  }
0x191: {  	s7 =	sadd.s32 $0x10, s7  }
0x192: {  	s9 =	sadd.s32 $0x10, s9;
	[tilespmem:s7+$0x0] =	vst v8  }
0x193: {  	s10 =	sadd.s32 $0xFFFFFFFF, s10;
	v8 =	vld [tilespmem:s9+$0x0]  }
.LBB2_27:
0x194: {  	_ =	sdelay $0x1  }
0x195: {  	s6 =	sadd.s32 @p0 $0x10, s6  }
0x196: {  	s5 =	smov.u32 @p0 s6;
	s6 =	sadd.s32 @p0 $0x10, s8  }
0x197: {  	s3 =	smov.u32 @p0 s6;
	[tilespmem:s5+$0x0] =	vst v8  }
0x198: {  	v8 =	vld [tilespmem:s3+$0x0];
	_ =	sdelay $0x2  }
0x199: {  	s3 =	sadd.s32 @p0 $0x10, s7  }
0x19a: {  	s0 =	smov.u32 @p0 s3  }
0x19b: {  	[tilespmem:s0+$0x0] =	vst v8  }
.LBB2_28:
0x19c: {  	(v2sf) =	vpush v7, $0x1;
	_ =	sdelay $0xe  }
0x19d: {  	s5 =	ssub.s32 $0x3000, s2;
	s0 =	spop (v2sf)  }
0x19e: {  	p0 =	slt.s32 s0, s5  }
0x19f: {  	s5 =	smov.u32 @p0 s0  }
0x1a0: {  	s0 =	sadd.s32 $0xF, s5  }
0x1a1: {  	s3 =	sand.u32 $0xF, s0  }
0x1a2: {  	s19 =	sshra.s32 s0, $0x1F;
	p1 =	slt.s32 s0, $0x1;
	p6 =	sne.s32 s3, $0x0  }
0x1a3: {  	s3 =	sshrl.u32 s19, $0x1C;
	p0 =	por !p1, !p6  }
0x1a4: {  	s0 =	sadd.s32 s3, s0;
	s3 =	simm.s32 $0x1;
	p0 =	por !p0, !p0  }
0x1a5: {  	s0 =	sshra.s32 s0, $0x4;
	s3 =	simm.s32 @!p0 $0x0  }
0x1a6: {  	s7 =	ssub.s32 s0, s3  }
0x1a7: {  	p0 =	slt.s32 s7, $0x1  }
.Ltmp16:
0x1a8: {  	_ = 	snop;
	(pc) =	sbr.rel @p0 .LBB2_35-.Ltmp16, $1  }
0x1a9: {  	_ =	sdelay $0x3  }
0x1aa: {  	p1 =	sne.s32 s7, $0x1  }
.Ltmp17:
0x1ab: {  	_ = 	snop;
	(pc) =	sbr.rel @!p1 .LBB2_30-.Ltmp17, $4  }
0x1ac: {  	_ = 	snop  }
0x1ad: {  	s0 =	sshll.u32 s2, $0x2;
	s6 =	simm.s32 $0x0  }
0x1ae: {  	s7 =	sadd.s32 $0xFFFFFFFF, s7;
	p0 =	por $0x0, $0x0;
	s0 =	sshra.s32 s0, $0x2  }
0x1af: {  	s6 =	sand.u32 $0xFFFFFFF0, s6;
	s3 =	sadd.s32 $0x17B00, s0;
	s0 =	sadd.s32 $0x1AD00, s0  }
0x1b0: {  	v8 =	vld [tilespmem:s6+$0xFE00];
	_ =	sdelay $0x4  }
0x1b1: {  	[tilespmem:s3+$0x0] =	vst v8  }
0x1b2: {  	p1 =	sne.s32 s7, $0x1;
	v8 =	vld [tilespmem:s6+$0x13E80]  }
.Ltmp18:
0x1b3: {  	_ = 	snop;
	(pc) =	sbr.rel @!p1 .LBB2_32-.Ltmp18, $3  }
0x1b4: {  	_ =	sdelay $0x1  }
0x1b5: {  	s9 =	simm.s32 $0x10;
	s10 =	sadd.s32 $0xFFFFFFFF, s7;
	p0 =	por $0x1, $0x1  }
0x1b6: {  	s8 =	smov.u32 s3;
	s7 =	smov.u32 s0;
	s6 =	sand.u32 $0xFFFFFFF0, s9;
	[tilespmem:s0+$0x0] =	vst v8  }
.LBB2_33:
0x1b7: {  	p1 =	sne.s32 s10, $0x1;
	v8 =	vld [tilespmem:s6+$0xFE00];
	_ =	sdelay $0x3  }
0x1b8: {  	s8 =	sadd.s32 $0x10, s8  }
0x1b9: {  	[tilespmem:s8+$0x0] =	vst v8  }
0x1ba: {  	v8 =	vld [tilespmem:s6+$0x13E80]  }
.Ltmp19:
0x1bb: {  	(pc) =	sbr.rel @p1 .LBB2_33-.Ltmp19, $3  }
0x1bc: {  	_ =	sdelay $0x1  }
0x1bd: {  	s9 =	sadd.s32 $0x10, s9;
	s7 =	sadd.s32 $0x10, s7  }
0x1be: {  	s10 =	sadd.s32 $0xFFFFFFFF, s10;
	s6 =	sand.u32 $0xFFFFFFF0, s9;
	[tilespmem:s7+$0x0] =	vst v8  }
.LBB2_34:
0x1bf: {  	v8 =	vld [tilespmem:s6+$0xFE00];
	_ =	sdelay $0x2  }
0x1c0: {  	s8 =	sadd.s32 @p0 $0x10, s8  }
0x1c1: {  	s3 =	smov.u32 @p0 s8  }
0x1c2: {  	[tilespmem:s3+$0x0] =	vst v8  }
0x1c3: {  	v8 =	vld [tilespmem:s6+$0x13E80];
	_ =	sdelay $0x2  }
0x1c4: {  	s3 =	sadd.s32 @p0 $0x10, s7  }
0x1c5: {  	s0 =	smov.u32 @p0 s3  }
0x1c6: {  	[tilespmem:s0+$0x0] =	vst v8  }
.LBB2_35:
0x1c7: {  	(v2sf) =	vpush v7, $0x2;
	_ =	sdelay $0xd  }
0x1c8: {  	s0 =	sadd.s32 s2, s5  }
0x1c9: {  	s6 =	ssub.s32 $0x3000, s0;
	s3 =	spop (v2sf)  }
0x1ca: {  	p0 =	slt.s32 s3, s6  }
0x1cb: {  	s6 =	smov.u32 @p0 s3  }
0x1cc: {  	s3 =	sadd.s32 $0xF, s6  }
0x1cd: {  	s7 =	sand.u32 $0xF, s3  }
0x1ce: {  	s19 =	sshra.s32 s3, $0x1F;
	p1 =	slt.s32 s3, $0x1;
	p6 =	sne.s32 s7, $0x0  }
0x1cf: {  	s7 =	sshrl.u32 s19, $0x1C;
	p0 =	por !p1, !p6  }
0x1d0: {  	s3 =	sadd.s32 s7, s3;
	s7 =	simm.s32 $0x1;
	p0 =	por !p0, !p0  }
0x1d1: {  	s3 =	sshra.s32 s3, $0x4;
	s7 =	simm.s32 @!p0 $0x0  }
0x1d2: {  	s9 =	ssub.s32 s3, s7  }
0x1d3: {  	p0 =	slt.s32 s9, $0x1  }
.Ltmp20:
0x1d4: {  	_ = 	snop;
	(pc) =	sbr.rel @p0 .LBB2_42-.Ltmp20, $1  }
0x1d5: {  	_ =	sdelay $0x3  }
0x1d6: {  	p1 =	sne.s32 s9, $0x1  }
.Ltmp21:
0x1d7: {  	_ = 	snop;
	(pc) =	sbr.rel @!p1 .LBB2_37-.Ltmp21, $4  }
0x1d8: {  	_ = 	snop  }
0x1d9: {  	s3 =	sshll.u32 s0, $0x2;
	s8 =	simm.s32 $0x0  }
0x1da: {  	s9 =	sadd.s32 $0xFFFFFFFF, s9;
	p0 =	por $0x0, $0x0;
	s3 =	sshra.s32 s3, $0x2  }
0x1db: {  	s8 =	sand.u32 $0xFFFFFFF0, s8;
	s7 =	sadd.s32 $0x17B00, s3;
	s3 =	sadd.s32 $0x1AD00, s3  }
0x1dc: {  	v8 =	vld [tilespmem:s8+$0x10200];
	_ =	sdelay $0x4  }
0x1dd: {  	[tilespmem:s7+$0x0] =	vst v8  }
0x1de: {  	p1 =	sne.s32 s9, $0x1;
	v8 =	vld [tilespmem:s8+$0x14280]  }
.Ltmp22:
0x1df: {  	_ = 	snop;
	(pc) =	sbr.rel @!p1 .LBB2_39-.Ltmp22, $3  }
0x1e0: {  	_ =	sdelay $0x1  }
0x1e1: {  	s11 =	simm.s32 $0x10;
	s12 =	sadd.s32 $0xFFFFFFFF, s9;
	p0 =	por $0x1, $0x1  }
0x1e2: {  	s10 =	smov.u32 s7;
	s9 =	smov.u32 s3;
	s8 =	sand.u32 $0xFFFFFFF0, s11;
	[tilespmem:s3+$0x0] =	vst v8  }
.LBB2_40:
0x1e3: {  	p1 =	sne.s32 s12, $0x1;
	v8 =	vld [tilespmem:s8+$0x10200];
	_ =	sdelay $0x3  }
0x1e4: {  	s10 =	sadd.s32 $0x10, s10  }
0x1e5: {  	[tilespmem:s10+$0x0] =	vst v8  }
0x1e6: {  	v8 =	vld [tilespmem:s8+$0x14280]  }
.Ltmp23:
0x1e7: {  	(pc) =	sbr.rel @p1 .LBB2_40-.Ltmp23, $3  }
0x1e8: {  	_ =	sdelay $0x1  }
0x1e9: {  	s11 =	sadd.s32 $0x10, s11;
	s9 =	sadd.s32 $0x10, s9  }
0x1ea: {  	s12 =	sadd.s32 $0xFFFFFFFF, s12;
	s8 =	sand.u32 $0xFFFFFFF0, s11;
	[tilespmem:s9+$0x0] =	vst v8  }
.LBB2_41:
0x1eb: {  	v8 =	vld [tilespmem:s8+$0x10200];
	_ =	sdelay $0x2  }
0x1ec: {  	s10 =	sadd.s32 @p0 $0x10, s10  }
0x1ed: {  	s7 =	smov.u32 @p0 s10  }
0x1ee: {  	[tilespmem:s7+$0x0] =	vst v8  }
0x1ef: {  	v8 =	vld [tilespmem:s8+$0x14280];
	_ =	sdelay $0x2  }
0x1f0: {  	s7 =	sadd.s32 @p0 $0x10, s9  }
0x1f1: {  	s3 =	smov.u32 @p0 s7  }
0x1f2: {  	[tilespmem:s3+$0x0] =	vst v8  }
.LBB2_42:
0x1f3: {  	(v2sf) =	vpush v7, $0x3;
	_ =	sdelay $0xd  }
0x1f4: {  	s0 =	sadd.s32 s0, s6  }
0x1f5: {  	s7 =	ssub.s32 $0x3000, s0;
	s3 =	spop (v2sf)  }
0x1f6: {  	p0 =	slt.s32 s3, s7  }
0x1f7: {  	s7 =	smov.u32 @p0 s3  }
0x1f8: {  	s3 =	sadd.s32 $0xF, s7  }
0x1f9: {  	s8 =	sand.u32 $0xF, s3  }
0x1fa: {  	s19 =	sshra.s32 s3, $0x1F;
	p1 =	slt.s32 s3, $0x1;
	p6 =	sne.s32 s8, $0x0  }
0x1fb: {  	s8 =	sshrl.u32 s19, $0x1C;
	p0 =	por !p1, !p6  }
0x1fc: {  	s3 =	sadd.s32 s8, s3;
	s8 =	simm.s32 $0x1;
	p0 =	por !p0, !p0  }
0x1fd: {  	s3 =	sshra.s32 s3, $0x4;
	s8 =	simm.s32 @!p0 $0x0  }
0x1fe: {  	s10 =	ssub.s32 s3, s8  }
0x1ff: {  	p0 =	slt.s32 s10, $0x1  }
.Ltmp24:
0x200: {  	_ = 	snop;
	(pc) =	sbr.rel @p0 .LBB2_49-.Ltmp24, $1  }
0x201: {  	_ =	sdelay $0x3  }
0x202: {  	p1 =	sne.s32 s10, $0x1  }
.Ltmp25:
0x203: {  	_ = 	snop;
	(pc) =	sbr.rel @!p1 .LBB2_44-.Ltmp25, $4  }
0x204: {  	_ = 	snop  }
0x205: {  	s3 =	sshll.u32 s0, $0x2;
	s9 =	simm.s32 $0x0  }
0x206: {  	s10 =	sadd.s32 $0xFFFFFFFF, s10;
	p0 =	por $0x0, $0x0;
	s3 =	sshra.s32 s3, $0x2  }
0x207: {  	s9 =	sand.u32 $0xFFFFFFF0, s9;
	s8 =	sadd.s32 $0x17B00, s3;
	s3 =	sadd.s32 $0x1AD00, s3  }
0x208: {  	v8 =	vld [tilespmem:s9+$0x10600];
	_ =	sdelay $0x4  }
0x209: {  	[tilespmem:s8+$0x0] =	vst v8  }
0x20a: {  	p1 =	sne.s32 s10, $0x1;
	v8 =	vld [tilespmem:s9+$0x14680]  }
.Ltmp26:
0x20b: {  	_ = 	snop;
	(pc) =	sbr.rel @!p1 .LBB2_46-.Ltmp26, $3  }
0x20c: {  	_ =	sdelay $0x1  }
0x20d: {  	s12 =	simm.s32 $0x10;
	s13 =	sadd.s32 $0xFFFFFFFF, s10;
	p0 =	por $0x1, $0x1  }
0x20e: {  	s11 =	smov.u32 s8;
	s10 =	smov.u32 s3;
	s9 =	sand.u32 $0xFFFFFFF0, s12;
	[tilespmem:s3+$0x0] =	vst v8  }
.LBB2_47:
0x20f: {  	p1 =	sne.s32 s13, $0x1;
	v8 =	vld [tilespmem:s9+$0x10600];
	_ =	sdelay $0x3  }
0x210: {  	s11 =	sadd.s32 $0x10, s11  }
0x211: {  	[tilespmem:s11+$0x0] =	vst v8  }
0x212: {  	v8 =	vld [tilespmem:s9+$0x14680]  }
.Ltmp27:
0x213: {  	(pc) =	sbr.rel @p1 .LBB2_47-.Ltmp27, $3  }
0x214: {  	_ =	sdelay $0x1  }
0x215: {  	s12 =	sadd.s32 $0x10, s12;
	s10 =	sadd.s32 $0x10, s10  }
0x216: {  	s13 =	sadd.s32 $0xFFFFFFFF, s13;
	s9 =	sand.u32 $0xFFFFFFF0, s12;
	[tilespmem:s10+$0x0] =	vst v8  }
.LBB2_48:
0x217: {  	v8 =	vld [tilespmem:s9+$0x10600];
	_ =	sdelay $0x2  }
0x218: {  	s11 =	sadd.s32 @p0 $0x10, s11  }
0x219: {  	s8 =	smov.u32 @p0 s11  }
0x21a: {  	[tilespmem:s8+$0x0] =	vst v8  }
0x21b: {  	v8 =	vld [tilespmem:s9+$0x14680];
	_ =	sdelay $0x2  }
0x21c: {  	s8 =	sadd.s32 @p0 $0x10, s10  }
0x21d: {  	s3 =	smov.u32 @p0 s8  }
0x21e: {  	[tilespmem:s3+$0x0] =	vst v8  }
.LBB2_49:
0x21f: {  	(v2sf) =	vpush v7, $0x4;
	_ =	sdelay $0xd  }
0x220: {  	s0 =	sadd.s32 s0, s7  }
0x221: {  	s8 =	ssub.s32 $0x3000, s0;
	s3 =	spop (v2sf)  }
0x222: {  	p0 =	slt.s32 s3, s8  }
0x223: {  	s8 =	smov.u32 @p0 s3  }
0x224: {  	s3 =	sadd.s32 $0xF, s8  }
0x225: {  	s9 =	sand.u32 $0xF, s3  }
0x226: {  	s19 =	sshra.s32 s3, $0x1F;
	p1 =	slt.s32 s3, $0x1;
	p6 =	sne.s32 s9, $0x0  }
0x227: {  	s9 =	sshrl.u32 s19, $0x1C;
	p0 =	por !p1, !p6  }
0x228: {  	s3 =	sadd.s32 s9, s3;
	s9 =	simm.s32 $0x1;
	p0 =	por !p0, !p0  }
0x229: {  	s3 =	sshra.s32 s3, $0x4;
	s9 =	simm.s32 @!p0 $0x0  }
0x22a: {  	s11 =	ssub.s32 s3, s9  }
0x22b: {  	p0 =	slt.s32 s11, $0x1  }
.Ltmp28:
0x22c: {  	_ = 	snop;
	(pc) =	sbr.rel @p0 .LBB2_56-.Ltmp28, $1  }
0x22d: {  	_ =	sdelay $0x3  }
0x22e: {  	p1 =	sne.s32 s11, $0x1  }
.Ltmp29:
0x22f: {  	_ = 	snop;
	(pc) =	sbr.rel @!p1 .LBB2_51-.Ltmp29, $4  }
0x230: {  	_ = 	snop  }
0x231: {  	s3 =	sshll.u32 s0, $0x2;
	s10 =	simm.s32 $0x0  }
0x232: {  	s11 =	sadd.s32 $0xFFFFFFFF, s11;
	p0 =	por $0x0, $0x0;
	s3 =	sshra.s32 s3, $0x2  }
0x233: {  	s10 =	sand.u32 $0xFFFFFFF0, s10;
	s9 =	sadd.s32 $0x17B00, s3;
	s3 =	sadd.s32 $0x1AD00, s3  }
0x234: {  	v8 =	vld [tilespmem:s10+$0x10A00];
	_ =	sdelay $0x4  }
0x235: {  	[tilespmem:s9+$0x0] =	vst v8  }
0x236: {  	p1 =	sne.s32 s11, $0x1;
	v8 =	vld [tilespmem:s10+$0x14A80]  }
.Ltmp30:
0x237: {  	_ = 	snop;
	(pc) =	sbr.rel @!p1 .LBB2_53-.Ltmp30, $3  }
0x238: {  	_ =	sdelay $0x1  }
0x239: {  	s13 =	simm.s32 $0x10;
	s14 =	sadd.s32 $0xFFFFFFFF, s11;
	p0 =	por $0x1, $0x1  }
0x23a: {  	s12 =	smov.u32 s9;
	s11 =	smov.u32 s3;
	s10 =	sand.u32 $0xFFFFFFF0, s13;
	[tilespmem:s3+$0x0] =	vst v8  }
.LBB2_54:
0x23b: {  	p1 =	sne.s32 s14, $0x1;
	v8 =	vld [tilespmem:s10+$0x10A00];
	_ =	sdelay $0x3  }
0x23c: {  	s12 =	sadd.s32 $0x10, s12  }
0x23d: {  	[tilespmem:s12+$0x0] =	vst v8  }
0x23e: {  	v8 =	vld [tilespmem:s10+$0x14A80]  }
.Ltmp31:
0x23f: {  	(pc) =	sbr.rel @p1 .LBB2_54-.Ltmp31, $3  }
0x240: {  	_ =	sdelay $0x1  }
0x241: {  	s13 =	sadd.s32 $0x10, s13;
	s11 =	sadd.s32 $0x10, s11  }
0x242: {  	s14 =	sadd.s32 $0xFFFFFFFF, s14;
	s10 =	sand.u32 $0xFFFFFFF0, s13;
	[tilespmem:s11+$0x0] =	vst v8  }
.LBB2_55:
0x243: {  	v8 =	vld [tilespmem:s10+$0x10A00];
	_ =	sdelay $0x2  }
0x244: {  	s12 =	sadd.s32 @p0 $0x10, s12  }
0x245: {  	s9 =	smov.u32 @p0 s12  }
0x246: {  	[tilespmem:s9+$0x0] =	vst v8  }
0x247: {  	v8 =	vld [tilespmem:s10+$0x14A80];
	_ =	sdelay $0x2  }
0x248: {  	s9 =	sadd.s32 @p0 $0x10, s11  }
0x249: {  	s3 =	smov.u32 @p0 s9  }
0x24a: {  	[tilespmem:s3+$0x0] =	vst v8  }
.LBB2_56:
0x24b: {  	(v2sf) =	vpush v7, $0x5;
	_ =	sdelay $0xd  }
0x24c: {  	s0 =	sadd.s32 s0, s8  }
0x24d: {  	s3 =	ssub.s32 $0x3000, s0;
	s9 =	spop (v2sf)  }
0x24e: {  	p0 =	slt.s32 s9, s3  }
0x24f: {  	s3 =	smov.u32 @p0 s9  }
0x250: {  	s9 =	sadd.s32 $0xF, s3  }
0x251: {  	s10 =	sand.u32 $0xF, s9  }
0x252: {  	s19 =	sshra.s32 s9, $0x1F;
	p1 =	slt.s32 s9, $0x1;
	p6 =	sne.s32 s10, $0x0  }
0x253: {  	s10 =	sshrl.u32 s19, $0x1C;
	p0 =	por !p1, !p6  }
0x254: {  	s9 =	sadd.s32 s10, s9;
	s10 =	simm.s32 $0x1;
	p0 =	por !p0, !p0  }
0x255: {  	s9 =	sshra.s32 s9, $0x4;
	s10 =	simm.s32 @!p0 $0x0  }
0x256: {  	s12 =	ssub.s32 s9, s10  }
0x257: {  	p0 =	slt.s32 s12, $0x1  }
.Ltmp32:
0x258: {  	_ = 	snop;
	(pc) =	sbr.rel @p0 .LBB2_63-.Ltmp32, $1  }
0x259: {  	_ =	sdelay $0x3  }
0x25a: {  	p1 =	sne.s32 s12, $0x1  }
.Ltmp33:
0x25b: {  	_ = 	snop;
	(pc) =	sbr.rel @!p1 .LBB2_58-.Ltmp33, $4  }
0x25c: {  	_ = 	snop  }
0x25d: {  	s9 =	sshll.u32 s0, $0x2;
	s11 =	simm.s32 $0x0  }
0x25e: {  	s12 =	sadd.s32 $0xFFFFFFFF, s12;
	p0 =	por $0x0, $0x0;
	s9 =	sshra.s32 s9, $0x2  }
0x25f: {  	s11 =	sand.u32 $0xFFFFFFF0, s11;
	s10 =	sadd.s32 $0x17B00, s9;
	s9 =	sadd.s32 $0x1AD00, s9  }
0x260: {  	v8 =	vld [tilespmem:s11+$0x10E00];
	_ =	sdelay $0x4  }
0x261: {  	[tilespmem:s10+$0x0] =	vst v8  }
0x262: {  	p1 =	sne.s32 s12, $0x1;
	v8 =	vld [tilespmem:s11+$0x14E80]  }
.Ltmp34:
0x263: {  	_ = 	snop;
	(pc) =	sbr.rel @!p1 .LBB2_60-.Ltmp34, $3  }
0x264: {  	_ =	sdelay $0x1  }
0x265: {  	s14 =	simm.s32 $0x10;
	s15 =	sadd.s32 $0xFFFFFFFF, s12;
	p0 =	por $0x1, $0x1  }
0x266: {  	s13 =	smov.u32 s10;
	s12 =	smov.u32 s9;
	s11 =	sand.u32 $0xFFFFFFF0, s14;
	[tilespmem:s9+$0x0] =	vst v8  }
.LBB2_61:
0x267: {  	p1 =	sne.s32 s15, $0x1;
	v8 =	vld [tilespmem:s11+$0x10E00];
	_ =	sdelay $0x3  }
0x268: {  	s13 =	sadd.s32 $0x10, s13  }
0x269: {  	[tilespmem:s13+$0x0] =	vst v8  }
0x26a: {  	v8 =	vld [tilespmem:s11+$0x14E80]  }
.Ltmp35:
0x26b: {  	(pc) =	sbr.rel @p1 .LBB2_61-.Ltmp35, $3  }
0x26c: {  	_ =	sdelay $0x1  }
0x26d: {  	s14 =	sadd.s32 $0x10, s14;
	s12 =	sadd.s32 $0x10, s12  }
0x26e: {  	s15 =	sadd.s32 $0xFFFFFFFF, s15;
	s11 =	sand.u32 $0xFFFFFFF0, s14;
	[tilespmem:s12+$0x0] =	vst v8  }
.LBB2_62:
0x26f: {  	v8 =	vld [tilespmem:s11+$0x10E00];
	_ =	sdelay $0x2  }
0x270: {  	s13 =	sadd.s32 @p0 $0x10, s13  }
0x271: {  	s10 =	smov.u32 @p0 s13  }
0x272: {  	[tilespmem:s10+$0x0] =	vst v8  }
0x273: {  	v8 =	vld [tilespmem:s11+$0x14E80];
	_ =	sdelay $0x2  }
0x274: {  	s10 =	sadd.s32 @p0 $0x10, s12  }
0x275: {  	s9 =	smov.u32 @p0 s10  }
0x276: {  	[tilespmem:s9+$0x0] =	vst v8  }
.LBB2_63:
0x277: {  	(v2sf) =	vpush v7, $0x6;
	_ =	sdelay $0xd  }
0x278: {  	s0 =	sadd.s32 s0, s3  }
0x279: {  	s9 =	ssub.s32 $0x3000, s0;
	s10 =	spop (v2sf)  }
0x27a: {  	p0 =	slt.s32 s10, s9  }
0x27b: {  	s9 =	smov.u32 @p0 s10  }
0x27c: {  	s10 =	sadd.s32 $0xF, s9  }
0x27d: {  	s11 =	sand.u32 $0xF, s10  }
0x27e: {  	s19 =	sshra.s32 s10, $0x1F;
	p1 =	slt.s32 s10, $0x1;
	p6 =	sne.s32 s11, $0x0  }
0x27f: {  	s11 =	sshrl.u32 s19, $0x1C;
	p0 =	por !p1, !p6  }
0x280: {  	s10 =	sadd.s32 s11, s10;
	s11 =	simm.s32 $0x1;
	p0 =	por !p0, !p0  }
0x281: {  	s10 =	sshra.s32 s10, $0x4;
	s11 =	simm.s32 @!p0 $0x0  }
0x282: {  	s13 =	ssub.s32 s10, s11  }
0x283: {  	p0 =	slt.s32 s13, $0x1  }
.Ltmp36:
0x284: {  	_ = 	snop;
	(pc) =	sbr.rel @p0 .LBB2_70-.Ltmp36, $1  }
0x285: {  	_ =	sdelay $0x3  }
0x286: {  	p1 =	sne.s32 s13, $0x1  }
.Ltmp37:
0x287: {  	_ = 	snop;
	(pc) =	sbr.rel @!p1 .LBB2_65-.Ltmp37, $4  }
0x288: {  	_ = 	snop  }
0x289: {  	s10 =	sshll.u32 s0, $0x2;
	s12 =	simm.s32 $0x0  }
0x28a: {  	s13 =	sadd.s32 $0xFFFFFFFF, s13;
	p0 =	por $0x0, $0x0;
	s10 =	sshra.s32 s10, $0x2  }
0x28b: {  	s12 =	sand.u32 $0xFFFFFFF0, s12;
	s11 =	sadd.s32 $0x17B00, s10;
	s10 =	sadd.s32 $0x1AD00, s10  }
0x28c: {  	v8 =	vld [tilespmem:s12+$0x11200];
	_ =	sdelay $0x4  }
0x28d: {  	[tilespmem:s11+$0x0] =	vst v8  }
0x28e: {  	p1 =	sne.s32 s13, $0x1;
	v8 =	vld [tilespmem:s12+$0x15280]  }
.Ltmp38:
0x28f: {  	_ = 	snop;
	(pc) =	sbr.rel @!p1 .LBB2_67-.Ltmp38, $3  }
0x290: {  	_ =	sdelay $0x1  }
0x291: {  	s15 =	simm.s32 $0x10;
	s16 =	sadd.s32 $0xFFFFFFFF, s13;
	p0 =	por $0x1, $0x1  }
0x292: {  	s14 =	smov.u32 s11;
	s13 =	smov.u32 s10;
	s12 =	sand.u32 $0xFFFFFFF0, s15;
	[tilespmem:s10+$0x0] =	vst v8  }
.LBB2_68:
0x293: {  	p1 =	sne.s32 s16, $0x1;
	v8 =	vld [tilespmem:s12+$0x11200];
	_ =	sdelay $0x3  }
0x294: {  	s14 =	sadd.s32 $0x10, s14  }
0x295: {  	[tilespmem:s14+$0x0] =	vst v8  }
0x296: {  	v8 =	vld [tilespmem:s12+$0x15280]  }
.Ltmp39:
0x297: {  	(pc) =	sbr.rel @p1 .LBB2_68-.Ltmp39, $3  }
0x298: {  	_ =	sdelay $0x1  }
0x299: {  	s15 =	sadd.s32 $0x10, s15;
	s13 =	sadd.s32 $0x10, s13  }
0x29a: {  	s16 =	sadd.s32 $0xFFFFFFFF, s16;
	s12 =	sand.u32 $0xFFFFFFF0, s15;
	[tilespmem:s13+$0x0] =	vst v8  }
.LBB2_69:
0x29b: {  	v8 =	vld [tilespmem:s12+$0x11200];
	_ =	sdelay $0x2  }
0x29c: {  	s14 =	sadd.s32 @p0 $0x10, s14  }
0x29d: {  	s11 =	smov.u32 @p0 s14  }
0x29e: {  	[tilespmem:s11+$0x0] =	vst v8  }
0x29f: {  	v8 =	vld [tilespmem:s12+$0x15280];
	_ =	sdelay $0x2  }
0x2a0: {  	s11 =	sadd.s32 @p0 $0x10, s13  }
0x2a1: {  	s10 =	smov.u32 @p0 s11  }
0x2a2: {  	[tilespmem:s10+$0x0] =	vst v8  }
.LBB2_70:
0x2a3: {  	(v2sf) =	vpush v7, $0x7;
	_ =	sdelay $0xd  }
0x2a4: {  	s10 =	sadd.s32 s0, s9  }
0x2a5: {  	s0 =	ssub.s32 $0x3000, s10;
	s11 =	spop (v2sf)  }
0x2a6: {  	p0 =	slt.s32 s11, s0  }
0x2a7: {  	s0 =	smov.u32 @p0 s11  }
0x2a8: {  	s11 =	sadd.s32 $0xF, s0  }
0x2a9: {  	s12 =	sand.u32 $0xF, s11  }
0x2aa: {  	s19 =	sshra.s32 s11, $0x1F;
	p1 =	slt.s32 s11, $0x1;
	p6 =	sne.s32 s12, $0x0  }
0x2ab: {  	s12 =	sshrl.u32 s19, $0x1C;
	p0 =	por !p1, !p6  }
0x2ac: {  	s11 =	sadd.s32 s12, s11;
	s12 =	simm.s32 $0x1;
	p0 =	por !p0, !p0  }
0x2ad: {  	s11 =	sshra.s32 s11, $0x4;
	s12 =	simm.s32 @!p0 $0x0  }
0x2ae: {  	s14 =	ssub.s32 s11, s12  }
0x2af: {  	p0 =	slt.s32 s14, $0x1  }
.Ltmp40:
0x2b0: {  	_ = 	snop;
	(pc) =	sbr.rel @p0 .LBB2_77-.Ltmp40, $1  }
0x2b1: {  	_ =	sdelay $0x3  }
0x2b2: {  	p1 =	sne.s32 s14, $0x1  }
.Ltmp41:
0x2b3: {  	_ = 	snop;
	(pc) =	sbr.rel @!p1 .LBB2_72-.Ltmp41, $4  }
0x2b4: {  	_ = 	snop  }
0x2b5: {  	s11 =	sshll.u32 s10, $0x2;
	s13 =	simm.s32 $0x0  }
0x2b6: {  	s14 =	sadd.s32 $0xFFFFFFFF, s14;
	p0 =	por $0x0, $0x0;
	s11 =	sshra.s32 s11, $0x2  }
0x2b7: {  	s13 =	sand.u32 $0xFFFFFFF0, s13;
	s12 =	sadd.s32 $0x17B00, s11;
	s11 =	sadd.s32 $0x1AD00, s11  }
0x2b8: {  	v8 =	vld [tilespmem:s13+$0x11600];
	_ =	sdelay $0x4  }
0x2b9: {  	[tilespmem:s12+$0x0] =	vst v8  }
0x2ba: {  	p1 =	sne.s32 s14, $0x1;
	v8 =	vld [tilespmem:s13+$0x15680]  }
.Ltmp42:
0x2bb: {  	_ = 	snop;
	(pc) =	sbr.rel @!p1 .LBB2_74-.Ltmp42, $3  }
0x2bc: {  	_ =	sdelay $0x1  }
0x2bd: {  	s16 =	simm.s32 $0x10;
	s17 =	sadd.s32 $0xFFFFFFFF, s14;
	p0 =	por $0x1, $0x1  }
0x2be: {  	s15 =	smov.u32 s12;
	s14 =	smov.u32 s11;
	s13 =	sand.u32 $0xFFFFFFF0, s16;
	[tilespmem:s11+$0x0] =	vst v8  }
.LBB2_75:
0x2bf: {  	p1 =	sne.s32 s17, $0x1;
	v8 =	vld [tilespmem:s13+$0x11600];
	_ =	sdelay $0x3  }
0x2c0: {  	s15 =	sadd.s32 $0x10, s15  }
0x2c1: {  	[tilespmem:s15+$0x0] =	vst v8  }
0x2c2: {  	v8 =	vld [tilespmem:s13+$0x15680]  }
.Ltmp43:
0x2c3: {  	(pc) =	sbr.rel @p1 .LBB2_75-.Ltmp43, $3  }
0x2c4: {  	_ =	sdelay $0x1  }
0x2c5: {  	s16 =	sadd.s32 $0x10, s16;
	s14 =	sadd.s32 $0x10, s14  }
0x2c6: {  	s17 =	sadd.s32 $0xFFFFFFFF, s17;
	s13 =	sand.u32 $0xFFFFFFF0, s16;
	[tilespmem:s14+$0x0] =	vst v8  }
.LBB2_76:
0x2c7: {  	v8 =	vld [tilespmem:s13+$0x11600];
	_ =	sdelay $0x2  }
0x2c8: {  	s15 =	sadd.s32 @p0 $0x10, s15  }
0x2c9: {  	s12 =	smov.u32 @p0 s15  }
0x2ca: {  	[tilespmem:s12+$0x0] =	vst v8  }
0x2cb: {  	v8 =	vld [tilespmem:s13+$0x15680];
	_ =	sdelay $0x2  }
0x2cc: {  	s12 =	sadd.s32 @p0 $0x10, s14  }
0x2cd: {  	s11 =	smov.u32 @p0 s12  }
0x2ce: {  	[tilespmem:s11+$0x0] =	vst v8  }
.LBB2_77:
0x2cf: {  	(v2sf) =	vpush v7, $0x8;
	_ =	sdelay $0xd  }
0x2d0: {  	s11 =	sadd.s32 s10, s0  }
0x2d1: {  	s10 =	ssub.s32 $0x3000, s11;
	s12 =	spop (v2sf)  }
0x2d2: {  	p0 =	slt.s32 s12, s10  }
0x2d3: {  	s10 =	smov.u32 @p0 s12  }
0x2d4: {  	s12 =	sadd.s32 $0xF, s10  }
0x2d5: {  	s13 =	sand.u32 $0xF, s12  }
0x2d6: {  	s19 =	sshra.s32 s12, $0x1F;
	p1 =	slt.s32 s12, $0x1;
	p6 =	sne.s32 s13, $0x0  }
0x2d7: {  	s13 =	sshrl.u32 s19, $0x1C;
	p0 =	por !p1, !p6  }
0x2d8: {  	s12 =	sadd.s32 s13, s12;
	s13 =	simm.s32 $0x1;
	p0 =	por !p0, !p0  }
0x2d9: {  	s12 =	sshra.s32 s12, $0x4;
	s13 =	simm.s32 @!p0 $0x0  }
0x2da: {  	s15 =	ssub.s32 s12, s13  }
0x2db: {  	p0 =	slt.s32 s15, $0x1  }
.Ltmp44:
0x2dc: {  	_ = 	snop;
	(pc) =	sbr.rel @p0 .LBB2_84-.Ltmp44, $1  }
0x2dd: {  	_ =	sdelay $0x3  }
0x2de: {  	p1 =	sne.s32 s15, $0x1  }
.Ltmp45:
0x2df: {  	_ = 	snop;
	(pc) =	sbr.rel @!p1 .LBB2_79-.Ltmp45, $4  }
0x2e0: {  	_ = 	snop  }
0x2e1: {  	s12 =	sshll.u32 s11, $0x2;
	s14 =	simm.s32 $0x0  }
0x2e2: {  	s15 =	sadd.s32 $0xFFFFFFFF, s15;
	p0 =	por $0x0, $0x0;
	s12 =	sshra.s32 s12, $0x2  }
0x2e3: {  	s14 =	sand.u32 $0xFFFFFFF0, s14;
	s13 =	sadd.s32 $0x17B00, s12;
	s12 =	sadd.s32 $0x1AD00, s12  }
0x2e4: {  	v8 =	vld [tilespmem:s14+$0x11A00];
	_ =	sdelay $0x4  }
0x2e5: {  	[tilespmem:s13+$0x0] =	vst v8  }
0x2e6: {  	p1 =	sne.s32 s15, $0x1;
	v8 =	vld [tilespmem:s14+$0x15A80]  }
.Ltmp46:
0x2e7: {  	_ = 	snop;
	(pc) =	sbr.rel @!p1 .LBB2_81-.Ltmp46, $3  }
0x2e8: {  	_ =	sdelay $0x1  }
0x2e9: {  	s17 =	simm.s32 $0x10;
	s18 =	sadd.s32 $0xFFFFFFFF, s15;
	p0 =	por $0x1, $0x1  }
0x2ea: {  	s16 =	smov.u32 s13;
	s15 =	smov.u32 s12;
	s14 =	sand.u32 $0xFFFFFFF0, s17;
	[tilespmem:s12+$0x0] =	vst v8  }
.LBB2_82:
0x2eb: {  	p1 =	sne.s32 s18, $0x1;
	v8 =	vld [tilespmem:s14+$0x11A00];
	_ =	sdelay $0x3  }
0x2ec: {  	s16 =	sadd.s32 $0x10, s16  }
0x2ed: {  	[tilespmem:s16+$0x0] =	vst v8  }
0x2ee: {  	v8 =	vld [tilespmem:s14+$0x15A80]  }
.Ltmp47:
0x2ef: {  	(pc) =	sbr.rel @p1 .LBB2_82-.Ltmp47, $3  }
0x2f0: {  	_ =	sdelay $0x1  }
0x2f1: {  	s17 =	sadd.s32 $0x10, s17;
	s15 =	sadd.s32 $0x10, s15  }
0x2f2: {  	s18 =	sadd.s32 $0xFFFFFFFF, s18;
	s14 =	sand.u32 $0xFFFFFFF0, s17;
	[tilespmem:s15+$0x0] =	vst v8  }
.LBB2_83:
0x2f3: {  	v8 =	vld [tilespmem:s14+$0x11A00];
	_ =	sdelay $0x2  }
0x2f4: {  	s16 =	sadd.s32 @p0 $0x10, s16  }
0x2f5: {  	s13 =	smov.u32 @p0 s16  }
0x2f6: {  	[tilespmem:s13+$0x0] =	vst v8  }
0x2f7: {  	v8 =	vld [tilespmem:s14+$0x15A80];
	_ =	sdelay $0x2  }
0x2f8: {  	s13 =	sadd.s32 @p0 $0x10, s15  }
0x2f9: {  	s12 =	smov.u32 @p0 s13  }
0x2fa: {  	[tilespmem:s12+$0x0] =	vst v8  }
.LBB2_84:
0x2fb: {  	(v2sf) =	vpush v7, $0x9;
	_ =	sdelay $0xd  }
0x2fc: {  	s12 =	sadd.s32 s11, s10  }
0x2fd: {  	s11 =	ssub.s32 $0x3000, s12;
	s13 =	spop (v2sf)  }
0x2fe: {  	p0 =	slt.s32 s13, s11  }
0x2ff: {  	s11 =	smov.u32 @p0 s13  }
0x300: {  	s13 =	sadd.s32 $0xF, s11  }
0x301: {  	s14 =	sand.u32 $0xF, s13  }
0x302: {  	s19 =	sshra.s32 s13, $0x1F;
	p1 =	slt.s32 s13, $0x1;
	p6 =	sne.s32 s14, $0x0  }
0x303: {  	s14 =	sshrl.u32 s19, $0x1C;
	p0 =	por !p1, !p6  }
0x304: {  	s13 =	sadd.s32 s14, s13;
	s14 =	simm.s32 $0x1;
	p0 =	por !p0, !p0  }
0x305: {  	s13 =	sshra.s32 s13, $0x4;
	s14 =	simm.s32 @!p0 $0x0  }
0x306: {  	s14 =	ssub.s32 s13, s14  }
0x307: {  	p0 =	slt.s32 s14, $0x1  }
.Ltmp48:
0x308: {  	_ = 	snop;
	(pc) =	sbr.rel @p0 .LBB2_91-.Ltmp48, $1  }
0x309: {  	_ =	sdelay $0x3  }
0x30a: {  	p1 =	sne.s32 s14, $0x1  }
.Ltmp49:
0x30b: {  	_ = 	snop;
	(pc) =	sbr.rel @!p1 .LBB2_86-.Ltmp49, $4  }
0x30c: {  	_ = 	snop  }
0x30d: {  	s13 =	sshll.u32 s12, $0x2;
	s15 =	simm.s32 $0x0  }
0x30e: {  	s14 =	sadd.s32 $0xFFFFFFFF, s14;
	p0 =	por $0x0, $0x0;
	s13 =	sshra.s32 s13, $0x2  }
0x30f: {  	s15 =	sand.u32 $0xFFFFFFF0, s15;
	s17 =	sadd.s32 $0x17B00, s13;
	s13 =	sadd.s32 $0x1AD00, s13  }
0x310: {  	v8 =	vld [tilespmem:s15+$0x11E00];
	_ =	sdelay $0x4  }
0x311: {  	[tilespmem:s17+$0x0] =	vst v8  }
0x312: {  	p1 =	sne.s32 s14, $0x1;
	v8 =	vld [tilespmem:s15+$0x15E80]  }
.Ltmp50:
0x313: {  	_ = 	snop;
	(pc) =	sbr.rel @!p1 .LBB2_88-.Ltmp50, $3  }
0x314: {  	_ =	sdelay $0x1  }
0x315: {  	s18 =	simm.s32 $0x10;
	s19 =	sadd.s32 $0xFFFFFFFF, s14;
	p0 =	por $0x1, $0x1  }
0x316: {  	s14 =	smov.u32 s17;
	s16 =	smov.u32 s13;
	s15 =	sand.u32 $0xFFFFFFF0, s18;
	[tilespmem:s13+$0x0] =	vst v8  }
.LBB2_89:
0x317: {  	p1 =	sne.s32 s19, $0x1;
	v8 =	vld [tilespmem:s15+$0x11E00];
	_ =	sdelay $0x3  }
0x318: {  	s14 =	sadd.s32 $0x10, s14  }
0x319: {  	[tilespmem:s14+$0x0] =	vst v8  }
0x31a: {  	v8 =	vld [tilespmem:s15+$0x15E80]  }
.Ltmp51:
0x31b: {  	(pc) =	sbr.rel @p1 .LBB2_89-.Ltmp51, $3  }
0x31c: {  	_ =	sdelay $0x1  }
0x31d: {  	s18 =	sadd.s32 $0x10, s18;
	s16 =	sadd.s32 $0x10, s16  }
0x31e: {  	s19 =	sadd.s32 $0xFFFFFFFF, s19;
	s15 =	sand.u32 $0xFFFFFFF0, s18;
	[tilespmem:s16+$0x0] =	vst v8  }
.LBB2_90:
0x31f: {  	v8 =	vld [tilespmem:s15+$0x11E00];
	_ =	sdelay $0x2  }
0x320: {  	s14 =	sadd.s32 @p0 $0x10, s14  }
0x321: {  	s17 =	smov.u32 @p0 s14  }
0x322: {  	[tilespmem:s17+$0x0] =	vst v8  }
0x323: {  	v8 =	vld [tilespmem:s15+$0x15E80];
	_ =	sdelay $0x2  }
0x324: {  	s14 =	sadd.s32 @p0 $0x10, s16  }
0x325: {  	s13 =	smov.u32 @p0 s14  }
0x326: {  	[tilespmem:s13+$0x0] =	vst v8  }
.LBB2_91:
0x327: {  	(v2sf) =	vpush v7, $0xA;
	_ =	sdelay $0xd  }
0x328: {  	s12 =	sadd.s32 s12, s11  }
0x329: {  	s16 =	ssub.s32 $0x3000, s12;
	s13 =	spop (v2sf)  }
0x32a: {  	p0 =	slt.s32 s13, s16  }
0x32b: {  	s16 =	smov.u32 @p0 s13  }
0x32c: {  	s13 =	sadd.s32 $0xF, s16  }
0x32d: {  	s14 =	sand.u32 $0xF, s13  }
0x32e: {  	s19 =	sshra.s32 s13, $0x1F;
	p1 =	slt.s32 s13, $0x1;
	p6 =	sne.s32 s14, $0x0  }
0x32f: {  	s14 =	sshrl.u32 s19, $0x1C;
	p0 =	por !p1, !p6  }
0x330: {  	s13 =	sadd.s32 s14, s13;
	s14 =	simm.s32 $0x1;
	p0 =	por !p0, !p0  }
0x331: {  	s13 =	sshra.s32 s13, $0x4;
	s14 =	simm.s32 @!p0 $0x0  }
0x332: {  	s14 =	ssub.s32 s13, s14  }
0x333: {  	p0 =	slt.s32 s14, $0x1  }
.Ltmp52:
0x334: {  	_ = 	snop;
	(pc) =	sbr.rel @p0 .LBB2_95-.Ltmp52, $1  }
0x335: {  	_ =	sdelay $0x3  }
0x336: {  	s13 =	sadd.s32 s10, s11  }
0x337: {  	s13 =	sadd.s32 s0, s13  }
0x338: {  	s13 =	sadd.s32 s9, s13  }
0x339: {  	s13 =	sadd.s32 s3, s13  }
0x33a: {  	p0 =	sne.s32 s14, $0x1;
	s13 =	sadd.s32 s8, s13  }
.Ltmp53:
0x33b: {  	s13 =	sadd.s32 s7, s13;
	(pc) =	sbr.rel @!p0 .LBB2_94-.Ltmp53, $4  }
0x33c: {  	s13 =	sadd.s32 s6, s13  }
0x33d: {  	s13 =	sadd.s32 s2, s13  }
0x33e: {  	s15 =	sadd.s32 s13, s5;
	s13 =	simm.s32 $0x0  }
0x33f: {  	v8 =	vmov s15;
	s17 =	sand.u32 $0xFFFFFFF0, s13;
	s15 =	sadd.s32 $0xFFFFFFFF, s14;
	s14 =	simm.s32 $0x0  }
.LBB2_93:
0x340: {  	p0 =	sne.s32 s15, $0x1;
	v9 =	vld [tilespmem:s17+$0x12200];
	_ =	sdelay $0x4  }
0x341: {  	[tilespmem:v8+s13+$0x17B00 ss:$0x1] =	vst.idx.msk $0xffff, v9  }
0x342: {  	v9 =	vld [tilespmem:s17+$0x16280]  }
.Ltmp54:
0x343: {  	(pc) =	sbr.rel @p0 .LBB2_93-.Ltmp54, $3  }
0x344: {  	_ =	sdelay $0x1  }
0x345: {  	s13 =	sadd.s32 $0x10, s13  }
0x346: {  	s15 =	sadd.s32 $0xFFFFFFFF, s15;
	s17 =	sand.u32 $0xFFFFFFF0, s13;
	[tilespmem:v8+s14+$0x1AD00 ss:$0x1] =	vst.idx.msk $0xffff, v9;
	s14 =	smov.u32 s13  }
.LBB2_94:
0x347: {  	v9 =	vld [tilespmem:s17+$0x12200];
	_ =	sdelay $0x4  }
0x348: {  	[tilespmem:v8+s13+$0x17B00 ss:$0x1] =	vst.idx.msk $0xffff, v9  }
0x349: {  	v9 =	vld [tilespmem:s17+$0x16280];
	_ =	sdelay $0x4  }
0x34a: {  	[tilespmem:v8+s14+$0x1AD00 ss:$0x1] =	vst.idx.msk $0xffff, v9  }
.LBB2_95:
0x34b: {  	(v2sf) =	vpush v7, $0xB;
	_ =	sdelay $0xd  }
0x34c: {  	s13 =	sadd.s32 s12, s16  }
0x34d: {  	s15 =	ssub.s32 $0x3000, s13;
	s12 =	spop (v2sf)  }
0x34e: {  	p0 =	slt.s32 s12, s15  }
0x34f: {  	s15 =	smov.u32 @p0 s12  }
0x350: {  	s12 =	sadd.s32 $0xF, s15  }
0x351: {  	s14 =	sand.u32 $0xF, s12  }
0x352: {  	s19 =	sshra.s32 s12, $0x1F;
	p1 =	slt.s32 s12, $0x1;
	p6 =	sne.s32 s14, $0x0  }
0x353: {  	s14 =	sshrl.u32 s19, $0x1C;
	p0 =	por !p1, !p6  }
0x354: {  	s12 =	sadd.s32 s14, s12;
	s14 =	simm.s32 $0x1;
	p0 =	por !p0, !p0  }
0x355: {  	s12 =	sshra.s32 s12, $0x4;
	s14 =	simm.s32 @!p0 $0x0  }
0x356: {  	s14 =	ssub.s32 s12, s14  }
0x357: {  	p0 =	slt.s32 s14, $0x1  }
.Ltmp55:
0x358: {  	_ = 	snop;
	(pc) =	sbr.rel @p0 .LBB2_99-.Ltmp55, $2  }
0x359: {  	_ =	sdelay $0x2  }
0x35a: {  	s12 =	simm.s32 $0x0  }
0x35b: {  	p0 =	sne.s32 s14, $0x1  }
.Ltmp56:
0x35c: {  	_ = 	snop;
	(pc) =	sbr.rel @!p0 .LBB2_98-.Ltmp56, $2  }
0x35d: {  	_ =	sdelay $0x2  }
0x35e: {  	s17 =	sand.u32 $0xFFFFFFF0, s12;
	s14 =	sadd.s32 $0xFFFFFFFF, s14  }
.LBB2_97:
0x35f: {  	p0 =	sne.s32 s14, $0x1;
	v8 =	vld [tilespmem:s17+$0x12600];
	_ =	sdelay $0x3  }
0x360: {  	s18 =	sadd.s32 s12, s13  }
0x361: {  	[tilespmem:s18+$0x17B00] =	vst v8  }
0x362: {  	v8 =	vld [tilespmem:s17+$0x16680]  }
.Ltmp57:
0x363: {  	(pc) =	sbr.rel @p0 .LBB2_97-.Ltmp57, $3  }
0x364: {  	_ =	sdelay $0x1  }
0x365: {  	s12 =	sadd.s32 $0x10, s12  }
0x366: {  	s14 =	sadd.s32 $0xFFFFFFFF, s14;
	s17 =	sand.u32 $0xFFFFFFF0, s12;
	[tilespmem:s18+$0x1AD00] =	vst v8  }
.LBB2_98:
0x367: {  	v8 =	vld [tilespmem:s17+$0x12600];
	_ =	sdelay $0x3  }
0x368: {  	s12 =	sadd.s32 s12, s13  }
0x369: {  	[tilespmem:s12+$0x17B00] =	vst v8  }
0x36a: {  	v8 =	vld [tilespmem:s17+$0x16680];
	_ =	sdelay $0x4  }
0x36b: {  	[tilespmem:s12+$0x1AD00] =	vst v8  }
.LBB2_99:
0x36c: {  	(v2sf) =	vpush v7, $0xC;
	_ =	sdelay $0xd  }
0x36d: {  	s12 =	sadd.s32 s13, s15  }
0x36e: {  	s14 =	ssub.s32 $0x3000, s12;
	s17 =	spop (v2sf)  }
0x36f: {  	p0 =	slt.s32 s17, s14  }
0x370: {  	s14 =	smov.u32 @p0 s17  }
0x371: {  	s17 =	sadd.s32 $0xF, s14  }
0x372: {  	s18 =	sand.u32 $0xF, s17  }
0x373: {  	s19 =	sshra.s32 s17, $0x1F;
	p1 =	slt.s32 s17, $0x1;
	p6 =	sne.s32 s18, $0x0  }
0x374: {  	s18 =	sshrl.u32 s19, $0x1C;
	p0 =	por !p1, !p6  }
0x375: {  	s17 =	sadd.s32 s18, s17;
	s18 =	simm.s32 $0x1;
	p0 =	por !p0, !p0  }
0x376: {  	s17 =	sshra.s32 s17, $0x4;
	s18 =	simm.s32 @!p0 $0x0  }
0x377: {  	s17 =	ssub.s32 s17, s18  }
0x378: {  	p0 =	slt.s32 s17, $0x1  }
.Ltmp58:
0x379: {  	_ = 	snop;
	(pc) =	sbr.rel @p0 .LBB2_103-.Ltmp58, $1  }
0x37a: {  	_ =	sdelay $0x3  }
0x37b: {  	s11 =	sadd.s32 s11, s16  }
0x37c: {  	s10 =	sadd.s32 s10, s11  }
0x37d: {  	s0 =	sadd.s32 s0, s10  }
0x37e: {  	s0 =	sadd.s32 s9, s0  }
0x37f: {  	s0 =	sadd.s32 s3, s0  }
0x380: {  	s0 =	sadd.s32 s8, s0  }
0x381: {  	p0 =	sne.s32 s17, $0x1;
	s0 =	sadd.s32 s7, s0  }
.Ltmp59:
0x382: {  	s0 =	sadd.s32 s6, s0;
	(pc) =	sbr.rel @!p0 .LBB2_102-.Ltmp59, $4  }
0x383: {  	s0 =	sadd.s32 s15, s0  }
0x384: {  	s0 =	sadd.s32 s2, s0  }
0x385: {  	s2 =	sadd.s32 s0, s5;
	s0 =	simm.s32 $0x0  }
0x386: {  	s3 =	sadd.s32 $0xFFFFFFFF, s17;
	v8 =	vmov s2;
	s5 =	sand.u32 $0xFFFFFFF0, s0;
	s2 =	simm.s32 $0x0  }
.LBB2_101:
0x387: {  	p0 =	sne.s32 s3, $0x1;
	v9 =	vld [tilespmem:s5+$0x12A00];
	_ =	sdelay $0x4  }
0x388: {  	[tilespmem:v8+s0+$0x17B00 ss:$0x1] =	vst.idx.msk $0xffff, v9  }
0x389: {  	v9 =	vld [tilespmem:s5+$0x16A80]  }
.Ltmp60:
0x38a: {  	(pc) =	sbr.rel @p0 .LBB2_101-.Ltmp60, $3  }
0x38b: {  	_ =	sdelay $0x1  }
0x38c: {  	s0 =	sadd.s32 $0x10, s0  }
0x38d: {  	s3 =	sadd.s32 $0xFFFFFFFF, s3;
	s5 =	sand.u32 $0xFFFFFFF0, s0;
	[tilespmem:v8+s2+$0x1AD00 ss:$0x1] =	vst.idx.msk $0xffff, v9;
	s2 =	smov.u32 s0  }
.LBB2_102:
0x38e: {  	v9 =	vld [tilespmem:s5+$0x12A00];
	_ =	sdelay $0x4  }
0x38f: {  	[tilespmem:v8+s0+$0x17B00 ss:$0x1] =	vst.idx.msk $0xffff, v9  }
0x390: {  	v9 =	vld [tilespmem:s5+$0x16A80];
	_ =	sdelay $0x4  }
0x391: {  	[tilespmem:v8+s2+$0x1AD00 ss:$0x1] =	vst.idx.msk $0xffff, v9  }
.LBB2_103:
0x392: {  	(v2sf) =	vpush v7, $0xD;
	_ =	sdelay $0xd  }
0x393: {  	s0 =	sadd.s32 s12, s14  }
0x394: {  	s2 =	ssub.s32 $0x3000, s0;
	s3 =	spop (v2sf)  }
0x395: {  	p0 =	slt.s32 s3, s2  }
0x396: {  	s2 =	smov.u32 @p0 s3  }
0x397: {  	s3 =	sadd.s32 $0xF, s2  }
0x398: {  	s5 =	sand.u32 $0xF, s3  }
0x399: {  	s19 =	sshra.s32 s3, $0x1F;
	p1 =	slt.s32 s3, $0x1;
	p6 =	sne.s32 s5, $0x0  }
0x39a: {  	s5 =	sshrl.u32 s19, $0x1C;
	p0 =	por !p1, !p6  }
0x39b: {  	s3 =	sadd.s32 s5, s3;
	s5 =	simm.s32 $0x1;
	p0 =	por !p0, !p0  }
0x39c: {  	s3 =	sshra.s32 s3, $0x4;
	s5 =	simm.s32 @!p0 $0x0  }
0x39d: {  	s5 =	ssub.s32 s3, s5  }
0x39e: {  	p0 =	slt.s32 s5, $0x1  }
.Ltmp61:
0x39f: {  	_ = 	snop;
	(pc) =	sbr.rel @p0 .LBB2_107-.Ltmp61, $1  }
0x3a0: {  	_ =	sdelay $0x3  }
0x3a1: {  	p0 =	sne.s32 s5, $0x1  }
.Ltmp62:
0x3a2: {  	_ = 	snop;
	(pc) =	sbr.rel @!p0 .LBB2_106-.Ltmp62, $4  }
0x3a3: {  	_ = 	snop  }
0x3a4: {  	s3 =	sadd.s32 s14, s15  }
0x3a5: {  	s6 =	sadd.s32 s13, s3;
	s3 =	simm.s32 $0x0  }
0x3a6: {  	v8 =	vmov s6;
	s7 =	sand.u32 $0xFFFFFFF0, s3;
	s6 =	sadd.s32 $0xFFFFFFFF, s5;
	s5 =	simm.s32 $0x0  }
.LBB2_105:
0x3a7: {  	p0 =	sne.s32 s6, $0x1;
	v9 =	vld [tilespmem:s7+$0x12E00];
	_ =	sdelay $0x4  }
0x3a8: {  	[tilespmem:v8+s3+$0x17B00 ss:$0x1] =	vst.idx.msk $0xffff, v9  }
0x3a9: {  	v9 =	vld [tilespmem:s7+$0x16E80]  }
.Ltmp63:
0x3aa: {  	(pc) =	sbr.rel @p0 .LBB2_105-.Ltmp63, $3  }
0x3ab: {  	_ =	sdelay $0x1  }
0x3ac: {  	s3 =	sadd.s32 $0x10, s3  }
0x3ad: {  	s6 =	sadd.s32 $0xFFFFFFFF, s6;
	s7 =	sand.u32 $0xFFFFFFF0, s3;
	[tilespmem:v8+s5+$0x1AD00 ss:$0x1] =	vst.idx.msk $0xffff, v9;
	s5 =	smov.u32 s3  }
.LBB2_106:
0x3ae: {  	v9 =	vld [tilespmem:s7+$0x12E00];
	_ =	sdelay $0x4  }
0x3af: {  	[tilespmem:v8+s3+$0x17B00 ss:$0x1] =	vst.idx.msk $0xffff, v9  }
0x3b0: {  	v9 =	vld [tilespmem:s7+$0x16E80];
	_ =	sdelay $0x4  }
0x3b1: {  	[tilespmem:v8+s5+$0x1AD00 ss:$0x1] =	vst.idx.msk $0xffff, v9  }
.LBB2_107:
0x3b2: {  	(v2sf) =	vpush v7, $0xE;
	_ =	sdelay $0xd  }
0x3b3: {  	s5 =	sadd.s32 s0, s2  }
0x3b4: {  	s3 =	ssub.s32 $0x3000, s5;
	s6 =	spop (v2sf)  }
0x3b5: {  	p0 =	slt.s32 s6, s3  }
0x3b6: {  	s3 =	smov.u32 @p0 s6  }
0x3b7: {  	s6 =	sadd.s32 $0xF, s3  }
0x3b8: {  	s7 =	sand.u32 $0xF, s6  }
0x3b9: {  	s19 =	sshra.s32 s6, $0x1F;
	p1 =	slt.s32 s6, $0x1;
	p6 =	sne.s32 s7, $0x0  }
0x3ba: {  	s7 =	sshrl.u32 s19, $0x1C;
	p0 =	por !p1, !p6  }
0x3bb: {  	s6 =	sadd.s32 s7, s6;
	s7 =	simm.s32 $0x1;
	p0 =	por !p0, !p0  }
0x3bc: {  	s6 =	sshra.s32 s6, $0x4;
	s7 =	simm.s32 @!p0 $0x0  }
0x3bd: {  	s7 =	ssub.s32 s6, s7  }
0x3be: {  	p0 =	slt.s32 s7, $0x1  }
.Ltmp64:
0x3bf: {  	_ = 	snop;
	(pc) =	sbr.rel @p0 .LBB2_111-.Ltmp64, $1  }
0x3c0: {  	_ =	sdelay $0x3  }
0x3c1: {  	p0 =	sne.s32 s7, $0x1  }
.Ltmp65:
0x3c2: {  	_ = 	snop;
	(pc) =	sbr.rel @!p0 .LBB2_110-.Ltmp65, $4  }
0x3c3: {  	_ = 	snop  }
0x3c4: {  	s6 =	sadd.s32 s2, s14  }
0x3c5: {  	s8 =	sadd.s32 s12, s6;
	s6 =	simm.s32 $0x0  }
0x3c6: {  	v8 =	vmov s8;
	s9 =	sand.u32 $0xFFFFFFF0, s6;
	s8 =	sadd.s32 $0xFFFFFFFF, s7;
	s7 =	simm.s32 $0x0  }
.LBB2_109:
0x3c7: {  	p0 =	sne.s32 s8, $0x1;
	v9 =	vld [tilespmem:s9+$0x13200];
	_ =	sdelay $0x4  }
0x3c8: {  	[tilespmem:v8+s6+$0x17B00 ss:$0x1] =	vst.idx.msk $0xffff, v9  }
0x3c9: {  	v9 =	vld [tilespmem:s9+$0x17280]  }
.Ltmp66:
0x3ca: {  	(pc) =	sbr.rel @p0 .LBB2_109-.Ltmp66, $3  }
0x3cb: {  	_ =	sdelay $0x1  }
0x3cc: {  	s6 =	sadd.s32 $0x10, s6  }
0x3cd: {  	s8 =	sadd.s32 $0xFFFFFFFF, s8;
	s9 =	sand.u32 $0xFFFFFFF0, s6;
	[tilespmem:v8+s7+$0x1AD00 ss:$0x1] =	vst.idx.msk $0xffff, v9;
	s7 =	smov.u32 s6  }
.LBB2_110:
0x3ce: {  	v9 =	vld [tilespmem:s9+$0x13200];
	_ =	sdelay $0x4  }
0x3cf: {  	[tilespmem:v8+s6+$0x17B00 ss:$0x1] =	vst.idx.msk $0xffff, v9  }
0x3d0: {  	v9 =	vld [tilespmem:s9+$0x17280];
	_ =	sdelay $0x4  }
0x3d1: {  	[tilespmem:v8+s7+$0x1AD00 ss:$0x1] =	vst.idx.msk $0xffff, v9  }
.LBB2_111:
0x3d2: {  	(v2sf) =	vpush v7, $0xF;
	_ =	sdelay $0xd  }
0x3d3: {  	s5 =	sadd.s32 s5, s3  }
0x3d4: {  	s6 =	ssub.s32 $0x3000, s5;
	s7 =	spop (v2sf)  }
0x3d5: {  	p0 =	slt.s32 s7, s6  }
0x3d6: {  	s6 =	smov.u32 @p0 s7  }
0x3d7: {  	s7 =	sadd.s32 $0xF, s6  }
0x3d8: {  	s8 =	sand.u32 $0xF, s7  }
0x3d9: {  	s19 =	sshra.s32 s7, $0x1F;
	p1 =	slt.s32 s7, $0x1;
	p6 =	sne.s32 s8, $0x0  }
0x3da: {  	s8 =	sshrl.u32 s19, $0x1C;
	p0 =	por !p1, !p6  }
0x3db: {  	s7 =	sadd.s32 s8, s7;
	s8 =	simm.s32 $0x1;
	p0 =	por !p0, !p0  }
0x3dc: {  	s7 =	sshra.s32 s7, $0x4;
	s8 =	simm.s32 @!p0 $0x0  }
0x3dd: {  	s8 =	ssub.s32 s7, s8  }
0x3de: {  	p0 =	slt.s32 s8, $0x1  }
.Ltmp67:
0x3df: {  	_ = 	snop;
	(pc) =	sbr.rel @p0 .LBB2_115-.Ltmp67, $1  }
0x3e0: {  	_ =	sdelay $0x3  }
0x3e1: {  	p0 =	sne.s32 s8, $0x1  }
.Ltmp68:
0x3e2: {  	_ = 	snop;
	(pc) =	sbr.rel @!p0 .LBB2_114-.Ltmp68, $4  }
0x3e3: {  	_ = 	snop  }
0x3e4: {  	s2 =	sadd.s32 s3, s2  }
0x3e5: {  	s2 =	sadd.s32 s0, s2;
	s0 =	simm.s32 $0x0  }
0x3e6: {  	s3 =	sadd.s32 $0xFFFFFFFF, s8;
	v7 =	vmov s2;
	s7 =	sand.u32 $0xFFFFFFF0, s0;
	s2 =	simm.s32 $0x0  }
.LBB2_113:
0x3e7: {  	p0 =	sne.s32 s3, $0x1;
	v8 =	vld [tilespmem:s7+$0x13600];
	_ =	sdelay $0x4  }
0x3e8: {  	[tilespmem:v7+s0+$0x17B00 ss:$0x1] =	vst.idx.msk $0xffff, v8  }
0x3e9: {  	v8 =	vld [tilespmem:s7+$0x17680]  }
.Ltmp69:
0x3ea: {  	(pc) =	sbr.rel @p0 .LBB2_113-.Ltmp69, $3  }
0x3eb: {  	_ =	sdelay $0x1  }
0x3ec: {  	s0 =	sadd.s32 $0x10, s0  }
0x3ed: {  	s3 =	sadd.s32 $0xFFFFFFFF, s3;
	s7 =	sand.u32 $0xFFFFFFF0, s0;
	[tilespmem:v7+s2+$0x1AD00 ss:$0x1] =	vst.idx.msk $0xffff, v8;
	s2 =	smov.u32 s0  }
.Ltmp70:
0x3ee: {  	_ = 	snop;
	(pc) =	sbr.rel .LBB2_114-.Ltmp70, $1  }
0x3ef: {  	_ =	sdelay $0x3  }
.LBB2_23:
.Ltmp71:
0x3f0: {  	(pc) =	sbr.rel .LBB2_27-.Ltmp71, $2  }
0x3f1: {  	_ =	sdelay $0x2  }
0x3f2: {  	s6 =	simm.s32 $0x17B00;
	s8 =	simm.s32 $0x13A80;
	s7 =	simm.s32 $0x1AD00  }
.LBB2_30:
.Ltmp72:
0x3f3: {  	(pc) =	sbr.rel .LBB2_34-.Ltmp72, $2  }
0x3f4: {  	_ =	sdelay $0x2  }
0x3f5: {  	s8 =	smov.u32 s3;
	s7 =	smov.u32 s0  }
.LBB2_37:
.Ltmp73:
0x3f6: {  	(pc) =	sbr.rel .LBB2_41-.Ltmp73, $2  }
0x3f7: {  	_ =	sdelay $0x2  }
0x3f8: {  	s10 =	smov.u32 s7;
	s9 =	smov.u32 s3  }
.LBB2_44:
.Ltmp74:
0x3f9: {  	(pc) =	sbr.rel .LBB2_48-.Ltmp74, $2  }
0x3fa: {  	_ =	sdelay $0x2  }
0x3fb: {  	s11 =	smov.u32 s8;
	s10 =	smov.u32 s3  }
.LBB2_51:
.Ltmp75:
0x3fc: {  	(pc) =	sbr.rel .LBB2_55-.Ltmp75, $2  }
0x3fd: {  	_ =	sdelay $0x2  }
0x3fe: {  	s12 =	smov.u32 s9;
	s11 =	smov.u32 s3  }
.LBB2_58:
.Ltmp76:
0x3ff: {  	(pc) =	sbr.rel .LBB2_62-.Ltmp76, $2  }
0x400: {  	_ =	sdelay $0x2  }
0x401: {  	s13 =	smov.u32 s10;
	s12 =	smov.u32 s9  }
.LBB2_65:
.Ltmp77:
0x402: {  	(pc) =	sbr.rel .LBB2_69-.Ltmp77, $2  }
0x403: {  	_ =	sdelay $0x2  }
0x404: {  	s14 =	smov.u32 s11;
	s13 =	smov.u32 s10  }
.LBB2_72:
.Ltmp78:
0x405: {  	(pc) =	sbr.rel .LBB2_76-.Ltmp78, $2  }
0x406: {  	_ =	sdelay $0x2  }
0x407: {  	s15 =	smov.u32 s12;
	s14 =	smov.u32 s11  }
.LBB2_79:
.Ltmp79:
0x408: {  	(pc) =	sbr.rel .LBB2_83-.Ltmp79, $2  }
0x409: {  	_ =	sdelay $0x2  }
0x40a: {  	s16 =	smov.u32 s13;
	s15 =	smov.u32 s12  }
.LBB2_86:
.Ltmp80:
0x40b: {  	(pc) =	sbr.rel .LBB2_90-.Ltmp80, $2  }
0x40c: {  	_ =	sdelay $0x2  }
0x40d: {  	s14 =	smov.u32 s17;
	s16 =	smov.u32 s13  }
.LBB2_25:
.Ltmp81:
0x40e: {  	(pc) =	sbr.rel .LBB2_27-.Ltmp81, $2  }
0x40f: {  	_ =	sdelay $0x2  }
0x410: {  	s6 =	simm.s32 $0x17B00;
	s8 =	simm.s32 $0x13A80;
	s7 =	simm.s32 $0x1AD00  }
.LBB2_32:
.Ltmp82:
0x411: {  	(pc) =	sbr.rel .LBB2_34-.Ltmp82, $2  }
0x412: {  	_ =	sdelay $0x2  }
0x413: {  	s8 =	smov.u32 s3;
	s7 =	smov.u32 s0  }
.LBB2_39:
.Ltmp83:
0x414: {  	(pc) =	sbr.rel .LBB2_41-.Ltmp83, $2  }
0x415: {  	_ =	sdelay $0x2  }
0x416: {  	s10 =	smov.u32 s7;
	s9 =	smov.u32 s3  }
.LBB2_46:
.Ltmp84:
0x417: {  	(pc) =	sbr.rel .LBB2_48-.Ltmp84, $2  }
0x418: {  	_ =	sdelay $0x2  }
0x419: {  	s11 =	smov.u32 s8;
	s10 =	smov.u32 s3  }
.LBB2_53:
.Ltmp85:
0x41a: {  	(pc) =	sbr.rel .LBB2_55-.Ltmp85, $2  }
0x41b: {  	_ =	sdelay $0x2  }
0x41c: {  	s12 =	smov.u32 s9;
	s11 =	smov.u32 s3  }
.LBB2_60:
.Ltmp86:
0x41d: {  	(pc) =	sbr.rel .LBB2_62-.Ltmp86, $2  }
0x41e: {  	_ =	sdelay $0x2  }
0x41f: {  	s13 =	smov.u32 s10;
	s12 =	smov.u32 s9  }
.LBB2_67:
.Ltmp87:
0x420: {  	(pc) =	sbr.rel .LBB2_69-.Ltmp87, $2  }
0x421: {  	_ =	sdelay $0x2  }
0x422: {  	s14 =	smov.u32 s11;
	s13 =	smov.u32 s10  }
.LBB2_74:
.Ltmp88:
0x423: {  	(pc) =	sbr.rel .LBB2_76-.Ltmp88, $2  }
0x424: {  	_ =	sdelay $0x2  }
0x425: {  	s15 =	smov.u32 s12;
	s14 =	smov.u32 s11  }
.LBB2_81:
.Ltmp89:
0x426: {  	(pc) =	sbr.rel .LBB2_83-.Ltmp89, $2  }
0x427: {  	_ =	sdelay $0x2  }
0x428: {  	s16 =	smov.u32 s13;
	s15 =	smov.u32 s12  }
.LBB2_88:
.Ltmp90:
0x429: {  	(pc) =	sbr.rel .LBB2_90-.Ltmp90, $2  }
0x42a: {  	_ =	sdelay $0x2  }
0x42b: {  	s14 =	smov.u32 s17;
	s16 =	smov.u32 s13  }
.LBB2_116:
0x42c: {  	_ =	sfence.sel $0x180000  }
0x42d: {  	[bflag:$0x0] =	sbarrier.arrive $0xFFFF  }
0x42e: {  	_ =	strace $0x90000047  }
0x42f: {  	s0 =	stileid.u32;
	[bflag:$0x2] =	sbarrier.arrive $0xFFFF  }
0x430: {  	p0 =	sne.s32 s0, $0x0;
	s0 =	rddreg [dreg:$0x5]  }
0x431: {  	s0 =	sadd.s32 @!p0 $0x100000, s0  }
0x432: {  	[sflag:s0] =	ssyncadd.tile.s32 @!p0 $0x1;
	_ =	shalt  }
.Lfunc_end2:
_tile_overlayer_lowered:
.L_overlay_start_2:
0x433: {  	(tag) =	ssettag $0x2  }
0x434: {  	s0 =	rddreg [dreg:$0x0];
	s2 =	stileid.u32  }
0x435: {  	s1 =	rddreg [dreg:$0x1];
	p0 =	sne.s32 s2, $0x0  }
0x436: {  	s3 =	rddreg [dreg:$0x2];
	[bflag:$0x3] =	sbarrier.arrive $0xFFFF;
	s2 =	simm.s32 @!p0 $0x1C01  }
0x437: {  	[timem:s3], [sflag:s2] =	dma.local @!p0 [hbm:s0], s1  }
0x438: {  	s0 =	simm.s32 @!p0 $0x1  }
0x439: {  	_ =	swait.ge @!p0 [sflag:s0], s1  }
0x43a: {  	s1 =	ssub.s32 @!p0 $0x0, s1;
	[sflag:s0] =	ssyncset.done @!p0 $0x0  }
0x43b: {  	[sflag:s0] =	ssyncadd.s32 @!p0 s1  }
0x43c: {  	[bflag:$0x3] =	sbarrier.arrive $0xFFFF  }
0x43d: {  	_ =	shalt  }

</sc_bundles>
